<compile_context>
chip_gen: v7x
topology: tpu7x:2x2x1
jax: 0.10.2.dev20260603
libtpu: 0.0.44.dev20260713+nightly
codegen_flags: <defaults>
</compile_context>

<pallas_src>
import functools

import jax
import jax.numpy as jnp
from jax import lax
from jax.experimental import pallas as pl
from jax.experimental.pallas import tpu as pltpu
from jax.experimental.pallas import tpu_sc as plsc

NC = 2
NS = 16
NW = NC * NS
B = 128

_mesh = plsc.VectorSubcoreMesh(core_axis_name="c", subcore_axis_name="s")


def _ceil_to(a, m):
  return -(-a // m) * m




def _make_deg_kernel(n_acc, k):

  @functools.partial(
      pl.kernel,
      out_type=jax.ShapeDtypeStruct((NC, n_acc, 16), jnp.float32),
      mesh=_mesh,
      scratch_types=[
          pltpu.VMEM((k, B), jnp.int32),
          pltpu.VMEM((B, 16), jnp.float32),
          pltpu.VMEM((B, 16), jnp.float32),
          pltpu.VMEM_SHARED((n_acc, 16), jnp.float32),
      ],
  )
  def deg_kernel(col_hbm, ones_hbm, zeros_hbm, out_hbm, col_v, ones_v, zbuf_v,
                 acc_sh):
    cid = lax.axis_index("c")
    sid = lax.axis_index("s")
    wid = cid * NS + sid
    seg = n_acc // NS
    nchunk = seg // B

    pltpu.sync_copy(zeros_hbm, zbuf_v)
    def zbody(j, _):
      pltpu.sync_copy(zbuf_v, acc_sh.at[pl.ds(sid * seg + j * B, B)])
      return 0
    lax.fori_loop(0, nchunk, zbody, 0)
    pltpu.sync_copy(ones_hbm, ones_v)
    pltpu.sync_copy(col_hbm.at[wid], col_v)
    plsc.subcore_barrier()

    def body(j, _):
      pltpu.sync_copy(ones_v, acc_sh.at[col_v.at[j]], add=True)
      return 0
    lax.fori_loop(0, k, body, 0)
    plsc.subcore_barrier()

    def obody(j, _):
      r0 = sid * seg + j * B
      pltpu.sync_copy(acc_sh.at[pl.ds(r0, B)], zbuf_v)
      pltpu.sync_copy(zbuf_v, out_hbm.at[cid, pl.ds(r0, B)])
      return 0
    lax.fori_loop(0, nchunk, obody, 0)

  return deg_kernel


def _make_aggr_kernel(n, n_acc, k):

  @functools.partial(
      pl.kernel,
      out_type=jax.ShapeDtypeStruct((NC, n_acc, 128), jnp.float32),
      mesh=_mesh,
      scratch_types=[
          pltpu.VMEM((k, B), jnp.int32),
          pltpu.VMEM((2, B), jnp.int32),
          pltpu.VMEM((2, B), jnp.int32),
          pltpu.VMEM((B, 128), jnp.float32),
          pltpu.VMEM((B, 128), jnp.float32),
          pltpu.VMEM_SHARED((n_acc, 128), jnp.float32),
          pltpu.SemaphoreType.DMA,
          pltpu.SemaphoreType.DMA,
          pltpu.SemaphoreType.DMA,
          pltpu.SemaphoreType.DMA,
      ],
  )
  def aggr_kernel(y_hbm, pk_hbm, zeros_hbm, out_hbm,
                  pk_v, row_r, col_r, fb0, fb1, acc_sh, g0, g1, s0, s1):
    cid = lax.axis_index("c")
    sid = lax.axis_index("s")
    wid = cid * NS + sid
    seg = n_acc // NS
    nchunk = seg // B
    fbufs = (fb0, fb1)
    gsems = (g0, g1)
    ssems = (s0, s1)

    pltpu.sync_copy(zeros_hbm, fb0)
    def zbody(j, _):
      pltpu.sync_copy(fb0, acc_sh.at[pl.ds(sid * seg + j * B, B)])
      return 0
    lax.fori_loop(0, nchunk, zbody, 0)
    pltpu.sync_copy(pk_hbm.at[wid], pk_v)
    plsc.subcore_barrier()

    def ext(j, p):
      for t in range(8):
        v = pk_v[j, pl.ds(t * 16, 16)]
        row_r[p, pl.ds(t * 16, 16)] = lax.shift_right_logical(v, 16)
        col_r[p, pl.ds(t * 16, 16)] = lax.bitwise_and(v, 0xFFFF)

    def gather_start(j, p):
      return pltpu.async_copy(y_hbm.at[row_r.at[p]], fbufs[p], gsems[p])

    def gather_wait(p):
      pltpu.make_async_copy(y_hbm.at[row_r.at[p]], fbufs[p], gsems[p]).wait()

    def scat_start(p):
      return pltpu.async_copy(
          fbufs[p], acc_sh.at[col_r.at[p]], ssems[p], add=True)

    def scat_wait(p):
      pltpu.make_async_copy(fbufs[p], acc_sh.at[col_r.at[p]], ssems[p]).wait()

    ext(0, 0)
    gather_start(0, 0)

    def pair(i, _):
      j0 = 2 * i
      j1 = j0 + 1

      @pl.when(i > 0)
      def _():
        scat_wait(1)
      ext(j1, 1)
      gather_start(j1, 1)
      gather_wait(0)
      scat_start(0)

      @pl.when(i < k // 2 - 1)
      def _():
        scat_wait(0)
        ext(j0 + 2, 0)
        gather_start(j0 + 2, 0)
      gather_wait(1)
      scat_start(1)
      return 0

    lax.fori_loop(0, k // 2, pair, 0)
    scat_wait(0)
    scat_wait(1)
    plsc.subcore_barrier()

    def obody(j, _):
      r0 = sid * seg + j * B
      pltpu.sync_copy(acc_sh.at[pl.ds(r0, B)], fb0)
      pltpu.sync_copy(fb0, out_hbm.at[cid, pl.ds(r0, B)])
      return 0
    lax.fori_loop(0, nchunk, obody, 0)

  return aggr_kernel




def _dis_from_parts(dp):
  deg = dp[0, :, 0:1] + dp[1, :, 0:1] + 1.0
  return lax.rsqrt(deg)


def _stage1_body(x_ref, w1_ref, dp_ref, y_ref, xw_ref):
  dis = _dis_from_parts(dp_ref[...])
  xw = jnp.dot(x_ref[...], w1_ref[...], preferred_element_type=jnp.float32)
  xw_ref[...] = xw
  y_ref[...] = xw * dis


def _stage2_body(s_ref, xw_ref, dp_ref, w_ref, b_ref, y_ref, xw2_ref):
  dis = _dis_from_parts(dp_ref[...])
  s = s_ref[0] + s_ref[1]
  h = jnp.maximum(dis * s + (dis * dis) * xw_ref[...] + b_ref[...], 0.0)
  xw2 = jnp.dot(h, w_ref[...], preferred_element_type=jnp.float32)
  xw2_ref[...] = xw2
  y_ref[...] = xw2 * dis


def _stage3_body(s_ref, xw_ref, dp_ref, b_ref, wm_ref, bm_ref, o_ref):
  dis = _dis_from_parts(dp_ref[...])
  s = s_ref[0] + s_ref[1]
  h = jnp.maximum(dis * s + (dis * dis) * xw_ref[...] + b_ref[...], 0.0)
  o_ref[...] = jnp.dot(h, wm_ref[...],
                       preferred_element_type=jnp.float32) + bm_ref[...]


def _node_spec(bn):
  return pl.BlockSpec((bn, 128), lambda i: (i, 0))


def _part_spec(bn, w):
  return pl.BlockSpec((NC, bn, w), lambda i: (0, i, 0))


def _full_spec(shape):
  return pl.BlockSpec(shape, lambda i: tuple(0 for _ in shape))




def kernel(x, edge_index, W1, b1, W2, b2, Wm, bm):
  n, d = x.shape
  e = edge_index.shape[1]
  k = _ceil_to(-(-e // (NW * B)), 2)
  e_pad = NW * B * k
  n_acc = _ceil_to(n + 1, NS * B)

  row = jnp.concatenate(
      [edge_index[0], jnp.zeros((e_pad - e,), jnp.int32)]).reshape(NW, k, B)
  col = jnp.concatenate(
      [edge_index[1], jnp.full((e_pad - e,), n, jnp.int32)]).reshape(NW, k, B)
  packed = jnp.bitwise_or(jnp.left_shift(row, 16), col)

  ones16 = jnp.ones((B, 16), jnp.float32)
  zeros16 = jnp.zeros((B, 16), jnp.float32)
  zeros128 = jnp.zeros((B, 128), jnp.float32)
  b1r = b1.reshape(1, 128)
  b2r = b2.reshape(1, 128)
  bmr = bm.reshape(1, 128)

  deg_parts = _make_deg_kernel(n_acc, k)(col, ones16, zeros16)
  aggr = _make_aggr_kernel(n, n_acc, k)

  bn = 1000
  grid = n // bn

  y1, xw1 = pl.pallas_call(
      _stage1_body,
      grid=(grid,),
      in_specs=[_node_spec(bn), _full_spec((128, 128)), _part_spec(bn, 16)],
      out_specs=[_node_spec(bn), _node_spec(bn)],
      out_shape=[jax.ShapeDtypeStruct((n, 128), jnp.float32)] * 2,
  )(x, W1, deg_parts)

  s1 = aggr(y1, packed, zeros128)

  y2, xw2 = pl.pallas_call(
      _stage2_body,
      grid=(grid,),
      in_specs=[_part_spec(bn, 128), _node_spec(bn), _part_spec(bn, 16),
                _full_spec((128, 128)), _full_spec((1, 128))],
      out_specs=[_node_spec(bn), _node_spec(bn)],
      out_shape=[jax.ShapeDtypeStruct((n, 128), jnp.float32)] * 2,
  )(s1, xw1, deg_parts, W2, b1r)

  s2 = aggr(y2, packed, zeros128)

  out = pl.pallas_call(
      _stage3_body,
      grid=(grid,),
      in_specs=[_part_spec(bn, 128), _node_spec(bn), _part_spec(bn, 16),
                _full_spec((1, 128)), _full_spec((128, 128)),
                _full_spec((1, 128))],
      out_specs=_node_spec(bn),
      out_shape=jax.ShapeDtypeStruct((n, 128), jnp.float32),
  )(s2, xw2, deg_parts, b2r, Wm, bmr)

  return out

# --- scband reference (transcript-rebuilt; emitter-appended) ---
"""Pipeline reference for scband-gnncomplete-52312701665407 (READ-ONLY COPY).

The authoritative reference and input builder live on the scoring server;
editing this copy changes nothing except your own understanding.
"""

import jax, jax.numpy as jnp
import numpy as np

N_NODES = 10000
N_EDGES = 320000
D_FEAT = 128
D_HID = 128
D_OUT = 128


def setup_inputs(seed: int = 0) -> dict:
    key = jax.random.key(seed)
    ks = [jax.random.fold_in(key, i) for i in range(8)]
    x = jax.random.normal(ks[0], (N_NODES, D_FEAT), dtype=jnp.float32)
    edge_index = jax.random.randint(ks[1], (2, N_EDGES), 0, N_NODES, dtype=jnp.int32)
    s1 = 1.0 / np.sqrt(D_FEAT)
    s2 = 1.0 / np.sqrt(D_HID)
    W1 = jax.random.normal(ks[2], (D_FEAT, D_HID), dtype=jnp.float32) * s1
    b1 = jnp.zeros((D_HID,), dtype=jnp.float32)
    W2 = jax.random.normal(ks[3], (D_HID, D_HID), dtype=jnp.float32) * s2
    b2 = jnp.zeros((D_HID,), dtype=jnp.float32)
    Wm = jax.random.normal(ks[4], (D_HID, D_OUT), dtype=jnp.float32) * s2
    bm = jnp.zeros((D_OUT,), dtype=jnp.float32)
    return {"x": x, "edge_index": edge_index, "W1": W1, "b1": b1, "W2": W2, "b2": b2, "Wm": Wm, "bm": bm}


def _gcn_conv(x, edge_index, W, b):
    # PyG GCNConv: add self-loops, symmetric normalization, linear, scatter-add aggregate, bias.
    N = x.shape[0]
    loop = jnp.arange(N, dtype=edge_index.dtype)
    row = jnp.concatenate([edge_index[0], loop])
    col = jnp.concatenate([edge_index[1], loop])
    deg = jnp.zeros((N,), dtype=x.dtype).at[col].add(1.0)
    deg_inv_sqrt = jnp.where(deg > 0, 1.0 / jnp.sqrt(deg), 0.0)
    norm = deg_inv_sqrt[row] * deg_inv_sqrt[col]
    xw = x @ W
    msg = xw[row] * norm[:, None]
    out = jnp.zeros((N, W.shape[1]), dtype=x.dtype).at[col].add(msg)
    return out + b


def reference(x, edge_index, W1, b1, W2, b2, Wm, bm):
    h = jax.nn.relu(_gcn_conv(x, edge_index, W1, b1))
    h = jax.nn.relu(_gcn_conv(h, edge_index, W2, b2))
    return h @ Wm + bm

if __name__ == "__main__":
    import jax
    _d = setup_inputs()
    print(jax.jit(kernel)(*tuple(_d.values())))

</pallas_src>

<mosaic_0001>
#map = affine_map<(d0, d1) -> (0, 0, 0)>
#map1 = affine_map<(d0, d1) -> (0, 0)>
module attributes {stable_mosaic.version = 14 : i64} {
  func.func @deg_kernel(%arg0: i32, %arg1: i32, %arg2: memref<32x80x128xi32, #tpu.memory_space<hbm>>, %arg3: memref<128x16xf32, #tpu.memory_space<hbm>>, %arg4: memref<128x16xf32, #tpu.memory_space<hbm>>, %arg5: memref<2x10240x16xf32, #tpu.memory_space<hbm>>, %arg6: memref<80x128xi32, #tpu.memory_space<vmem>>, %arg7: memref<128x16xf32, #tpu.memory_space<vmem>>, %arg8: memref<128x16xf32, #tpu.memory_space<vmem>>, %arg9: memref<10240x16xf32, #tpu.memory_space<vmem_shared>>) attributes {dimension_semantics = [#tpu.dimension_semantics<core_parallel>, #tpu.dimension_semantics<subcore_parallel>], iteration_bounds = array<i64: 2, 16>, scalar_prefetch = 0 : i64, scratch_operands = 4 : i64, tpu.core_type = #tpu.core_type<sc_vector_subcore>, window_params = [{transform_indices = #map}, {transform_indices = #map1}, {transform_indices = #map1}, {transform_indices = #map}]} {
    %mul3A = arith.constant 16 : i32
    %mul3A_0 = arith.muli %arg0, %mul3A : i32
    %add3A = arith.addi %mul3A_0, %arg1 : i32
    "tpu.region"() ({
      %run_scoped3A = tpu.sem_alloc : memref<!tpu.dma_semaphore, #tpu.memory_space<semaphore_mem>>
      tpu.enqueue_dma source(%arg4 : memref<128x16xf32, #tpu.memory_space<hbm>>) target(%arg8 : memref<128x16xf32, #tpu.memory_space<vmem>>) target_semaphore(%run_scoped3A : memref<!tpu.dma_semaphore, #tpu.memory_space<semaphore_mem>>)
      tpu.wait_dma2 semaphore(%run_scoped3A : memref<!tpu.dma_semaphore, #tpu.memory_space<semaphore_mem>>) src(%arg4 : memref<128x16xf32, #tpu.memory_space<hbm>>) dst(%arg8 : memref<128x16xf32, #tpu.memory_space<vmem>>)
      tpu.yield
    }) : () -> ()
    %scan3A = arith.constant 0 : i32
    %scan3A_1 = arith.constant 0 : i32
    %scan3A_2 = arith.constant 5 : i32
    %scan3A_3 = arith.addi %scan3A_1, %scan3A_2 : i32
    %scan3A_4 = arith.constant 1 : i32
    %scan3A_5 = scf.for %scan3A_22 = %scan3A_1 to %scan3A_3 step %scan3A_4 iter_args(%scan3A_23 = %scan3A) -> (i32)  : i32 {
      %mul3A_24 = arith.constant 640 : i32
      %mul3A_25 = arith.muli %arg1, %mul3A_24 : i32
      %mul3A_26 = arith.constant 128 : i32
      %mul3A_27 = arith.muli %scan3A_22, %mul3A_26 : i32
      %add3A_28 = arith.addi %mul3A_25, %mul3A_27 : i32
      "tpu.region"() ({
        %run_scoped3A = tpu.sem_alloc : memref<!tpu.dma_semaphore, #tpu.memory_space<semaphore_mem>>
        %dma_start3A = arith.constant 0 : i32
        %dma_start3A_30 = tpu.memref_slice %arg9[%add3A_28, %dma_start3A] : memref<10240x16xf32, #tpu.memory_space<vmem_shared>> -> memref<128x16xf32, #tpu.memory_space<vmem_shared>>
        %dma_start3A_31 = arith.constant 0 : i32
        %dma_start3A_32 = tpu.memref_slice %arg9[%add3A_28, %dma_start3A_31] : memref<10240x16xf32, #tpu.memory_space<vmem_shared>> -> memref<128x16xf32, #tpu.memory_space<vmem_shared>>
        tpu.enqueue_dma source(%arg8 : memref<128x16xf32, #tpu.memory_space<vmem>>) target(%dma_start3A_32 : memref<128x16xf32, #tpu.memory_space<vmem_shared>>) target_semaphore(%run_scoped3A : memref<!tpu.dma_semaphore, #tpu.memory_space<semaphore_mem>>)
        %dma_wait3A = arith.constant 0 : i32
        %dma_wait3A_33 = tpu.memref_slice %arg9[%add3A_28, %dma_wait3A] : memref<10240x16xf32, #tpu.memory_space<vmem_shared>> -> memref<128x16xf32, #tpu.memory_space<vmem_shared>>
        %dma_wait3A_34 = arith.constant 0 : i32
        %dma_wait3A_35 = tpu.memref_slice %arg9[%add3A_28, %dma_wait3A_34] : memref<10240x16xf32, #tpu.memory_space<vmem_shared>> -> memref<128x16xf32, #tpu.memory_space<vmem_shared>>
        tpu.wait_dma2 semaphore(%run_scoped3A : memref<!tpu.dma_semaphore, #tpu.memory_space<semaphore_mem>>) src(%arg8 : memref<128x16xf32, #tpu.memory_space<vmem>>) dst(%dma_wait3A_35 : memref<128x16xf32, #tpu.memory_space<vmem_shared>>)
        tpu.yield
      }) : () -> ()
      %scan3A_29 = arith.constant 0 : i32
      scf.yield %scan3A_29 : i32
    }
    %scan3A_6 = arith.constant 5 : i32
    "tpu.region"() ({
      %run_scoped3A = tpu.sem_alloc : memref<!tpu.dma_semaphore, #tpu.memory_space<semaphore_mem>>
      tpu.enqueue_dma source(%arg3 : memref<128x16xf32, #tpu.memory_space<hbm>>) target(%arg7 : memref<128x16xf32, #tpu.memory_space<vmem>>) target_semaphore(%run_scoped3A : memref<!tpu.dma_semaphore, #tpu.memory_space<semaphore_mem>>)
      tpu.wait_dma2 semaphore(%run_scoped3A : memref<!tpu.dma_semaphore, #tpu.memory_space<semaphore_mem>>) src(%arg3 : memref<128x16xf32, #tpu.memory_space<hbm>>) dst(%arg7 : memref<128x16xf32, #tpu.memory_space<vmem>>)
      tpu.yield
    }) : () -> ()
    "tpu.region"() ({
      %run_scoped3A = tpu.sem_alloc : memref<!tpu.dma_semaphore, #tpu.memory_space<semaphore_mem>>
      %dma_start3A = arith.constant 0 : i32
      %dma_start3A_22 = arith.constant 0 : i32
      %dma_start3A_23 = tpu.memref_slice %arg2[%add3A, %dma_start3A, %dma_start3A_22] : memref<32x80x128xi32, #tpu.memory_space<hbm>> -> memref<1x80x128xi32, #tpu.memory_space<hbm>>
      %dma_start3A_24 = tpu.memref_squeeze %dma_start3A_23 : memref<1x80x128xi32, #tpu.memory_space<hbm>> -> memref<80x128xi32, #tpu.memory_space<hbm>>
      %dma_start3A_25 = arith.constant 0 : i32
      %dma_start3A_26 = arith.constant 0 : i32
      %dma_start3A_27 = tpu.memref_slice %arg2[%add3A, %dma_start3A_25, %dma_start3A_26] : memref<32x80x128xi32, #tpu.memory_space<hbm>> -> memref<1x80x128xi32, #tpu.memory_space<hbm>>
      %dma_start3A_28 = tpu.memref_squeeze %dma_start3A_27 : memref<1x80x128xi32, #tpu.memory_space<hbm>> -> memref<80x128xi32, #tpu.memory_space<hbm>>
      tpu.enqueue_dma source(%dma_start3A_28 : memref<80x128xi32, #tpu.memory_space<hbm>>) target(%arg6 : memref<80x128xi32, #tpu.memory_space<vmem>>) target_semaphore(%run_scoped3A : memref<!tpu.dma_semaphore, #tpu.memory_space<semaphore_mem>>)
      %dma_wait3A = arith.constant 0 : i32
      %dma_wait3A_29 = arith.constant 0 : i32
      %dma_wait3A_30 = tpu.memref_slice %arg2[%add3A, %dma_wait3A, %dma_wait3A_29] : memref<32x80x128xi32, #tpu.memory_space<hbm>> -> memref<1x80x128xi32, #tpu.memory_space<hbm>>
      %dma_wait3A_31 = tpu.memref_squeeze %dma_wait3A_30 : memref<1x80x128xi32, #tpu.memory_space<hbm>> -> memref<80x128xi32, #tpu.memory_space<hbm>>
      %dma_wait3A_32 = arith.constant 0 : i32
      %dma_wait3A_33 = arith.constant 0 : i32
      %dma_wait3A_34 = tpu.memref_slice %arg2[%add3A, %dma_wait3A_32, %dma_wait3A_33] : memref<32x80x128xi32, #tpu.memory_space<hbm>> -> memref<1x80x128xi32, #tpu.memory_space<hbm>>
      %dma_wait3A_35 = tpu.memref_squeeze %dma_wait3A_34 : memref<1x80x128xi32, #tpu.memory_space<hbm>> -> memref<80x128xi32, #tpu.memory_space<hbm>>
      tpu.wait_dma2 semaphore(%run_scoped3A : memref<!tpu.dma_semaphore, #tpu.memory_space<semaphore_mem>>) src(%dma_wait3A_35 : memref<80x128xi32, #tpu.memory_space<hbm>>) dst(%arg6 : memref<80x128xi32, #tpu.memory_space<vmem>>)
      tpu.yield
    }) : () -> ()
    %barrier3A = arith.constant 0 : index
    tpu.barrier barrier_id(%barrier3A)
    %scan3A_7 = arith.constant 0 : i32
    %scan3A_8 = arith.constant 0 : i32
    %scan3A_9 = arith.constant 80 : i32
    %scan3A_10 = arith.addi %scan3A_8, %scan3A_9 : i32
    %scan3A_11 = arith.constant 1 : i32
    %scan3A_12 = scf.for %scan3A_22 = %scan3A_8 to %scan3A_10 step %scan3A_11 iter_args(%scan3A_23 = %scan3A_7) -> (i32)  : i32 {
      "tpu.region"() ({
        %run_scoped3A = tpu.sem_alloc : memref<!tpu.dma_semaphore, #tpu.memory_space<semaphore_mem>>
        %dma_start3A = arith.constant 0 : i32
        %dma_start3A_25 = tpu.memref_slice %arg6[%scan3A_22, %dma_start3A] : memref<80x128xi32, #tpu.memory_space<vmem>> -> memref<1x128xi32, #tpu.memory_space<vmem>>
        %dma_start3A_26 = tpu.memref_squeeze %dma_start3A_25 : memref<1x128xi32, #tpu.memory_space<vmem>> -> memref<128xi32, #tpu.memory_space<vmem>>
        %dma_start3A_27 = arith.constant 0 : i32
        %dma_start3A_28 = arith.constant 0 : i32
        %dma_start3A_29 = tpu.memref_slice %arg9[%dma_start3A_27, %dma_start3A_28] : memref<10240x16xf32, #tpu.memory_space<vmem_shared>> -> memref<10240x16xf32, #tpu.memory_space<vmem_shared>>
        tpu.enqueue_indirect_dma source(%arg7 : memref<128x16xf32, #tpu.memory_space<vmem>>) target(%dma_start3A_29 : memref<10240x16xf32, #tpu.memory_space<vmem_shared>>) offsets(%dma_start3A_26 : memref<128xi32, #tpu.memory_space<vmem>>) semaphore(%run_scoped3A : memref<!tpu.dma_semaphore, #tpu.memory_space<semaphore_mem>>) {add = true}
        %dma_wait3A = arith.constant 0 : i32
        %dma_wait3A_30 = tpu.memref_slice %arg6[%scan3A_22, %dma_wait3A] : memref<80x128xi32, #tpu.memory_space<vmem>> -> memref<1x128xi32, #tpu.memory_space<vmem>>
        %dma_wait3A_31 = tpu.memref_squeeze %dma_wait3A_30 : memref<1x128xi32, #tpu.memory_space<vmem>> -> memref<128xi32, #tpu.memory_space<vmem>>
        %dma_wait3A_32 = arith.constant 0 : i32
        %dma_wait3A_33 = arith.constant 0 : i32
        %dma_wait3A_34 = tpu.memref_slice %arg9[%dma_wait3A_32, %dma_wait3A_33] : memref<10240x16xf32, #tpu.memory_space<vmem_shared>> -> memref<10240x16xf32, #tpu.memory_space<vmem_shared>>
        tpu.wait_indirect_dma semaphore(%run_scoped3A : memref<!tpu.dma_semaphore, #tpu.memory_space<semaphore_mem>>) src(%arg7 : memref<128x16xf32, #tpu.memory_space<vmem>>) dst(%dma_wait3A_34 : memref<10240x16xf32, #tpu.memory_space<vmem_shared>>)
        tpu.yield
      }) : () -> ()
      %scan3A_24 = arith.constant 0 : i32
      scf.yield %scan3A_24 : i32
    }
    %scan3A_13 = arith.constant 80 : i32
    %barrier3A_14 = arith.constant 0 : index
    tpu.barrier barrier_id(%barrier3A_14)
    %scan3A_15 = arith.constant 0 : i32
    %scan3A_16 = arith.constant 0 : i32
    %scan3A_17 = arith.constant 5 : i32
    %scan3A_18 = arith.addi %scan3A_16, %scan3A_17 : i32
    %scan3A_19 = arith.constant 1 : i32
    %scan3A_20 = scf.for %scan3A_22 = %scan3A_16 to %scan3A_18 step %scan3A_19 iter_args(%scan3A_23 = %scan3A_15) -> (i32)  : i32 {
      %mul3A_24 = arith.constant 640 : i32
      %mul3A_25 = arith.muli %arg1, %mul3A_24 : i32
      %mul3A_26 = arith.constant 128 : i32
      %mul3A_27 = arith.muli %scan3A_22, %mul3A_26 : i32
      %add3A_28 = arith.addi %mul3A_25, %mul3A_27 : i32
      "tpu.region"() ({
        %run_scoped3A = tpu.sem_alloc : memref<!tpu.dma_semaphore, #tpu.memory_space<semaphore_mem>>
        %dma_start3A = arith.constant 0 : i32
        %dma_start3A_30 = tpu.memref_slice %arg9[%add3A_28, %dma_start3A] : memref<10240x16xf32, #tpu.memory_space<vmem_shared>> -> memref<128x16xf32, #tpu.memory_space<vmem_shared>>
        %dma_start3A_31 = arith.constant 0 : i32
        %dma_start3A_32 = tpu.memref_slice %arg9[%add3A_28, %dma_start3A_31] : memref<10240x16xf32, #tpu.memory_space<vmem_shared>> -> memref<128x16xf32, #tpu.memory_space<vmem_shared>>
        tpu.enqueue_dma source(%dma_start3A_32 : memref<128x16xf32, #tpu.memory_space<vmem_shared>>) target(%arg8 : memref<128x16xf32, #tpu.memory_space<vmem>>) target_semaphore(%run_scoped3A : memref<!tpu.dma_semaphore, #tpu.memory_space<semaphore_mem>>)
        %dma_wait3A = arith.constant 0 : i32
        %dma_wait3A_33 = tpu.memref_slice %arg9[%add3A_28, %dma_wait3A] : memref<10240x16xf32, #tpu.memory_space<vmem_shared>> -> memref<128x16xf32, #tpu.memory_space<vmem_shared>>
        %dma_wait3A_34 = arith.constant 0 : i32
        %dma_wait3A_35 = tpu.memref_slice %arg9[%add3A_28, %dma_wait3A_34] : memref<10240x16xf32, #tpu.memory_space<vmem_shared>> -> memref<128x16xf32, #tpu.memory_space<vmem_shared>>
        tpu.wait_dma2 semaphore(%run_scoped3A : memref<!tpu.dma_semaphore, #tpu.memory_space<semaphore_mem>>) src(%dma_wait3A_35 : memref<128x16xf32, #tpu.memory_space<vmem_shared>>) dst(%arg8 : memref<128x16xf32, #tpu.memory_space<vmem>>)
        tpu.yield
      }) : () -> ()
      "tpu.region"() ({
        %run_scoped3A = tpu.sem_alloc : memref<!tpu.dma_semaphore, #tpu.memory_space<semaphore_mem>>
        %dma_start3A = arith.constant 0 : i32
        %dma_start3A_30 = tpu.memref_slice %arg5[%arg0, %add3A_28, %dma_start3A] : memref<2x10240x16xf32, #tpu.memory_space<hbm>> -> memref<1x128x16xf32, #tpu.memory_space<hbm>>
        %dma_start3A_31 = tpu.memref_squeeze %dma_start3A_30 : memref<1x128x16xf32, #tpu.memory_space<hbm>> -> memref<128x16xf32, #tpu.memory_space<hbm>>
        %dma_start3A_32 = arith.constant 0 : i32
        %dma_start3A_33 = tpu.memref_slice %arg5[%arg0, %add3A_28, %dma_start3A_32] : memref<2x10240x16xf32, #tpu.memory_space<hbm>> -> memref<1x128x16xf32, #tpu.memory_space<hbm>>
        %dma_start3A_34 = tpu.memref_squeeze %dma_start3A_33 : memref<1x128x16xf32, #tpu.memory_space<hbm>> -> memref<128x16xf32, #tpu.memory_space<hbm>>
        tpu.enqueue_dma source(%arg8 : memref<128x16xf32, #tpu.memory_space<vmem>>) target(%dma_start3A_34 : memref<128x16xf32, #tpu.memory_space<hbm>>) target_semaphore(%run_scoped3A : memref<!tpu.dma_semaphore, #tpu.memory_space<semaphore_mem>>)
        %dma_wait3A = arith.constant 0 : i32
        %dma_wait3A_35 = tpu.memref_slice %arg5[%arg0, %add3A_28, %dma_wait3A] : memref<2x10240x16xf32, #tpu.memory_space<hbm>> -> memref<1x128x16xf32, #tpu.memory_space<hbm>>
        %dma_wait3A_36 = tpu.memref_squeeze %dma_wait3A_35 : memref<1x128x16xf32, #tpu.memory_space<hbm>> -> memref<128x16xf32, #tpu.memory_space<hbm>>
        %dma_wait3A_37 = arith.constant 0 : i32
        %dma_wait3A_38 = tpu.memref_slice %arg5[%arg0, %add3A_28, %dma_wait3A_37] : memref<2x10240x16xf32, #tpu.memory_space<hbm>> -> memref<1x128x16xf32, #tpu.memory_space<hbm>>
        %dma_wait3A_39 = tpu.memref_squeeze %dma_wait3A_38 : memref<1x128x16xf32, #tpu.memory_space<hbm>> -> memref<128x16xf32, #tpu.memory_space<hbm>>
        tpu.wait_dma2 semaphore(%run_scoped3A : memref<!tpu.dma_semaphore, #tpu.memory_space<semaphore_mem>>) src(%arg8 : memref<128x16xf32, #tpu.memory_space<vmem>>) dst(%dma_wait3A_39 : memref<128x16xf32, #tpu.memory_space<hbm>>)
        tpu.yield
      }) : () -> ()
      %scan3A_29 = arith.constant 0 : i32
      scf.yield %scan3A_29 : i32
    }
    %scan3A_21 = arith.constant 5 : i32
    return
  }
}

#map = affine_map<(d0, d1) -> (0, 0)>
#map1 = affine_map<(d0, d1) -> (0, 0, 0)>
module attributes {stable_mosaic.version = 14 : i64} {
  func.func @aggr_kernel(%arg0: i32, %arg1: i32, %arg2: memref<10000x128xf32, #tpu.memory_space<hbm>>, %arg3: memref<32x80x128xi32, #tpu.memory_space<hbm>>, %arg4: memref<128x128xf32, #tpu.memory_space<hbm>>, %arg5: memref<2x10240x128xf32, #tpu.memory_space<hbm>>, %arg6: memref<80x128xi32, #tpu.memory_space<vmem>>, %arg7: memref<2x128xi32, #tpu.memory_space<vmem>>, %arg8: memref<2x128xi32, #tpu.memory_space<vmem>>, %arg9: memref<128x128xf32, #tpu.memory_space<vmem>>, %arg10: memref<128x128xf32, #tpu.memory_space<vmem>>, %arg11: memref<10240x128xf32, #tpu.memory_space<vmem_shared>>, %arg12: memref<!tpu.dma_semaphore, #tpu.memory_space<semaphore_mem>>, %arg13: memref<!tpu.dma_semaphore, #tpu.memory_space<semaphore_mem>>, %arg14: memref<!tpu.dma_semaphore, #tpu.memory_space<semaphore_mem>>, %arg15: memref<!tpu.dma_semaphore, #tpu.memory_space<semaphore_mem>>) attributes {dimension_semantics = [#tpu.dimension_semantics<core_parallel>, #tpu.dimension_semantics<subcore_parallel>], iteration_bounds = array<i64: 2, 16>, scalar_prefetch = 0 : i64, scratch_operands = 10 : i64, tpu.core_type = #tpu.core_type<sc_vector_subcore>, window_params = [{transform_indices = #map}, {transform_indices = #map1}, {transform_indices = #map}, {transform_indices = #map1}]} {
    %mul3A = arith.constant 16 : i32
    %mul3A_0 = arith.muli %arg0, %mul3A : i32
    %add3A = arith.addi %mul3A_0, %arg1 : i32
    "tpu.region"() ({
      %run_scoped3A = tpu.sem_alloc : memref<!tpu.dma_semaphore, #tpu.memory_space<semaphore_mem>>
      tpu.enqueue_dma source(%arg4 : memref<128x128xf32, #tpu.memory_space<hbm>>) target(%arg9 : memref<128x128xf32, #tpu.memory_space<vmem>>) target_semaphore(%run_scoped3A : memref<!tpu.dma_semaphore, #tpu.memory_space<semaphore_mem>>)
      tpu.wait_dma2 semaphore(%run_scoped3A : memref<!tpu.dma_semaphore, #tpu.memory_space<semaphore_mem>>) src(%arg4 : memref<128x128xf32, #tpu.memory_space<hbm>>) dst(%arg9 : memref<128x128xf32, #tpu.memory_space<vmem>>)
      tpu.yield
    }) : () -> ()
    %scan3A = arith.constant 0 : i32
    %scan3A_1 = arith.constant 0 : i32
    %scan3A_2 = arith.constant 5 : i32
    %scan3A_3 = arith.addi %scan3A_1, %scan3A_2 : i32
    %scan3A_4 = arith.constant 1 : i32
    %scan3A_5 = scf.for %scan3A_221 = %scan3A_1 to %scan3A_3 step %scan3A_4 iter_args(%scan3A_222 = %scan3A) -> (i32)  : i32 {
      %mul3A_223 = arith.constant 640 : i32
      %mul3A_224 = arith.muli %arg1, %mul3A_223 : i32
      %mul3A_225 = arith.constant 128 : i32
      %mul3A_226 = arith.muli %scan3A_221, %mul3A_225 : i32
      %add3A_227 = arith.addi %mul3A_224, %mul3A_226 : i32
      "tpu.region"() ({
        %run_scoped3A = tpu.sem_alloc : memref<!tpu.dma_semaphore, #tpu.memory_space<semaphore_mem>>
        %dma_start3A_229 = arith.constant 0 : i32
        %dma_start3A_230 = tpu.memref_slice %arg11[%add3A_227, %dma_start3A_229] : memref<10240x128xf32, #tpu.memory_space<vmem_shared>> -> memref<128x128xf32, #tpu.memory_space<vmem_shared>>
        %dma_start3A_231 = arith.constant 0 : i32
        %dma_start3A_232 = tpu.memref_slice %arg11[%add3A_227, %dma_start3A_231] : memref<10240x128xf32, #tpu.memory_space<vmem_shared>> -> memref<128x128xf32, #tpu.memory_space<vmem_shared>>
        tpu.enqueue_dma source(%arg9 : memref<128x128xf32, #tpu.memory_space<vmem>>) target(%dma_start3A_232 : memref<128x128xf32, #tpu.memory_space<vmem_shared>>) target_semaphore(%run_scoped3A : memref<!tpu.dma_semaphore, #tpu.memory_space<semaphore_mem>>)
        %dma_wait3A_233 = arith.constant 0 : i32
        %dma_wait3A_234 = tpu.memref_slice %arg11[%add3A_227, %dma_wait3A_233] : memref<10240x128xf32, #tpu.memory_space<vmem_shared>> -> memref<128x128xf32, #tpu.memory_space<vmem_shared>>
        %dma_wait3A_235 = arith.constant 0 : i32
        %dma_wait3A_236 = tpu.memref_slice %arg11[%add3A_227, %dma_wait3A_235] : memref<10240x128xf32, #tpu.memory_space<vmem_shared>> -> memref<128x128xf32, #tpu.memory_space<vmem_shared>>
        tpu.wait_dma2 semaphore(%run_scoped3A : memref<!tpu.dma_semaphore, #tpu.memory_space<semaphore_mem>>) src(%arg9 : memref<128x128xf32, #tpu.memory_space<vmem>>) dst(%dma_wait3A_236 : memref<128x128xf32, #tpu.memory_space<vmem_shared>>)
        tpu.yield
      }) : () -> ()
      %scan3A_228 = arith.constant 0 : i32
      scf.yield %scan3A_228 : i32
    }
    %scan3A_6 = arith.constant 5 : i32
    "tpu.region"() ({
      %run_scoped3A = tpu.sem_alloc : memref<!tpu.dma_semaphore, #tpu.memory_space<semaphore_mem>>
      %dma_start3A_221 = arith.constant 0 : i32
      %dma_start3A_222 = arith.constant 0 : i32
      %dma_start3A_223 = tpu.memref_slice %arg3[%add3A, %dma_start3A_221, %dma_start3A_222] : memref<32x80x128xi32, #tpu.memory_space<hbm>> -> memref<1x80x128xi32, #tpu.memory_space<hbm>>
      %dma_start3A_224 = tpu.memref_squeeze %dma_start3A_223 : memref<1x80x128xi32, #tpu.memory_space<hbm>> -> memref<80x128xi32, #tpu.memory_space<hbm>>
      %dma_start3A_225 = arith.constant 0 : i32
      %dma_start3A_226 = arith.constant 0 : i32
      %dma_start3A_227 = tpu.memref_slice %arg3[%add3A, %dma_start3A_225, %dma_start3A_226] : memref<32x80x128xi32, #tpu.memory_space<hbm>> -> memref<1x80x128xi32, #tpu.memory_space<hbm>>
      %dma_start3A_228 = tpu.memref_squeeze %dma_start3A_227 : memref<1x80x128xi32, #tpu.memory_space<hbm>> -> memref<80x128xi32, #tpu.memory_space<hbm>>
      tpu.enqueue_dma source(%dma_start3A_228 : memref<80x128xi32, #tpu.memory_space<hbm>>) target(%arg6 : memref<80x128xi32, #tpu.memory_space<vmem>>) target_semaphore(%run_scoped3A : memref<!tpu.dma_semaphore, #tpu.memory_space<semaphore_mem>>)
      %dma_wait3A_229 = arith.constant 0 : i32
      %dma_wait3A_230 = arith.constant 0 : i32
      %dma_wait3A_231 = tpu.memref_slice %arg3[%add3A, %dma_wait3A_229, %dma_wait3A_230] : memref<32x80x128xi32, #tpu.memory_space<hbm>> -> memref<1x80x128xi32, #tpu.memory_space<hbm>>
      %dma_wait3A_232 = tpu.memref_squeeze %dma_wait3A_231 : memref<1x80x128xi32, #tpu.memory_space<hbm>> -> memref<80x128xi32, #tpu.memory_space<hbm>>
      %dma_wait3A_233 = arith.constant 0 : i32
      %dma_wait3A_234 = arith.constant 0 : i32
      %dma_wait3A_235 = tpu.memref_slice %arg3[%add3A, %dma_wait3A_233, %dma_wait3A_234] : memref<32x80x128xi32, #tpu.memory_space<hbm>> -> memref<1x80x128xi32, #tpu.memory_space<hbm>>
      %dma_wait3A_236 = tpu.memref_squeeze %dma_wait3A_235 : memref<1x80x128xi32, #tpu.memory_space<hbm>> -> memref<80x128xi32, #tpu.memory_space<hbm>>
      tpu.wait_dma2 semaphore(%run_scoped3A : memref<!tpu.dma_semaphore, #tpu.memory_space<semaphore_mem>>) src(%dma_wait3A_236 : memref<80x128xi32, #tpu.memory_space<hbm>>) dst(%arg6 : memref<80x128xi32, #tpu.memory_space<vmem>>)
      tpu.yield
    }) : () -> ()
    %barrier3A = arith.constant 0 : index
    tpu.barrier barrier_id(%barrier3A)
    %get3A = arith.constant 0 : i32
    %get3A_7 = arith.index_cast %get3A : i32 to index
    %get3A_8 = arith.constant 0 : index
    %get3A_9 = tpu.vector_load %arg6[%get3A_7, %get3A_8] {strides = array<i32>} : memref<80x128xi32, #tpu.memory_space<vmem>>, vector<1x16xi32>,
    %get3A_10 = vector.shape_cast %get3A_9 : vector<1x16xi32> to vector<16xi32>
    %shift_right_logical3A = arith.constant 16 : i32
    %shift_right_logical3A_11 = vector.broadcast %shift_right_logical3A : i32 to vector<16xi32>
    %shift_right_logical3A_12 = arith.shrui %get3A_10, %shift_right_logical3A_11 : vector<16xi32>
    %swap3A = arith.constant 0 : i32
    %swap3A_13 = arith.index_cast %swap3A : i32 to index
    %swap3A_14 = arith.constant 0 : index
    %swap3A_15 = tpu.vector_load %arg7[%swap3A_13, %swap3A_14] {strides = array<i32>} : memref<2x128xi32, #tpu.memory_space<vmem>>, vector<1x16xi32>,
    %swap3A_16 = vector.shape_cast %swap3A_15 : vector<1x16xi32> to vector<16xi32>
    %swap3A_17 = vector.shape_cast %shift_right_logical3A_12 : vector<16xi32> to vector<1x16xi32>
    tpu.vector_store %arg7[%swap3A_13, %swap3A_14], %swap3A_17 {strides = array<i32>} : memref<2x128xi32, #tpu.memory_space<vmem>>, vector<1x16xi32>,
    %and3A = arith.constant 65535 : i32
    %and3A_18 = vector.broadcast %and3A : i32 to vector<16xi32>
    %and3A_19 = arith.andi %get3A_10, %and3A_18 : vector<16xi32>
    %swap3A_20 = arith.constant 0 : i32
    %swap3A_21 = arith.index_cast %swap3A_20 : i32 to index
    %swap3A_22 = arith.constant 0 : index
    %swap3A_23 = tpu.vector_load %arg8[%swap3A_21, %swap3A_22] {strides = array<i32>} : memref<2x128xi32, #tpu.memory_space<vmem>>, vector<1x16xi32>,
    %swap3A_24 = vector.shape_cast %swap3A_23 : vector<1x16xi32> to vector<16xi32>
    %swap3A_25 = vector.shape_cast %and3A_19 : vector<16xi32> to vector<1x16xi32>
    tpu.vector_store %arg8[%swap3A_21, %swap3A_22], %swap3A_25 {strides = array<i32>} : memref<2x128xi32, #tpu.memory_space<vmem>>, vector<1x16xi32>,
    %get3A_26 = arith.constant 0 : i32
    %get3A_27 = arith.index_cast %get3A_26 : i32 to index
    %get3A_28 = arith.constant 16 : index
    %get3A_29 = tpu.vector_load %arg6[%get3A_27, %get3A_28] {strides = array<i32>} : memref<80x128xi32, #tpu.memory_space<vmem>>, vector<1x16xi32>,
    %get3A_30 = vector.shape_cast %get3A_29 : vector<1x16xi32> to vector<16xi32>
    %shift_right_logical3A_31 = arith.constant 16 : i32
    %shift_right_logical3A_32 = vector.broadcast %shift_right_logical3A_31 : i32 to vector<16xi32>
    %shift_right_logical3A_33 = arith.shrui %get3A_30, %shift_right_logical3A_32 : vector<16xi32>
    %swap3A_34 = arith.constant 0 : i32
    %swap3A_35 = arith.index_cast %swap3A_34 : i32 to index
    %swap3A_36 = arith.constant 16 : index
    %swap3A_37 = tpu.vector_load %arg7[%swap3A_35, %swap3A_36] {strides = array<i32>} : memref<2x128xi32, #tpu.memory_space<vmem>>, vector<1x16xi32>,
    %swap3A_38 = vector.shape_cast %swap3A_37 : vector<1x16xi32> to vector<16xi32>
    %swap3A_39 = vector.shape_cast %shift_right_logical3A_33 : vector<16xi32> to vector<1x16xi32>
    tpu.vector_store %arg7[%swap3A_35, %swap3A_36], %swap3A_39 {strides = array<i32>} : memref<2x128xi32, #tpu.memory_space<vmem>>, vector<1x16xi32>,
    %and3A_40 = arith.constant 65535 : i32
    %and3A_41 = vector.broadcast %and3A_40 : i32 to vector<16xi32>
    %and3A_42 = arith.andi %get3A_30, %and3A_41 : vector<16xi32>
    %swap3A_43 = arith.constant 0 : i32
    %swap3A_44 = arith.index_cast %swap3A_43 : i32 to index
    %swap3A_45 = arith.constant 16 : index
    %swap3A_46 = tpu.vector_load %arg8[%swap3A_44, %swap3A_45] {strides = array<i32>} : memref<2x128xi32, #tpu.memory_space<vmem>>, vector<1x16xi32>,
    %swap3A_47 = vector.shape_cast %swap3A_46 : vector<1x16xi32> to vector<16xi32>
    %swap3A_48 = vector.shape_cast %and3A_42 : vector<16xi32> to vector<1x16xi32>
    tpu.vector_store %arg8[%swap3A_44, %swap3A_45], %swap3A_48 {strides = array<i32>} : memref<2x128xi32, #tpu.memory_space<vmem>>, vector<1x16xi32>,
    %get3A_49 = arith.constant 0 : i32
    %get3A_50 = arith.index_cast %get3A_49 : i32 to index
    %get3A_51 = arith.constant 32 : index
    %get3A_52 = tpu.vector_load %arg6[%get3A_50, %get3A_51] {strides = array<i32>} : memref<80x128xi32, #tpu.memory_space<vmem>>, vector<1x16xi32>,
    %get3A_53 = vector.shape_cast %get3A_52 : vector<1x16xi32> to vector<16xi32>
    %shift_right_logical3A_54 = arith.constant 16 : i32
    %shift_right_logical3A_55 = vector.broadcast %shift_right_logical3A_54 : i32 to vector<16xi32>
    %shift_right_logical3A_56 = arith.shrui %get3A_53, %shift_right_logical3A_55 : vector<16xi32>
    %swap3A_57 = arith.constant 0 : i32
    %swap3A_58 = arith.index_cast %swap3A_57 : i32 to index
    %swap3A_59 = arith.constant 32 : index
    %swap3A_60 = tpu.vector_load %arg7[%swap3A_58, %swap3A_59] {strides = array<i32>} : memref<2x128xi32, #tpu.memory_space<vmem>>, vector<1x16xi32>,
    %swap3A_61 = vector.shape_cast %swap3A_60 : vector<1x16xi32> to vector<16xi32>
    %swap3A_62 = vector.shape_cast %shift_right_logical3A_56 : vector<16xi32> to vector<1x16xi32>
    tpu.vector_store %arg7[%swap3A_58, %swap3A_59], %swap3A_62 {strides = array<i32>} : memref<2x128xi32, #tpu.memory_space<vmem>>, vector<1x16xi32>,
    %and3A_63 = arith.constant 65535 : i32
    %and3A_64 = vector.broadcast %and3A_63 : i32 to vector<16xi32>
    %and3A_65 = arith.andi %get3A_53, %and3A_64 : vector<16xi32>
    %swap3A_66 = arith.constant 0 : i32
    %swap3A_67 = arith.index_cast %swap3A_66 : i32 to index
    %swap3A_68 = arith.constant 32 : index
    %swap3A_69 = tpu.vector_load %arg8[%swap3A_67, %swap3A_68] {strides = array<i32>} : memref<2x128xi32, #tpu.memory_space<vmem>>, vector<1x16xi32>,
    %swap3A_70 = vector.shape_cast %swap3A_69 : vector<1x16xi32> to vector<16xi32>
    %swap3A_71 = vector.shape_cast %and3A_65 : vector<16xi32> to vector<1x16xi32>
    tpu.vector_store %arg8[%swap3A_67, %swap3A_68], %swap3A_71 {strides = array<i32>} : memref<2x128xi32, #tpu.memory_space<vmem>>, vector<1x16xi32>,
    %get3A_72 = arith.constant 0 : i32
    %get3A_73 = arith.index_cast %get3A_72 : i32 to index
    %get3A_74 = arith.constant 48 : index
    %get3A_75 = tpu.vector_load %arg6[%get3A_73, %get3A_74] {strides = array<i32>} : memref<80x128xi32, #tpu.memory_space<vmem>>, vector<1x16xi32>,
    %get3A_76 = vector.shape_cast %get3A_75 : vector<1x16xi32> to vector<16xi32>
    %shift_right_logical3A_77 = arith.constant 16 : i32
    %shift_right_logical3A_78 = vector.broadcast %shift_right_logical3A_77 : i32 to vector<16xi32>
    %shift_right_logical3A_79 = arith.shrui %get3A_76, %shift_right_logical3A_78 : vector<16xi32>
    %swap3A_80 = arith.constant 0 : i32
    %swap3A_81 = arith.index_cast %swap3A_80 : i32 to index
    %swap3A_82 = arith.constant 48 : index
    %swap3A_83 = tpu.vector_load %arg7[%swap3A_81, %swap3A_82] {strides = array<i32>} : memref<2x128xi32, #tpu.memory_space<vmem>>, vector<1x16xi32>,
    %swap3A_84 = vector.shape_cast %swap3A_83 : vector<1x16xi32> to vector<16xi32>
    %swap3A_85 = vector.shape_cast %shift_right_logical3A_79 : vector<16xi32> to vector<1x16xi32>
    tpu.vector_store %arg7[%swap3A_81, %swap3A_82], %swap3A_85 {strides = array<i32>} : memref<2x128xi32, #tpu.memory_space<vmem>>, vector<1x16xi32>,
    %and3A_86 = arith.constant 65535 : i32
    %and3A_87 = vector.broadcast %and3A_86 : i32 to vector<16xi32>
    %and3A_88 = arith.andi %get3A_76, %and3A_87 : vector<16xi32>
    %swap3A_89 = arith.constant 0 : i32
    %swap3A_90 = arith.index_cast %swap3A_89 : i32 to index
    %swap3A_91 = arith.constant 48 : index
    %swap3A_92 = tpu.vector_load %arg8[%swap3A_90, %swap3A_91] {strides = array<i32>} : memref<2x128xi32, #tpu.memory_space<vmem>>, vector<1x16xi32>,
    %swap3A_93 = vector.shape_cast %swap3A_92 : vector<1x16xi32> to vector<16xi32>
    %swap3A_94 = vector.shape_cast %and3A_88 : vector<16xi32> to vector<1x16xi32>
    tpu.vector_store %arg8[%swap3A_90, %swap3A_91], %swap3A_94 {strides = array<i32>} : memref<2x128xi32, #tpu.memory_space<vmem>>, vector<1x16xi32>,
    %get3A_95 = arith.constant 0 : i32
    %get3A_96 = arith.index_cast %get3A_95 : i32 to index
    %get3A_97 = arith.constant 64 : index
    %get3A_98 = tpu.vector_load %arg6[%get3A_96, %get3A_97] {strides = array<i32>} : memref<80x128xi32, #tpu.memory_space<vmem>>, vector<1x16xi32>,
    %get3A_99 = vector.shape_cast %get3A_98 : vector<1x16xi32> to vector<16xi32>
    %shift_right_logical3A_100 = arith.constant 16 : i32
    %shift_right_logical3A_101 = vector.broadcast %shift_right_logical3A_100 : i32 to vector<16xi32>
    %shift_right_logical3A_102 = arith.shrui %get3A_99, %shift_right_logical3A_101 : vector<16xi32>
    %swap3A_103 = arith.constant 0 : i32
    %swap3A_104 = arith.index_cast %swap3A_103 : i32 to index
    %swap3A_105 = arith.constant 64 : index
    %swap3A_106 = tpu.vector_load %arg7[%swap3A_104, %swap3A_105] {strides = array<i32>} : memref<2x128xi32, #tpu.memory_space<vmem>>, vector<1x16xi32>,
    %swap3A_107 = vector.shape_cast %swap3A_106 : vector<1x16xi32> to vector<16xi32>
    %swap3A_108 = vector.shape_cast %shift_right_logical3A_102 : vector<16xi32> to vector<1x16xi32>
    tpu.vector_store %arg7[%swap3A_104, %swap3A_105], %swap3A_108 {strides = array<i32>} : memref<2x128xi32, #tpu.memory_space<vmem>>, vector<1x16xi32>,
    %and3A_109 = arith.constant 65535 : i32
    %and3A_110 = vector.broadcast %and3A_109 : i32 to vector<16xi32>
    %and3A_111 = arith.andi %get3A_99, %and3A_110 : vector<16xi32>
    %swap3A_112 = arith.constant 0 : i32
    %swap3A_113 = arith.index_cast %swap3A_112 : i32 to index
    %swap3A_114 = arith.constant 64 : index
    %swap3A_115 = tpu.vector_load %arg8[%swap3A_113, %swap3A_114] {strides = array<i32>} : memref<2x128xi32, #tpu.memory_space<vmem>>, vector<1x16xi32>,
    %swap3A_116 = vector.shape_cast %swap3A_115 : vector<1x16xi32> to vector<16xi32>
    %swap3A_117 = vector.shape_cast %and3A_111 : vector<16xi32> to vector<1x16xi32>
    tpu.vector_store %arg8[%swap3A_113, %swap3A_114], %swap3A_117 {strides = array<i32>} : memref<2x128xi32, #tpu.memory_space<vmem>>, vector<1x16xi32>,
    %get3A_118 = arith.constant 0 : i32
    %get3A_119 = arith.index_cast %get3A_118 : i32 to index
    %get3A_120 = arith.constant 80 : index
    %get3A_121 = tpu.vector_load %arg6[%get3A_119, %get3A_120] {strides = array<i32>} : memref<80x128xi32, #tpu.memory_space<vmem>>, vector<1x16xi32>,
    %get3A_122 = vector.shape_cast %get3A_121 : vector<1x16xi32> to vector<16xi32>
    %shift_right_logical3A_123 = arith.constant 16 : i32
    %shift_right_logical3A_124 = vector.broadcast %shift_right_logical3A_123 : i32 to vector<16xi32>
    %shift_right_logical3A_125 = arith.shrui %get3A_122, %shift_right_logical3A_124 : vector<16xi32>
    %swap3A_126 = arith.constant 0 : i32
    %swap3A_127 = arith.index_cast %swap3A_126 : i32 to index
    %swap3A_128 = arith.constant 80 : index
    %swap3A_129 = tpu.vector_load %arg7[%swap3A_127, %swap3A_128] {strides = array<i32>} : memref<2x128xi32, #tpu.memory_space<vmem>>, vector<1x16xi32>,
    %swap3A_130 = vector.shape_cast %swap3A_129 : vector<1x16xi32> to vector<16xi32>
    %swap3A_131 = vector.shape_cast %shift_right_logical3A_125 : vector<16xi32> to vector<1x16xi32>
    tpu.vector_store %arg7[%swap3A_127, %swap3A_128], %swap3A_131 {strides = array<i32>} : memref<2x128xi32, #tpu.memory_space<vmem>>, vector<1x16xi32>,
    %and3A_132 = arith.constant 65535 : i32
    %and3A_133 = vector.broadcast %and3A_132 : i32 to vector<16xi32>
    %and3A_134 = arith.andi %get3A_122, %and3A_133 : vector<16xi32>
    %swap3A_135 = arith.constant 0 : i32
    %swap3A_136 = arith.index_cast %swap3A_135 : i32 to index
    %swap3A_137 = arith.constant 80 : index
    %swap3A_138 = tpu.vector_load %arg8[%swap3A_136, %swap3A_137] {strides = array<i32>} : memref<2x128xi32, #tpu.memory_space<vmem>>, vector<1x16xi32>,
    %swap3A_139 = vector.shape_cast %swap3A_138 : vector<1x16xi32> to vector<16xi32>
    %swap3A_140 = vector.shape_cast %and3A_134 : vector<16xi32> to vector<1x16xi32>
    tpu.vector_store %arg8[%swap3A_136, %swap3A_137], %swap3A_140 {strides = array<i32>} : memref<2x128xi32, #tpu.memory_space<vmem>>, vector<1x16xi32>,
    %get3A_141 = arith.constant 0 : i32
    %get3A_142 = arith.index_cast %get3A_141 : i32 to index
    %get3A_143 = arith.constant 96 : index
    %get3A_144 = tpu.vector_load %arg6[%get3A_142, %get3A_143] {strides = array<i32>} : memref<80x128xi32, #tpu.memory_space<vmem>>, vector<1x16xi32>,
    %get3A_145 = vector.shape_cast %get3A_144 : vector<1x16xi32> to vector<16xi32>
    %shift_right_logical3A_146 = arith.constant 16 : i32
    %shift_right_logical3A_147 = vector.broadcast %shift_right_logical3A_146 : i32 to vector<16xi32>
    %shift_right_logical3A_148 = arith.shrui %get3A_145, %shift_right_logical3A_147 : vector<16xi32>
    %swap3A_149 = arith.constant 0 : i32
    %swap3A_150 = arith.index_cast %swap3A_149 : i32 to index
    %swap3A_151 = arith.constant 96 : index
    %swap3A_152 = tpu.vector_load %arg7[%swap3A_150, %swap3A_151] {strides = array<i32>} : memref<2x128xi32, #tpu.memory_space<vmem>>, vector<1x16xi32>,
    %swap3A_153 = vector.shape_cast %swap3A_152 : vector<1x16xi32> to vector<16xi32>
    %swap3A_154 = vector.shape_cast %shift_right_logical3A_148 : vector<16xi32> to vector<1x16xi32>
    tpu.vector_store %arg7[%swap3A_150, %swap3A_151], %swap3A_154 {strides = array<i32>} : memref<2x128xi32, #tpu.memory_space<vmem>>, vector<1x16xi32>,
    %and3A_155 = arith.constant 65535 : i32
    %and3A_156 = vector.broadcast %and3A_155 : i32 to vector<16xi32>
    %and3A_157 = arith.andi %get3A_145, %and3A_156 : vector<16xi32>
    %swap3A_158 = arith.constant 0 : i32
    %swap3A_159 = arith.index_cast %swap3A_158 : i32 to index
    %swap3A_160 = arith.constant 96 : index
    %swap3A_161 = tpu.vector_load %arg8[%swap3A_159, %swap3A_160] {strides = array<i32>} : memref<2x128xi32, #tpu.memory_space<vmem>>, vector<1x16xi32>,
    %swap3A_162 = vector.shape_cast %swap3A_161 : vector<1x16xi32> to vector<16xi32>
    %swap3A_163 = vector.shape_cast %and3A_157 : vector<16xi32> to vector<1x16xi32>
    tpu.vector_store %arg8[%swap3A_159, %swap3A_160], %swap3A_163 {strides = array<i32>} : memref<2x128xi32, #tpu.memory_space<vmem>>, vector<1x16xi32>,
    %get3A_164 = arith.constant 0 : i32
    %get3A_165 = arith.index_cast %get3A_164 : i32 to index
    %get3A_166 = arith.constant 112 : index
    %get3A_167 = tpu.vector_load %arg6[%get3A_165, %get3A_166] {strides = array<i32>} : memref<80x128xi32, #tpu.memory_space<vmem>>, vector<1x16xi32>,
    %get3A_168 = vector.shape_cast %get3A_167 : vector<1x16xi32> to vector<16xi32>
    %shift_right_logical3A_169 = arith.constant 16 : i32
    %shift_right_logical3A_170 = vector.broadcast %shift_right_logical3A_169 : i32 to vector<16xi32>
    %shift_right_logical3A_171 = arith.shrui %get3A_168, %shift_right_logical3A_170 : vector<16xi32>
    %swap3A_172 = arith.constant 0 : i32
    %swap3A_173 = arith.index_cast %swap3A_172 : i32 to index
    %swap3A_174 = arith.constant 112 : index
    %swap3A_175 = tpu.vector_load %arg7[%swap3A_173, %swap3A_174] {strides = array<i32>} : memref<2x128xi32, #tpu.memory_space<vmem>>, vector<1x16xi32>,
    %swap3A_176 = vector.shape_cast %swap3A_175 : vector<1x16xi32> to vector<16xi32>
    %swap3A_177 = vector.shape_cast %shift_right_logical3A_171 : vector<16xi32> to vector<1x16xi32>
    tpu.vector_store %arg7[%swap3A_173, %swap3A_174], %swap3A_177 {strides = array<i32>} : memref<2x128xi32, #tpu.memory_space<vmem>>, vector<1x16xi32>,
    %and3A_178 = arith.constant 65535 : i32
    %and3A_179 = vector.broadcast %and3A_178 : i32 to vector<16xi32>
    %and3A_180 = arith.andi %get3A_168, %and3A_179 : vector<16xi32>
    %swap3A_181 = arith.constant 0 : i32
    %swap3A_182 = arith.index_cast %swap3A_181 : i32 to index
    %swap3A_183 = arith.constant 112 : index
    %swap3A_184 = tpu.vector_load %arg8[%swap3A_182, %swap3A_183] {strides = array<i32>} : memref<2x128xi32, #tpu.memory_space<vmem>>, vector<1x16xi32>,
    %swap3A_185 = vector.shape_cast %swap3A_184 : vector<1x16xi32> to vector<16xi32>
    %swap3A_186 = vector.shape_cast %and3A_180 : vector<16xi32> to vector<1x16xi32>
    tpu.vector_store %arg8[%swap3A_182, %swap3A_183], %swap3A_186 {strides = array<i32>} : memref<2x128xi32, #tpu.memory_space<vmem>>, vector<1x16xi32>,
    %dma_start3A = arith.constant 0 : i32
    %dma_start3A_187 = arith.constant 0 : i32
    %dma_start3A_188 = tpu.memref_slice %arg7[%dma_start3A, %dma_start3A_187] : memref<2x128xi32, #tpu.memory_space<vmem>> -> memref<1x128xi32, #tpu.memory_space<vmem>>
    %dma_start3A_189 = tpu.memref_squeeze %dma_start3A_188 : memref<1x128xi32, #tpu.memory_space<vmem>> -> memref<128xi32, #tpu.memory_space<vmem>>
    %dma_start3A_190 = arith.constant 0 : i32
    %dma_start3A_191 = arith.constant 0 : i32
    %dma_start3A_192 = tpu.memref_slice %arg2[%dma_start3A_190, %dma_start3A_191] : memref<10000x128xf32, #tpu.memory_space<hbm>> -> memref<10000x128xf32, #tpu.memory_space<hbm>>
    tpu.enqueue_indirect_dma source(%dma_start3A_192 : memref<10000x128xf32, #tpu.memory_space<hbm>>) target(%arg9 : memref<128x128xf32, #tpu.memory_space<vmem>>) offsets(%dma_start3A_189 : memref<128xi32, #tpu.memory_space<vmem>>) semaphore(%arg12 : memref<!tpu.dma_semaphore, #tpu.memory_space<semaphore_mem>>)
    %scan3A_193 = arith.constant 0 : i32
    %scan3A_194 = arith.constant 0 : i32
    %scan3A_195 = arith.constant 40 : i32
    %scan3A_196 = arith.addi %scan3A_194, %scan3A_195 : i32
    %scan3A_197 = arith.constant 1 : i32
    %scan3A_198 = scf.for %scan3A_221 = %scan3A_194 to %scan3A_196 step %scan3A_197 iter_args(%scan3A_222 = %scan3A_193) -> (i32)  : i32 {
      %mul3A_223 = arith.constant 2 : i32
      %mul3A_224 = arith.muli %mul3A_223, %scan3A_221 : i32
      %add3A_225 = arith.constant 1 : i32
      %add3A_226 = arith.addi %mul3A_224, %add3A_225 : i32
      %gt3A = arith.constant 0 : i32
      %gt3A_227 = arith.cmpi sgt, %scan3A_221, %gt3A : i32
      %convert_element_type3A = arith.extui %gt3A_227 : i1 to i32
      %cond3A = arith.constant 0 : i32
      %cond3A_228 = arith.cmpi ne, %convert_element_type3A, %cond3A : i32
      scf.if %cond3A_228 {
        %dma_wait3A_445 = arith.constant 1 : i32
        %dma_wait3A_446 = arith.constant 0 : i32
        %dma_wait3A_447 = tpu.memref_slice %arg8[%dma_wait3A_445, %dma_wait3A_446] : memref<2x128xi32, #tpu.memory_space<vmem>> -> memref<1x128xi32, #tpu.memory_space<vmem>>
        %dma_wait3A_448 = tpu.memref_squeeze %dma_wait3A_447 : memref<1x128xi32, #tpu.memory_space<vmem>> -> memref<128xi32, #tpu.memory_space<vmem>>
        %dma_wait3A_449 = arith.constant 0 : i32
        %dma_wait3A_450 = arith.constant 0 : i32
        %dma_wait3A_451 = tpu.memref_slice %arg11[%dma_wait3A_449, %dma_wait3A_450] : memref<10240x128xf32, #tpu.memory_space<vmem_shared>> -> memref<10240x128xf32, #tpu.memory_space<vmem_shared>>
        tpu.wait_indirect_dma semaphore(%arg15 : memref<!tpu.dma_semaphore, #tpu.memory_space<semaphore_mem>>) src(%arg10 : memref<128x128xf32, #tpu.memory_space<vmem>>) dst(%dma_wait3A_451 : memref<10240x128xf32, #tpu.memory_space<vmem_shared>>)
      } else {
      }
      %get3A_229 = arith.index_cast %add3A_226 : i32 to index
      %get3A_230 = arith.constant 0 : index
      %get3A_231 = tpu.vector_load %arg6[%get3A_229, %get3A_230] {strides = array<i32>} : memref<80x128xi32, #tpu.memory_space<vmem>>, vector<1x16xi32>,
      %get3A_232 = vector.shape_cast %get3A_231 : vector<1x16xi32> to vector<16xi32>
      %shift_right_logical3A_233 = arith.constant 16 : i32
      %shift_right_logical3A_234 = vector.broadcast %shift_right_logical3A_233 : i32 to vector<16xi32>
      %shift_right_logical3A_235 = arith.shrui %get3A_232, %shift_right_logical3A_234 : vector<16xi32>
      %swap3A_236 = arith.constant 1 : i32
      %swap3A_237 = arith.index_cast %swap3A_236 : i32 to index
      %swap3A_238 = arith.constant 0 : index
      %swap3A_239 = tpu.vector_load %arg7[%swap3A_237, %swap3A_238] {strides = array<i32>} : memref<2x128xi32, #tpu.memory_space<vmem>>, vector<1x16xi32>,
      %swap3A_240 = vector.shape_cast %swap3A_239 : vector<1x16xi32> to vector<16xi32>
      %swap3A_241 = vector.shape_cast %shift_right_logical3A_235 : vector<16xi32> to vector<1x16xi32>
      tpu.vector_store %arg7[%swap3A_237, %swap3A_238], %swap3A_241 {strides = array<i32>} : memref<2x128xi32, #tpu.memory_space<vmem>>, vector<1x16xi32>,
      %and3A_242 = arith.constant 65535 : i32
      %and3A_243 = vector.broadcast %and3A_242 : i32 to vector<16xi32>
      %and3A_244 = arith.andi %get3A_232, %and3A_243 : vector<16xi32>
      %swap3A_245 = arith.constant 1 : i32
      %swap3A_246 = arith.index_cast %swap3A_245 : i32 to index
      %swap3A_247 = arith.constant 0 : index
      %swap3A_248 = tpu.vector_load %arg8[%swap3A_246, %swap3A_247] {strides = array<i32>} : memref<2x128xi32, #tpu.memory_space<vmem>>, vector<1x16xi32>,
      %swap3A_249 = vector.shape_cast %swap3A_248 : vector<1x16xi32> to vector<16xi32>
      %swap3A_250 = vector.shape_cast %and3A_244 : vector<16xi32> to vector<1x16xi32>
      tpu.vector_store %arg8[%swap3A_246, %swap3A_247], %swap3A_250 {strides = array<i32>} : memref<2x128xi32, #tpu.memory_space<vmem>>, vector<1x16xi32>,
      %get3A_251 = arith.index_cast %add3A_226 : i32 to index
      %get3A_252 = arith.constant 16 : index
      %get3A_253 = tpu.vector_load %arg6[%get3A_251, %get3A_252] {strides = array<i32>} : memref<80x128xi32, #tpu.memory_space<vmem>>, vector<1x16xi32>,
      %get3A_254 = vector.shape_cast %get3A_253 : vector<1x16xi32> to vector<16xi32>
      %shift_right_logical3A_255 = arith.constant 16 : i32
      %shift_right_logical3A_256 = vector.broadcast %shift_right_logical3A_255 : i32 to vector<16xi32>
      %shift_right_logical3A_257 = arith.shrui %get3A_254, %shift_right_logical3A_256 : vector<16xi32>
      %swap3A_258 = arith.constant 1 : i32
      %swap3A_259 = arith.index_cast %swap3A_258 : i32 to index
      %swap3A_260 = arith.constant 16 : index
      %swap3A_261 = tpu.vector_load %arg7[%swap3A_259, %swap3A_260] {strides = array<i32>} : memref<2x128xi32, #tpu.memory_space<vmem>>, vector<1x16xi32>,
      %swap3A_262 = vector.shape_cast %swap3A_261 : vector<1x16xi32> to vector<16xi32>
      %swap3A_263 = vector.shape_cast %shift_right_logical3A_257 : vector<16xi32> to vector<1x16xi32>
      tpu.vector_store %arg7[%swap3A_259, %swap3A_260], %swap3A_263 {strides = array<i32>} : memref<2x128xi32, #tpu.memory_space<vmem>>, vector<1x16xi32>,
      %and3A_264 = arith.constant 65535 : i32
      %and3A_265 = vector.broadcast %and3A_264 : i32 to vector<16xi32>
      %and3A_266 = arith.andi %get3A_254, %and3A_265 : vector<16xi32>
      %swap3A_267 = arith.constant 1 : i32
      %swap3A_268 = arith.index_cast %swap3A_267 : i32 to index
      %swap3A_269 = arith.constant 16 : index
      %swap3A_270 = tpu.vector_load %arg8[%swap3A_268, %swap3A_269] {strides = array<i32>} : memref<2x128xi32, #tpu.memory_space<vmem>>, vector<1x16xi32>,
      %swap3A_271 = vector.shape_cast %swap3A_270 : vector<1x16xi32> to vector<16xi32>
      %swap3A_272 = vector.shape_cast %and3A_266 : vector<16xi32> to vector<1x16xi32>
      tpu.vector_store %arg8[%swap3A_268, %swap3A_269], %swap3A_272 {strides = array<i32>} : memref<2x128xi32, #tpu.memory_space<vmem>>, vector<1x16xi32>,
      %get3A_273 = arith.index_cast %add3A_226 : i32 to index
      %get3A_274 = arith.constant 32 : index
      %get3A_275 = tpu.vector_load %arg6[%get3A_273, %get3A_274] {strides = array<i32>} : memref<80x128xi32, #tpu.memory_space<vmem>>, vector<1x16xi32>,
      %get3A_276 = vector.shape_cast %get3A_275 : vector<1x16xi32> to vector<16xi32>
      %shift_right_logical3A_277 = arith.constant 16 : i32
      %shift_right_logical3A_278 = vector.broadcast %shift_right_logical3A_277 : i32 to vector<16xi32>
      %shift_right_logical3A_279 = arith.shrui %get3A_276, %shift_right_logical3A_278 : vector<16xi32>
      %swap3A_280 = arith.constant 1 : i32
      %swap3A_281 = arith.index_cast %swap3A_280 : i32 to index
      %swap3A_282 = arith.constant 32 : index
      %swap3A_283 = tpu.vector_load %arg7[%swap3A_281, %swap3A_282] {strides = array<i32>} : memref<2x128xi32, #tpu.memory_space<vmem>>, vector<1x16xi32>,
      %swap3A_284 = vector.shape_cast %swap3A_283 : vector<1x16xi32> to vector<16xi32>
      %swap3A_285 = vector.shape_cast %shift_right_logical3A_279 : vector<16xi32> to vector<1x16xi32>
      tpu.vector_store %arg7[%swap3A_281, %swap3A_282], %swap3A_285 {strides = array<i32>} : memref<2x128xi32, #tpu.memory_space<vmem>>, vector<1x16xi32>,
      %and3A_286 = arith.constant 65535 : i32
      %and3A_287 = vector.broadcast %and3A_286 : i32 to vector<16xi32>
      %and3A_288 = arith.andi %get3A_276, %and3A_287 : vector<16xi32>
      %swap3A_289 = arith.constant 1 : i32
      %swap3A_290 = arith.index_cast %swap3A_289 : i32 to index
      %swap3A_291 = arith.constant 32 : index
      %swap3A_292 = tpu.vector_load %arg8[%swap3A_290, %swap3A_291] {strides = array<i32>} : memref<2x128xi32, #tpu.memory_space<vmem>>, vector<1x16xi32>,
      %swap3A_293 = vector.shape_cast %swap3A_292 : vector<1x16xi32> to vector<16xi32>
      %swap3A_294 = vector.shape_cast %and3A_288 : vector<16xi32> to vector<1x16xi32>
      tpu.vector_store %arg8[%swap3A_290, %swap3A_291], %swap3A_294 {strides = array<i32>} : memref<2x128xi32, #tpu.memory_space<vmem>>, vector<1x16xi32>,
      %get3A_295 = arith.index_cast %add3A_226 : i32 to index
      %get3A_296 = arith.constant 48 : index
      %get3A_297 = tpu.vector_load %arg6[%get3A_295, %get3A_296] {strides = array<i32>} : memref<80x128xi32, #tpu.memory_space<vmem>>, vector<1x16xi32>,
      %get3A_298 = vector.shape_cast %get3A_297 : vector<1x16xi32> to vector<16xi32>
      %shift_right_logical3A_299 = arith.constant 16 : i32
      %shift_right_logical3A_300 = vector.broadcast %shift_right_logical3A_299 : i32 to vector<16xi32>
      %shift_right_logical3A_301 = arith.shrui %get3A_298, %shift_right_logical3A_300 : vector<16xi32>
      %swap3A_302 = arith.constant 1 : i32
      %swap3A_303 = arith.index_cast %swap3A_302 : i32 to index
      %swap3A_304 = arith.constant 48 : index
      %swap3A_305 = tpu.vector_load %arg7[%swap3A_303, %swap3A_304] {strides = array<i32>} : memref<2x128xi32, #tpu.memory_space<vmem>>, vector<1x16xi32>,
      %swap3A_306 = vector.shape_cast %swap3A_305 : vector<1x16xi32> to vector<16xi32>
      %swap3A_307 = vector.shape_cast %shift_right_logical3A_301 : vector<16xi32> to vector<1x16xi32>
      tpu.vector_store %arg7[%swap3A_303, %swap3A_304], %swap3A_307 {strides = array<i32>} : memref<2x128xi32, #tpu.memory_space<vmem>>, vector<1x16xi32>,
      %and3A_308 = arith.constant 65535 : i32
      %and3A_309 = vector.broadcast %and3A_308 : i32 to vector<16xi32>
      %and3A_310 = arith.andi %get3A_298, %and3A_309 : vector<16xi32>
      %swap3A_311 = arith.constant 1 : i32
      %swap3A_312 = arith.index_cast %swap3A_311 : i32 to index
      %swap3A_313 = arith.constant 48 : index
      %swap3A_314 = tpu.vector_load %arg8[%swap3A_312, %swap3A_313] {strides = array<i32>} : memref<2x128xi32, #tpu.memory_space<vmem>>, vector<1x16xi32>,
      %swap3A_315 = vector.shape_cast %swap3A_314 : vector<1x16xi32> to vector<16xi32>
      %swap3A_316 = vector.shape_cast %and3A_310 : vector<16xi32> to vector<1x16xi32>
      tpu.vector_store %arg8[%swap3A_312, %swap3A_313], %swap3A_316 {strides = array<i32>} : memref<2x128xi32, #tpu.memory_space<vmem>>, vector<1x16xi32>,
      %get3A_317 = arith.index_cast %add3A_226 : i32 to index
      %get3A_318 = arith.constant 64 : index
      %get3A_319 = tpu.vector_load %arg6[%get3A_317, %get3A_318] {strides = array<i32>} : memref<80x128xi32, #tpu.memory_space<vmem>>, vector<1x16xi32>,
      %get3A_320 = vector.shape_cast %get3A_319 : vector<1x16xi32> to vector<16xi32>
      %shift_right_logical3A_321 = arith.constant 16 : i32
      %shift_right_logical3A_322 = vector.broadcast %shift_right_logical3A_321 : i32 to vector<16xi32>
      %shift_right_logical3A_323 = arith.shrui %get3A_320, %shift_right_logical3A_322 : vector<16xi32>
      %swap3A_324 = arith.constant 1 : i32
      %swap3A_325 = arith.index_cast %swap3A_324 : i32 to index
      %swap3A_326 = arith.constant 64 : index
      %swap3A_327 = tpu.vector_load %arg7[%swap3A_325, %swap3A_326] {strides = array<i32>} : memref<2x128xi32, #tpu.memory_space<vmem>>, vector<1x16xi32>,
      %swap3A_328 = vector.shape_cast %swap3A_327 : vector<1x16xi32> to vector<16xi32>
      %swap3A_329 = vector.shape_cast %shift_right_logical3A_323 : vector<16xi32> to vector<1x16xi32>
      tpu.vector_store %arg7[%swap3A_325, %swap3A_326], %swap3A_329 {strides = array<i32>} : memref<2x128xi32, #tpu.memory_space<vmem>>, vector<1x16xi32>,
      %and3A_330 = arith.constant 65535 : i32
      %and3A_331 = vector.broadcast %and3A_330 : i32 to vector<16xi32>
      %and3A_332 = arith.andi %get3A_320, %and3A_331 : vector<16xi32>
      %swap3A_333 = arith.constant 1 : i32
      %swap3A_334 = arith.index_cast %swap3A_333 : i32 to index
      %swap3A_335 = arith.constant 64 : index
      %swap3A_336 = tpu.vector_load %arg8[%swap3A_334, %swap3A_335] {strides = array<i32>} : memref<2x128xi32, #tpu.memory_space<vmem>>, vector<1x16xi32>,
      %swap3A_337 = vector.shape_cast %swap3A_336 : vector<1x16xi32> to vector<16xi32>
      %swap3A_338 = vector.shape_cast %and3A_332 : vector<16xi32> to vector<1x16xi32>
      tpu.vector_store %arg8[%swap3A_334, %swap3A_335], %swap3A_338 {strides = array<i32>} : memref<2x128xi32, #tpu.memory_space<vmem>>, vector<1x16xi32>,
      %get3A_339 = arith.index_cast %add3A_226 : i32 to index
      %get3A_340 = arith.constant 80 : index
      %get3A_341 = tpu.vector_load %arg6[%get3A_339, %get3A_340] {strides = array<i32>} : memref<80x128xi32, #tpu.memory_space<vmem>>, vector<1x16xi32>,
      %get3A_342 = vector.shape_cast %get3A_341 : vector<1x16xi32> to vector<16xi32>
      %shift_right_logical3A_343 = arith.constant 16 : i32
      %shift_right_logical3A_344 = vector.broadcast %shift_right_logical3A_343 : i32 to vector<16xi32>
      %shift_right_logical3A_345 = arith.shrui %get3A_342, %shift_right_logical3A_344 : vector<16xi32>
      %swap3A_346 = arith.constant 1 : i32
      %swap3A_347 = arith.index_cast %swap3A_346 : i32 to index
      %swap3A_348 = arith.constant 80 : index
      %swap3A_349 = tpu.vector_load %arg7[%swap3A_347, %swap3A_348] {strides = array<i32>} : memref<2x128xi32, #tpu.memory_space<vmem>>, vector<1x16xi32>,
      %swap3A_350 = vector.shape_cast %swap3A_349 : vector<1x16xi32> to vector<16xi32>
      %swap3A_351 = vector.shape_cast %shift_right_logical3A_345 : vector<16xi32> to vector<1x16xi32>
      tpu.vector_store %arg7[%swap3A_347, %swap3A_348], %swap3A_351 {strides = array<i32>} : memref<2x128xi32, #tpu.memory_space<vmem>>, vector<1x16xi32>,
      %and3A_352 = arith.constant 65535 : i32
      %and3A_353 = vector.broadcast %and3A_352 : i32 to vector<16xi32>
      %and3A_354 = arith.andi %get3A_342, %and3A_353 : vector<16xi32>
      %swap3A_355 = arith.constant 1 : i32
      %swap3A_356 = arith.index_cast %swap3A_355 : i32 to index
      %swap3A_357 = arith.constant 80 : index
      %swap3A_358 = tpu.vector_load %arg8[%swap3A_356, %swap3A_357] {strides = array<i32>} : memref<2x128xi32, #tpu.memory_space<vmem>>, vector<1x16xi32>,
      %swap3A_359 = vector.shape_cast %swap3A_358 : vector<1x16xi32> to vector<16xi32>
      %swap3A_360 = vector.shape_cast %and3A_354 : vector<16xi32> to vector<1x16xi32>
      tpu.vector_store %arg8[%swap3A_356, %swap3A_357], %swap3A_360 {strides = array<i32>} : memref<2x128xi32, #tpu.memory_space<vmem>>, vector<1x16xi32>,
      %get3A_361 = arith.index_cast %add3A_226 : i32 to index
      %get3A_362 = arith.constant 96 : index
      %get3A_363 = tpu.vector_load %arg6[%get3A_361, %get3A_362] {strides = array<i32>} : memref<80x128xi32, #tpu.memory_space<vmem>>, vector<1x16xi32>,
      %get3A_364 = vector.shape_cast %get3A_363 : vector<1x16xi32> to vector<16xi32>
      %shift_right_logical3A_365 = arith.constant 16 : i32
      %shift_right_logical3A_366 = vector.broadcast %shift_right_logical3A_365 : i32 to vector<16xi32>
      %shift_right_logical3A_367 = arith.shrui %get3A_364, %shift_right_logical3A_366 : vector<16xi32>
      %swap3A_368 = arith.constant 1 : i32
      %swap3A_369 = arith.index_cast %swap3A_368 : i32 to index
      %swap3A_370 = arith.constant 96 : index
      %swap3A_371 = tpu.vector_load %arg7[%swap3A_369, %swap3A_370] {strides = array<i32>} : memref<2x128xi32, #tpu.memory_space<vmem>>, vector<1x16xi32>,
      %swap3A_372 = vector.shape_cast %swap3A_371 : vector<1x16xi32> to vector<16xi32>
      %swap3A_373 = vector.shape_cast %shift_right_logical3A_367 : vector<16xi32> to vector<1x16xi32>
      tpu.vector_store %arg7[%swap3A_369, %swap3A_370], %swap3A_373 {strides = array<i32>} : memref<2x128xi32, #tpu.memory_space<vmem>>, vector<1x16xi32>,
      %and3A_374 = arith.constant 65535 : i32
      %and3A_375 = vector.broadcast %and3A_374 : i32 to vector<16xi32>
      %and3A_376 = arith.andi %get3A_364, %and3A_375 : vector<16xi32>
      %swap3A_377 = arith.constant 1 : i32
      %swap3A_378 = arith.index_cast %swap3A_377 : i32 to index
      %swap3A_379 = arith.constant 96 : index
      %swap3A_380 = tpu.vector_load %arg8[%swap3A_378, %swap3A_379] {strides = array<i32>} : memref<2x128xi32, #tpu.memory_space<vmem>>, vector<1x16xi32>,
      %swap3A_381 = vector.shape_cast %swap3A_380 : vector<1x16xi32> to vector<16xi32>
      %swap3A_382 = vector.shape_cast %and3A_376 : vector<16xi32> to vector<1x16xi32>
      tpu.vector_store %arg8[%swap3A_378, %swap3A_379], %swap3A_382 {strides = array<i32>} : memref<2x128xi32, #tpu.memory_space<vmem>>, vector<1x16xi32>,
      %get3A_383 = arith.index_cast %add3A_226 : i32 to index
      %get3A_384 = arith.constant 112 : index
      %get3A_385 = tpu.vector_load %arg6[%get3A_383, %get3A_384] {strides = array<i32>} : memref<80x128xi32, #tpu.memory_space<vmem>>, vector<1x16xi32>,
      %get3A_386 = vector.shape_cast %get3A_385 : vector<1x16xi32> to vector<16xi32>
      %shift_right_logical3A_387 = arith.constant 16 : i32
      %shift_right_logical3A_388 = vector.broadcast %shift_right_logical3A_387 : i32 to vector<16xi32>
      %shift_right_logical3A_389 = arith.shrui %get3A_386, %shift_right_logical3A_388 : vector<16xi32>
      %swap3A_390 = arith.constant 1 : i32
      %swap3A_391 = arith.index_cast %swap3A_390 : i32 to index
      %swap3A_392 = arith.constant 112 : index
      %swap3A_393 = tpu.vector_load %arg7[%swap3A_391, %swap3A_392] {strides = array<i32>} : memref<2x128xi32, #tpu.memory_space<vmem>>, vector<1x16xi32>,
      %swap3A_394 = vector.shape_cast %swap3A_393 : vector<1x16xi32> to vector<16xi32>
      %swap3A_395 = vector.shape_cast %shift_right_logical3A_389 : vector<16xi32> to vector<1x16xi32>
      tpu.vector_store %arg7[%swap3A_391, %swap3A_392], %swap3A_395 {strides = array<i32>} : memref<2x128xi32, #tpu.memory_space<vmem>>, vector<1x16xi32>,
      %and3A_396 = arith.constant 65535 : i32
      %and3A_397 = vector.broadcast %and3A_396 : i32 to vector<16xi32>
      %and3A_398 = arith.andi %get3A_386, %and3A_397 : vector<16xi32>
      %swap3A_399 = arith.constant 1 : i32
      %swap3A_400 = arith.index_cast %swap3A_399 : i32 to index
      %swap3A_401 = arith.constant 112 : index
      %swap3A_402 = tpu.vector_load %arg8[%swap3A_400, %swap3A_401] {strides = array<i32>} : memref<2x128xi32, #tpu.memory_space<vmem>>, vector<1x16xi32>,
      %swap3A_403 = vector.shape_cast %swap3A_402 : vector<1x16xi32> to vector<16xi32>
      %swap3A_404 = vector.shape_cast %and3A_398 : vector<16xi32> to vector<1x16xi32>
      tpu.vector_store %arg8[%swap3A_400, %swap3A_401], %swap3A_404 {strides = array<i32>} : memref<2x128xi32, #tpu.memory_space<vmem>>, vector<1x16xi32>,
      %dma_start3A_405 = arith.constant 1 : i32
      %dma_start3A_406 = arith.constant 0 : i32
      %dma_start3A_407 = tpu.memref_slice %arg7[%dma_start3A_405, %dma_start3A_406] : memref<2x128xi32, #tpu.memory_space<vmem>> -> memref<1x128xi32, #tpu.memory_space<vmem>>
      %dma_start3A_408 = tpu.memref_squeeze %dma_start3A_407 : memref<1x128xi32, #tpu.memory_space<vmem>> -> memref<128xi32, #tpu.memory_space<vmem>>
      %dma_start3A_409 = arith.constant 0 : i32
      %dma_start3A_410 = arith.constant 0 : i32
      %dma_start3A_411 = tpu.memref_slice %arg2[%dma_start3A_409, %dma_start3A_410] : memref<10000x128xf32, #tpu.memory_space<hbm>> -> memref<10000x128xf32, #tpu.memory_space<hbm>>
      tpu.enqueue_indirect_dma source(%dma_start3A_411 : memref<10000x128xf32, #tpu.memory_space<hbm>>) target(%arg10 : memref<128x128xf32, #tpu.memory_space<vmem>>) offsets(%dma_start3A_408 : memref<128xi32, #tpu.memory_space<vmem>>) semaphore(%arg13 : memref<!tpu.dma_semaphore, #tpu.memory_space<semaphore_mem>>)
      %dma_wait3A_412 = arith.constant 0 : i32
      %dma_wait3A_413 = arith.constant 0 : i32
      %dma_wait3A_414 = tpu.memref_slice %arg7[%dma_wait3A_412, %dma_wait3A_413] : memref<2x128xi32, #tpu.memory_space<vmem>> -> memref<1x128xi32, #tpu.memory_space<vmem>>
      %dma_wait3A_415 = tpu.memref_squeeze %dma_wait3A_414 : memref<1x128xi32, #tpu.memory_space<vmem>> -> memref<128xi32, #tpu.memory_space<vmem>>
      %dma_wait3A_416 = arith.constant 0 : i32
      %dma_wait3A_417 = arith.constant 0 : i32
      %dma_wait3A_418 = tpu.memref_slice %arg2[%dma_wait3A_416, %dma_wait3A_417] : memref<10000x128xf32, #tpu.memory_space<hbm>> -> memref<10000x128xf32, #tpu.memory_space<hbm>>
      tpu.wait_indirect_dma semaphore(%arg12 : memref<!tpu.dma_semaphore, #tpu.memory_space<semaphore_mem>>) src(%dma_wait3A_418 : memref<10000x128xf32, #tpu.memory_space<hbm>>) dst(%arg9 : memref<128x128xf32, #tpu.memory_space<vmem>>)
      %dma_start3A_419 = arith.constant 0 : i32
      %dma_start3A_420 = arith.constant 0 : i32
      %dma_start3A_421 = tpu.memref_slice %arg8[%dma_start3A_419, %dma_start3A_420] : memref<2x128xi32, #tpu.memory_space<vmem>> -> memref<1x128xi32, #tpu.memory_space<vmem>>
      %dma_start3A_422 = tpu.memref_squeeze %dma_start3A_421 : memref<1x128xi32, #tpu.memory_space<vmem>> -> memref<128xi32, #tpu.memory_space<vmem>>
      %dma_start3A_423 = arith.constant 0 : i32
      %dma_start3A_424 = arith.constant 0 : i32
      %dma_start3A_425 = tpu.memref_slice %arg11[%dma_start3A_423, %dma_start3A_424] : memref<10240x128xf32, #tpu.memory_space<vmem_shared>> -> memref<10240x128xf32, #tpu.memory_space<vmem_shared>>
      tpu.enqueue_indirect_dma source(%arg9 : memref<128x128xf32, #tpu.memory_space<vmem>>) target(%dma_start3A_425 : memref<10240x128xf32, #tpu.memory_space<vmem_shared>>) offsets(%dma_start3A_422 : memref<128xi32, #tpu.memory_space<vmem>>) semaphore(%arg14 : memref<!tpu.dma_semaphore, #tpu.memory_space<semaphore_mem>>) {add = true}
      %lt3A = arith.constant 39 : i32
      %lt3A_426 = arith.cmpi slt, %scan3A_221, %lt3A : i32
      %convert_element_type3A_427 = arith.extui %lt3A_426 : i1 to i32
      %cond3A_428 = arith.constant 0 : i32
      %cond3A_429 = arith.cmpi ne, %convert_element_type3A_427, %cond3A_428 : i32
      scf.if %cond3A_429 {
        %dma_wait3A_445 = arith.constant 0 : i32
        %dma_wait3A_446 = arith.constant 0 : i32
        %dma_wait3A_447 = tpu.memref_slice %arg8[%dma_wait3A_445, %dma_wait3A_446] : memref<2x128xi32, #tpu.memory_space<vmem>> -> memref<1x128xi32, #tpu.memory_space<vmem>>
        %dma_wait3A_448 = tpu.memref_squeeze %dma_wait3A_447 : memref<1x128xi32, #tpu.memory_space<vmem>> -> memref<128xi32, #tpu.memory_space<vmem>>
        %dma_wait3A_449 = arith.constant 0 : i32
        %dma_wait3A_450 = arith.constant 0 : i32
        %dma_wait3A_451 = tpu.memref_slice %arg11[%dma_wait3A_449, %dma_wait3A_450] : memref<10240x128xf32, #tpu.memory_space<vmem_shared>> -> memref<10240x128xf32, #tpu.memory_space<vmem_shared>>
        tpu.wait_indirect_dma semaphore(%arg14 : memref<!tpu.dma_semaphore, #tpu.memory_space<semaphore_mem>>) src(%arg9 : memref<128x128xf32, #tpu.memory_space<vmem>>) dst(%dma_wait3A_451 : memref<10240x128xf32, #tpu.memory_space<vmem_shared>>)
        %add3A_452 = arith.constant 2 : i32
        %add3A_453 = arith.addi %mul3A_224, %add3A_452 : i32
        %get3A_454 = arith.index_cast %add3A_453 : i32 to index
        %get3A_455 = arith.constant 0 : index
        %get3A_456 = tpu.vector_load %arg6[%get3A_454, %get3A_455] {strides = array<i32>} : memref<80x128xi32, #tpu.memory_space<vmem>>, vector<1x16xi32>,
        %get3A_457 = vector.shape_cast %get3A_456 : vector<1x16xi32> to vector<16xi32>
        %shift_right_logical3A_458 = arith.constant 16 : i32
        %shift_right_logical3A_459 = vector.broadcast %shift_right_logical3A_458 : i32 to vector<16xi32>
        %shift_right_logical3A_460 = arith.shrui %get3A_457, %shift_right_logical3A_459 : vector<16xi32>
        %swap3A_461 = arith.constant 0 : i32
        %swap3A_462 = arith.index_cast %swap3A_461 : i32 to index
        %swap3A_463 = arith.constant 0 : index
        %swap3A_464 = tpu.vector_load %arg7[%swap3A_462, %swap3A_463] {strides = array<i32>} : memref<2x128xi32, #tpu.memory_space<vmem>>, vector<1x16xi32>,
        %swap3A_465 = vector.shape_cast %swap3A_464 : vector<1x16xi32> to vector<16xi32>
        %swap3A_466 = vector.shape_cast %shift_right_logical3A_460 : vector<16xi32> to vector<1x16xi32>
        tpu.vector_store %arg7[%swap3A_462, %swap3A_463], %swap3A_466 {strides = array<i32>} : memref<2x128xi32, #tpu.memory_space<vmem>>, vector<1x16xi32>,
        %and3A_467 = arith.constant 65535 : i32
        %and3A_468 = vector.broadcast %and3A_467 : i32 to vector<16xi32>
        %and3A_469 = arith.andi %get3A_457, %and3A_468 : vector<16xi32>
        %swap3A_470 = arith.constant 0 : i32
        %swap3A_471 = arith.index_cast %swap3A_470 : i32 to index
        %swap3A_472 = arith.constant 0 : index
        %swap3A_473 = tpu.vector_load %arg8[%swap3A_471, %swap3A_472] {strides = array<i32>} : memref<2x128xi32, #tpu.memory_space<vmem>>, vector<1x16xi32>,
        %swap3A_474 = vector.shape_cast %swap3A_473 : vector<1x16xi32> to vector<16xi32>
        %swap3A_475 = vector.shape_cast %and3A_469 : vector<16xi32> to vector<1x16xi32>
        tpu.vector_store %arg8[%swap3A_471, %swap3A_472], %swap3A_475 {strides = array<i32>} : memref<2x128xi32, #tpu.memory_space<vmem>>, vector<1x16xi32>,
        %get3A_476 = arith.index_cast %add3A_453 : i32 to index
        %get3A_477 = arith.constant 16 : index
        %get3A_478 = tpu.vector_load %arg6[%get3A_476, %get3A_477] {strides = array<i32>} : memref<80x128xi32, #tpu.memory_space<vmem>>, vector<1x16xi32>,
        %get3A_479 = vector.shape_cast %get3A_478 : vector<1x16xi32> to vector<16xi32>
        %shift_right_logical3A_480 = arith.constant 16 : i32
        %shift_right_logical3A_481 = vector.broadcast %shift_right_logical3A_480 : i32 to vector<16xi32>
        %shift_right_logical3A_482 = arith.shrui %get3A_479, %shift_right_logical3A_481 : vector<16xi32>
        %swap3A_483 = arith.constant 0 : i32
        %swap3A_484 = arith.index_cast %swap3A_483 : i32 to index
        %swap3A_485 = arith.constant 16 : index
        %swap3A_486 = tpu.vector_load %arg7[%swap3A_484, %swap3A_485] {strides = array<i32>} : memref<2x128xi32, #tpu.memory_space<vmem>>, vector<1x16xi32>,
        %swap3A_487 = vector.shape_cast %swap3A_486 : vector<1x16xi32> to vector<16xi32>
        %swap3A_488 = vector.shape_cast %shift_right_logical3A_482 : vector<16xi32> to vector<1x16xi32>
        tpu.vector_store %arg7[%swap3A_484, %swap3A_485], %swap3A_488 {strides = array<i32>} : memref<2x128xi32, #tpu.memory_space<vmem>>, vector<1x16xi32>,
        %and3A_489 = arith.constant 65535 : i32
        %and3A_490 = vector.broadcast %and3A_489 : i32 to vector<16xi32>
        %and3A_491 = arith.andi %get3A_479, %and3A_490 : vector<16xi32>
        %swap3A_492 = arith.constant 0 : i32
        %swap3A_493 = arith.index_cast %swap3A_492 : i32 to index
        %swap3A_494 = arith.constant 16 : index
        %swap3A_495 = tpu.vector_load %arg8[%swap3A_493, %swap3A_494] {strides = array<i32>} : memref<2x128xi32, #tpu.memory_space<vmem>>, vector<1x16xi32>,
        %swap3A_496 = vector.shape_cast %swap3A_495 : vector<1x16xi32> to vector<16xi32>
        %swap3A_497 = vector.shape_cast %and3A_491 : vector<16xi32> to vector<1x16xi32>
        tpu.vector_store %arg8[%swap3A_493, %swap3A_494], %swap3A_497 {strides = array<i32>} : memref<2x128xi32, #tpu.memory_space<vmem>>, vector<1x16xi32>,
        %get3A_498 = arith.index_cast %add3A_453 : i32 to index
        %get3A_499 = arith.constant 32 : index
        %get3A_500 = tpu.vector_load %arg6[%get3A_498, %get3A_499] {strides = array<i32>} : memref<80x128xi32, #tpu.memory_space<vmem>>, vector<1x16xi32>,
        %get3A_501 = vector.shape_cast %get3A_500 : vector<1x16xi32> to vector<16xi32>
        %shift_right_logical3A_502 = arith.constant 16 : i32
        %shift_right_logical3A_503 = vector.broadcast %shift_right_logical3A_502 : i32 to vector<16xi32>
        %shift_right_logical3A_504 = arith.shrui %get3A_501, %shift_right_logical3A_503 : vector<16xi32>
        %swap3A_505 = arith.constant 0 : i32
        %swap3A_506 = arith.index_cast %swap3A_505 : i32 to index
        %swap3A_507 = arith.constant 32 : index
        %swap3A_508 = tpu.vector_load %arg7[%swap3A_506, %swap3A_507] {strides = array<i32>} : memref<2x128xi32, #tpu.memory_space<vmem>>, vector<1x16xi32>,
        %swap3A_509 = vector.shape_cast %swap3A_508 : vector<1x16xi32> to vector<16xi32>
        %swap3A_510 = vector.shape_cast %shift_right_logical3A_504 : vector<16xi32> to vector<1x16xi32>
        tpu.vector_store %arg7[%swap3A_506, %swap3A_507], %swap3A_510 {strides = array<i32>} : memref<2x128xi32, #tpu.memory_space<vmem>>, vector<1x16xi32>,
        %and3A_511 = arith.constant 65535 : i32
        %and3A_512 = vector.broadcast %and3A_511 : i32 to vector<16xi32>
        %and3A_513 = arith.andi %get3A_501, %and3A_512 : vector<16xi32>
        %swap3A_514 = arith.constant 0 : i32
        %swap3A_515 = arith.index_cast %swap3A_514 : i32 to index
        %swap3A_516 = arith.constant 32 : index
        %swap3A_517 = tpu.vector_load %arg8[%swap3A_515, %swap3A_516] {strides = array<i32>} : memref<2x128xi32, #tpu.memory_space<vmem>>, vector<1x16xi32>,
        %swap3A_518 = vector.shape_cast %swap3A_517 : vector<1x16xi32> to vector<16xi32>
        %swap3A_519 = vector.shape_cast %and3A_513 : vector<16xi32> to vector<1x16xi32>
        tpu.vector_store %arg8[%swap3A_515, %swap3A_516], %swap3A_519 {strides = array<i32>} : memref<2x128xi32, #tpu.memory_space<vmem>>, vector<1x16xi32>,
        %get3A_520 = arith.index_cast %add3A_453 : i32 to index
        %get3A_521 = arith.constant 48 : index
        %get3A_522 = tpu.vector_load %arg6[%get3A_520, %get3A_521] {strides = array<i32>} : memref<80x128xi32, #tpu.memory_space<vmem>>, vector<1x16xi32>,
        %get3A_523 = vector.shape_cast %get3A_522 : vector<1x16xi32> to vector<16xi32>
        %shift_right_logical3A_524 = arith.constant 16 : i32
        %shift_right_logical3A_525 = vector.broadcast %shift_right_logical3A_524 : i32 to vector<16xi32>
        %shift_right_logical3A_526 = arith.shrui %get3A_523, %shift_right_logical3A_525 : vector<16xi32>
        %swap3A_527 = arith.constant 0 : i32
        %swap3A_528 = arith.index_cast %swap3A_527 : i32 to index
        %swap3A_529 = arith.constant 48 : index
        %swap3A_530 = tpu.vector_load %arg7[%swap3A_528, %swap3A_529] {strides = array<i32>} : memref<2x128xi32, #tpu.memory_space<vmem>>, vector<1x16xi32>,
        %swap3A_531 = vector.shape_cast %swap3A_530 : vector<1x16xi32> to vector<16xi32>
        %swap3A_532 = vector.shape_cast %shift_right_logical3A_526 : vector<16xi32> to vector<1x16xi32>
        tpu.vector_store %arg7[%swap3A_528, %swap3A_529], %swap3A_532 {strides = array<i32>} : memref<2x128xi32, #tpu.memory_space<vmem>>, vector<1x16xi32>,
        %and3A_533 = arith.constant 65535 : i32
        %and3A_534 = vector.broadcast %and3A_533 : i32 to vector<16xi32>
        %and3A_535 = arith.andi %get3A_523, %and3A_534 : vector<16xi32>
        %swap3A_536 = arith.constant 0 : i32
        %swap3A_537 = arith.index_cast %swap3A_536 : i32 to index
        %swap3A_538 = arith.constant 48 : index
        %swap3A_539 = tpu.vector_load %arg8[%swap3A_537, %swap3A_538] {strides = array<i32>} : memref<2x128xi32, #tpu.memory_space<vmem>>, vector<1x16xi32>,
        %swap3A_540 = vector.shape_cast %swap3A_539 : vector<1x16xi32> to vector<16xi32>
        %swap3A_541 = vector.shape_cast %and3A_535 : vector<16xi32> to vector<1x16xi32>
        tpu.vector_store %arg8[%swap3A_537, %swap3A_538], %swap3A_541 {strides = array<i32>} : memref<2x128xi32, #tpu.memory_space<vmem>>, vector<1x16xi32>,
        %get3A_542 = arith.index_cast %add3A_453 : i32 to index
        %get3A_543 = arith.constant 64 : index
        %get3A_544 = tpu.vector_load %arg6[%get3A_542, %get3A_543] {strides = array<i32>} : memref<80x128xi32, #tpu.memory_space<vmem>>, vector<1x16xi32>,
        %get3A_545 = vector.shape_cast %get3A_544 : vector<1x16xi32> to vector<16xi32>
        %shift_right_logical3A_546 = arith.constant 16 : i32
        %shift_right_logical3A_547 = vector.broadcast %shift_right_logical3A_546 : i32 to vector<16xi32>
        %shift_right_logical3A_548 = arith.shrui %get3A_545, %shift_right_logical3A_547 : vector<16xi32>
        %swap3A_549 = arith.constant 0 : i32
        %swap3A_550 = arith.index_cast %swap3A_549 : i32 to index
        %swap3A_551 = arith.constant 64 : index
        %swap3A_552 = tpu.vector_load %arg7[%swap3A_550, %swap3A_551] {strides = array<i32>} : memref<2x128xi32, #tpu.memory_space<vmem>>, vector<1x16xi32>,
        %swap3A_553 = vector.shape_cast %swap3A_552 : vector<1x16xi32> to vector<16xi32>
        %swap3A_554 = vector.shape_cast %shift_right_logical3A_548 : vector<16xi32> to vector<1x16xi32>
        tpu.vector_store %arg7[%swap3A_550, %swap3A_551], %swap3A_554 {strides = array<i32>} : memref<2x128xi32, #tpu.memory_space<vmem>>, vector<1x16xi32>,
        %and3A_555 = arith.constant 65535 : i32
        %and3A_556 = vector.broadcast %and3A_555 : i32 to vector<16xi32>
        %and3A_557 = arith.andi %get3A_545, %and3A_556 : vector<16xi32>
        %swap3A_558 = arith.constant 0 : i32
        %swap3A_559 = arith.index_cast %swap3A_558 : i32 to index
        %swap3A_560 = arith.constant 64 : index
        %swap3A_561 = tpu.vector_load %arg8[%swap3A_559, %swap3A_560] {strides = array<i32>} : memref<2x128xi32, #tpu.memory_space<vmem>>, vector<1x16xi32>,
        %swap3A_562 = vector.shape_cast %swap3A_561 : vector<1x16xi32> to vector<16xi32>
        %swap3A_563 = vector.shape_cast %and3A_557 : vector<16xi32> to vector<1x16xi32>
        tpu.vector_store %arg8[%swap3A_559, %swap3A_560], %swap3A_563 {strides = array<i32>} : memref<2x128xi32, #tpu.memory_space<vmem>>, vector<1x16xi32>,
        %get3A_564 = arith.index_cast %add3A_453 : i32 to index
        %get3A_565 = arith.constant 80 : index
        %get3A_566 = tpu.vector_load %arg6[%get3A_564, %get3A_565] {strides = array<i32>} : memref<80x128xi32, #tpu.memory_space<vmem>>, vector<1x16xi32>,
        %get3A_567 = vector.shape_cast %get3A_566 : vector<1x16xi32> to vector<16xi32>
        %shift_right_logical3A_568 = arith.constant 16 : i32
        %shift_right_logical3A_569 = vector.broadcast %shift_right_logical3A_568 : i32 to vector<16xi32>
        %shift_right_logical3A_570 = arith.shrui %get3A_567, %shift_right_logical3A_569 : vector<16xi32>
        %swap3A_571 = arith.constant 0 : i32
        %swap3A_572 = arith.index_cast %swap3A_571 : i32 to index
        %swap3A_573 = arith.constant 80 : index
        %swap3A_574 = tpu.vector_load %arg7[%swap3A_572, %swap3A_573] {strides = array<i32>} : memref<2x128xi32, #tpu.memory_space<vmem>>, vector<1x16xi32>,
        %swap3A_575 = vector.shape_cast %swap3A_574 : vector<1x16xi32> to vector<16xi32>
        %swap3A_576 = vector.shape_cast %shift_right_logical3A_570 : vector<16xi32> to vector<1x16xi32>
        tpu.vector_store %arg7[%swap3A_572, %swap3A_573], %swap3A_576 {strides = array<i32>} : memref<2x128xi32, #tpu.memory_space<vmem>>, vector<1x16xi32>,
        %and3A_577 = arith.constant 65535 : i32
        %and3A_578 = vector.broadcast %and3A_577 : i32 to vector<16xi32>
        %and3A_579 = arith.andi %get3A_567, %and3A_578 : vector<16xi32>
        %swap3A_580 = arith.constant 0 : i32
        %swap3A_581 = arith.index_cast %swap3A_580 : i32 to index
        %swap3A_582 = arith.constant 80 : index
        %swap3A_583 = tpu.vector_load %arg8[%swap3A_581, %swap3A_582] {strides = array<i32>} : memref<2x128xi32, #tpu.memory_space<vmem>>, vector<1x16xi32>,
        %swap3A_584 = vector.shape_cast %swap3A_583 : vector<1x16xi32> to vector<16xi32>
        %swap3A_585 = vector.shape_cast %and3A_579 : vector<16xi32> to vector<1x16xi32>
        tpu.vector_store %arg8[%swap3A_581, %swap3A_582], %swap3A_585 {strides = array<i32>} : memref<2x128xi32, #tpu.memory_space<vmem>>, vector<1x16xi32>,
        %get3A_586 = arith.index_cast %add3A_453 : i32 to index
        %get3A_587 = arith.constant 96 : index
        %get3A_588 = tpu.vector_load %arg6[%get3A_586, %get3A_587] {strides = array<i32>} : memref<80x128xi32, #tpu.memory_space<vmem>>, vector<1x16xi32>,
        %get3A_589 = vector.shape_cast %get3A_588 : vector<1x16xi32> to vector<16xi32>
        %shift_right_logical3A_590 = arith.constant 16 : i32
        %shift_right_logical3A_591 = vector.broadcast %shift_right_logical3A_590 : i32 to vector<16xi32>
        %shift_right_logical3A_592 = arith.shrui %get3A_589, %shift_right_logical3A_591 : vector<16xi32>
        %swap3A_593 = arith.constant 0 : i32
        %swap3A_594 = arith.index_cast %swap3A_593 : i32 to index
        %swap3A_595 = arith.constant 96 : index
        %swap3A_596 = tpu.vector_load %arg7[%swap3A_594, %swap3A_595] {strides = array<i32>} : memref<2x128xi32, #tpu.memory_space<vmem>>, vector<1x16xi32>,
        %swap3A_597 = vector.shape_cast %swap3A_596 : vector<1x16xi32> to vector<16xi32>
        %swap3A_598 = vector.shape_cast %shift_right_logical3A_592 : vector<16xi32> to vector<1x16xi32>
        tpu.vector_store %arg7[%swap3A_594, %swap3A_595], %swap3A_598 {strides = array<i32>} : memref<2x128xi32, #tpu.memory_space<vmem>>, vector<1x16xi32>,
        %and3A_599 = arith.constant 65535 : i32
        %and3A_600 = vector.broadcast %and3A_599 : i32 to vector<16xi32>
        %and3A_601 = arith.andi %get3A_589, %and3A_600 : vector<16xi32>
        %swap3A_602 = arith.constant 0 : i32
        %swap3A_603 = arith.index_cast %swap3A_602 : i32 to index
        %swap3A_604 = arith.constant 96 : index
        %swap3A_605 = tpu.vector_load %arg8[%swap3A_603, %swap3A_604] {strides = array<i32>} : memref<2x128xi32, #tpu.memory_space<vmem>>, vector<1x16xi32>,
        %swap3A_606 = vector.shape_cast %swap3A_605 : vector<1x16xi32> to vector<16xi32>
        %swap3A_607 = vector.shape_cast %and3A_601 : vector<16xi32> to vector<1x16xi32>
        tpu.vector_store %arg8[%swap3A_603, %swap3A_604], %swap3A_607 {strides = array<i32>} : memref<2x128xi32, #tpu.memory_space<vmem>>, vector<1x16xi32>,
        %get3A_608 = arith.index_cast %add3A_453 : i32 to index
        %get3A_609 = arith.constant 112 : index
        %get3A_610 = tpu.vector_load %arg6[%get3A_608, %get3A_609] {strides = array<i32>} : memref<80x128xi32, #tpu.memory_space<vmem>>, vector<1x16xi32>,
        %get3A_611 = vector.shape_cast %get3A_610 : vector<1x16xi32> to vector<16xi32>
        %shift_right_logical3A_612 = arith.constant 16 : i32
        %shift_right_logical3A_613 = vector.broadcast %shift_right_logical3A_612 : i32 to vector<16xi32>
        %shift_right_logical3A_614 = arith.shrui %get3A_611, %shift_right_logical3A_613 : vector<16xi32>
        %swap3A_615 = arith.constant 0 : i32
        %swap3A_616 = arith.index_cast %swap3A_615 : i32 to index
        %swap3A_617 = arith.constant 112 : index
        %swap3A_618 = tpu.vector_load %arg7[%swap3A_616, %swap3A_617] {strides = array<i32>} : memref<2x128xi32, #tpu.memory_space<vmem>>, vector<1x16xi32>,
        %swap3A_619 = vector.shape_cast %swap3A_618 : vector<1x16xi32> to vector<16xi32>
        %swap3A_620 = vector.shape_cast %shift_right_logical3A_614 : vector<16xi32> to vector<1x16xi32>
        tpu.vector_store %arg7[%swap3A_616, %swap3A_617], %swap3A_620 {strides = array<i32>} : memref<2x128xi32, #tpu.memory_space<vmem>>, vector<1x16xi32>,
        %and3A_621 = arith.constant 65535 : i32
        %and3A_622 = vector.broadcast %and3A_621 : i32 to vector<16xi32>
        %and3A_623 = arith.andi %get3A_611, %and3A_622 : vector<16xi32>
        %swap3A_624 = arith.constant 0 : i32
        %swap3A_625 = arith.index_cast %swap3A_624 : i32 to index
        %swap3A_626 = arith.constant 112 : index
        %swap3A_627 = tpu.vector_load %arg8[%swap3A_625, %swap3A_626] {strides = array<i32>} : memref<2x128xi32, #tpu.memory_space<vmem>>, vector<1x16xi32>,
        %swap3A_628 = vector.shape_cast %swap3A_627 : vector<1x16xi32> to vector<16xi32>
        %swap3A_629 = vector.shape_cast %and3A_623 : vector<16xi32> to vector<1x16xi32>
        tpu.vector_store %arg8[%swap3A_625, %swap3A_626], %swap3A_629 {strides = array<i32>} : memref<2x128xi32, #tpu.memory_space<vmem>>, vector<1x16xi32>,
        %add3A_630 = arith.constant 2 : i32
        %add3A_631 = arith.addi %mul3A_224, %add3A_630 : i32
        %dma_start3A_632 = arith.constant 0 : i32
        %dma_start3A_633 = arith.constant 0 : i32
        %dma_start3A_634 = tpu.memref_slice %arg7[%dma_start3A_632, %dma_start3A_633] : memref<2x128xi32, #tpu.memory_space<vmem>> -> memref<1x128xi32, #tpu.memory_space<vmem>>
        %dma_start3A_635 = tpu.memref_squeeze %dma_start3A_634 : memref<1x128xi32, #tpu.memory_space<vmem>> -> memref<128xi32, #tpu.memory_space<vmem>>
        %dma_start3A_636 = arith.constant 0 : i32
        %dma_start3A_637 = arith.constant 0 : i32
        %dma_start3A_638 = tpu.memref_slice %arg2[%dma_start3A_636, %dma_start3A_637] : memref<10000x128xf32, #tpu.memory_space<hbm>> -> memref<10000x128xf32, #tpu.memory_space<hbm>>
        tpu.enqueue_indirect_dma source(%dma_start3A_638 : memref<10000x128xf32, #tpu.memory_space<hbm>>) target(%arg9 : memref<128x128xf32, #tpu.memory_space<vmem>>) offsets(%dma_start3A_635 : memref<128xi32, #tpu.memory_space<vmem>>) semaphore(%arg12 : memref<!tpu.dma_semaphore, #tpu.memory_space<semaphore_mem>>)
      } else {
      }
      %dma_wait3A_430 = arith.constant 1 : i32
      %dma_wait3A_431 = arith.constant 0 : i32
      %dma_wait3A_432 = tpu.memref_slice %arg7[%dma_wait3A_430, %dma_wait3A_431] : memref<2x128xi32, #tpu.memory_space<vmem>> -> memref<1x128xi32, #tpu.memory_space<vmem>>
      %dma_wait3A_433 = tpu.memref_squeeze %dma_wait3A_432 : memref<1x128xi32, #tpu.memory_space<vmem>> -> memref<128xi32, #tpu.memory_space<vmem>>
      %dma_wait3A_434 = arith.constant 0 : i32
      %dma_wait3A_435 = arith.constant 0 : i32
      %dma_wait3A_436 = tpu.memref_slice %arg2[%dma_wait3A_434, %dma_wait3A_435] : memref<10000x128xf32, #tpu.memory_space<hbm>> -> memref<10000x128xf32, #tpu.memory_space<hbm>>
      tpu.wait_indirect_dma semaphore(%arg13 : memref<!tpu.dma_semaphore, #tpu.memory_space<semaphore_mem>>) src(%dma_wait3A_436 : memref<10000x128xf32, #tpu.memory_space<hbm>>) dst(%arg10 : memref<128x128xf32, #tpu.memory_space<vmem>>)
      %dma_start3A_437 = arith.constant 1 : i32
      %dma_start3A_438 = arith.constant 0 : i32
      %dma_start3A_439 = tpu.memref_slice %arg8[%dma_start3A_437, %dma_start3A_438] : memref<2x128xi32, #tpu.memory_space<vmem>> -> memref<1x128xi32, #tpu.memory_space<vmem>>
      %dma_start3A_440 = tpu.memref_squeeze %dma_start3A_439 : memref<1x128xi32, #tpu.memory_space<vmem>> -> memref<128xi32, #tpu.memory_space<vmem>>
      %dma_start3A_441 = arith.constant 0 : i32
      %dma_start3A_442 = arith.constant 0 : i32
      %dma_start3A_443 = tpu.memref_slice %arg11[%dma_start3A_441, %dma_start3A_442] : memref<10240x128xf32, #tpu.memory_space<vmem_shared>> -> memref<10240x128xf32, #tpu.memory_space<vmem_shared>>
      tpu.enqueue_indirect_dma source(%arg10 : memref<128x128xf32, #tpu.memory_space<vmem>>) target(%dma_start3A_443 : memref<10240x128xf32, #tpu.memory_space<vmem_shared>>) offsets(%dma_start3A_440 : memref<128xi32, #tpu.memory_space<vmem>>) semaphore(%arg15 : memref<!tpu.dma_semaphore, #tpu.memory_space<semaphore_mem>>) {add = true}
      %scan3A_444 = arith.constant 0 : i32
      scf.yield %scan3A_444 : i32
    }
    %scan3A_199 = arith.constant 40 : i32
    %dma_wait3A = arith.constant 0 : i32
    %dma_wait3A_200 = arith.constant 0 : i32
    %dma_wait3A_201 = tpu.memref_slice %arg8[%dma_wait3A, %dma_wait3A_200] : memref<2x128xi32, #tpu.memory_space<vmem>> -> memref<1x128xi32, #tpu.memory_space<vmem>>
    %dma_wait3A_202 = tpu.memref_squeeze %dma_wait3A_201 : memref<1x128xi32, #tpu.memory_space<vmem>> -> memref<128xi32, #tpu.memory_space<vmem>>
    %dma_wait3A_203 = arith.constant 0 : i32
    %dma_wait3A_204 = arith.constant 0 : i32
    %dma_wait3A_205 = tpu.memref_slice %arg11[%dma_wait3A_203, %dma_wait3A_204] : memref<10240x128xf32, #tpu.memory_space<vmem_shared>> -> memref<10240x128xf32, #tpu.memory_space<vmem_shared>>
    tpu.wait_indirect_dma semaphore(%arg14 : memref<!tpu.dma_semaphore, #tpu.memory_space<semaphore_mem>>) src(%arg9 : memref<128x128xf32, #tpu.memory_space<vmem>>) dst(%dma_wait3A_205 : memref<10240x128xf32, #tpu.memory_space<vmem_shared>>)
    %dma_wait3A_206 = arith.constant 1 : i32
    %dma_wait3A_207 = arith.constant 0 : i32
    %dma_wait3A_208 = tpu.memref_slice %arg8[%dma_wait3A_206, %dma_wait3A_207] : memref<2x128xi32, #tpu.memory_space<vmem>> -> memref<1x128xi32, #tpu.memory_space<vmem>>
    %dma_wait3A_209 = tpu.memref_squeeze %dma_wait3A_208 : memref<1x128xi32, #tpu.memory_space<vmem>> -> memref<128xi32, #tpu.memory_space<vmem>>
    %dma_wait3A_210 = arith.constant 0 : i32
    %dma_wait3A_211 = arith.constant 0 : i32
    %dma_wait3A_212 = tpu.memref_slice %arg11[%dma_wait3A_210, %dma_wait3A_211] : memref<10240x128xf32, #tpu.memory_space<vmem_shared>> -> memref<10240x128xf32, #tpu.memory_space<vmem_shared>>
    tpu.wait_indirect_dma semaphore(%arg15 : memref<!tpu.dma_semaphore, #tpu.memory_space<semaphore_mem>>) src(%arg10 : memref<128x128xf32, #tpu.memory_space<vmem>>) dst(%dma_wait3A_212 : memref<10240x128xf32, #tpu.memory_space<vmem_shared>>)
    %barrier3A_213 = arith.constant 0 : index
    tpu.barrier barrier_id(%barrier3A_213)
    %scan3A_214 = arith.constant 0 : i32
    %scan3A_215 = arith.constant 0 : i32
    %scan3A_216 = arith.constant 5 : i32
    %scan3A_217 = arith.addi %scan3A_215, %scan3A_216 : i32
    %scan3A_218 = arith.constant 1 : i32
    %scan3A_219 = scf.for %scan3A_221 = %scan3A_215 to %scan3A_217 step %scan3A_218 iter_args(%scan3A_222 = %scan3A_214) -> (i32)  : i32 {
      %mul3A_223 = arith.constant 640 : i32
      %mul3A_224 = arith.muli %arg1, %mul3A_223 : i32
      %mul3A_225 = arith.constant 128 : i32
      %mul3A_226 = arith.muli %scan3A_221, %mul3A_225 : i32
      %add3A_227 = arith.addi %mul3A_224, %mul3A_226 : i32
      "tpu.region"() ({
        %run_scoped3A = tpu.sem_alloc : memref<!tpu.dma_semaphore, #tpu.memory_space<semaphore_mem>>
        %dma_start3A_229 = arith.constant 0 : i32
        %dma_start3A_230 = tpu.memref_slice %arg11[%add3A_227, %dma_start3A_229] : memref<10240x128xf32, #tpu.memory_space<vmem_shared>> -> memref<128x128xf32, #tpu.memory_space<vmem_shared>>
        %dma_start3A_231 = arith.constant 0 : i32
        %dma_start3A_232 = tpu.memref_slice %arg11[%add3A_227, %dma_start3A_231] : memref<10240x128xf32, #tpu.memory_space<vmem_shared>> -> memref<128x128xf32, #tpu.memory_space<vmem_shared>>
        tpu.enqueue_dma source(%dma_start3A_232 : memref<128x128xf32, #tpu.memory_space<vmem_shared>>) target(%arg9 : memref<128x128xf32, #tpu.memory_space<vmem>>) target_semaphore(%run_scoped3A : memref<!tpu.dma_semaphore, #tpu.memory_space<semaphore_mem>>)
        %dma_wait3A_233 = arith.constant 0 : i32
        %dma_wait3A_234 = tpu.memref_slice %arg11[%add3A_227, %dma_wait3A_233] : memref<10240x128xf32, #tpu.memory_space<vmem_shared>> -> memref<128x128xf32, #tpu.memory_space<vmem_shared>>
        %dma_wait3A_235 = arith.constant 0 : i32
        %dma_wait3A_236 = tpu.memref_slice %arg11[%add3A_227, %dma_wait3A_235] : memref<10240x128xf32, #tpu.memory_space<vmem_shared>> -> memref<128x128xf32, #tpu.memory_space<vmem_shared>>
        tpu.wait_dma2 semaphore(%run_scoped3A : memref<!tpu.dma_semaphore, #tpu.memory_space<semaphore_mem>>) src(%dma_wait3A_236 : memref<128x128xf32, #tpu.memory_space<vmem_shared>>) dst(%arg9 : memref<128x128xf32, #tpu.memory_space<vmem>>)
        tpu.yield
      }) : () -> ()
      "tpu.region"() ({
        %run_scoped3A = tpu.sem_alloc : memref<!tpu.dma_semaphore, #tpu.memory_space<semaphore_mem>>
        %dma_start3A_229 = arith.constant 0 : i32
        %dma_start3A_230 = tpu.memref_slice %arg5[%arg0, %add3A_227, %dma_start3A_229] : memref<2x10240x128xf32, #tpu.memory_space<hbm>> -> memref<1x128x128xf32, #tpu.memory_space<hbm>>
        %dma_start3A_231 = tpu.memref_squeeze %dma_start3A_230 : memref<1x128x128xf32, #tpu.memory_space<hbm>> -> memref<128x128xf32, #tpu.memory_space<hbm>>
        %dma_start3A_232 = arith.constant 0 : i32
        %dma_start3A_233 = tpu.memref_slice %arg5[%arg0, %add3A_227, %dma_start3A_232] : memref<2x10240x128xf32, #tpu.memory_space<hbm>> -> memref<1x128x128xf32, #tpu.memory_space<hbm>>
        %dma_start3A_234 = tpu.memref_squeeze %dma_start3A_233 : memref<1x128x128xf32, #tpu.memory_space<hbm>> -> memref<128x128xf32, #tpu.memory_space<hbm>>
        tpu.enqueue_dma source(%arg9 : memref<128x128xf32, #tpu.memory_space<vmem>>) target(%dma_start3A_234 : memref<128x128xf32, #tpu.memory_space<hbm>>) target_semaphore(%run_scoped3A : memref<!tpu.dma_semaphore, #tpu.memory_space<semaphore_mem>>)
        %dma_wait3A_235 = arith.constant 0 : i32
        %dma_wait3A_236 = tpu.memref_slice %arg5[%arg0, %add3A_227, %dma_wait3A_235] : memref<2x10240x128xf32, #tpu.memory_space<hbm>> -> memref<1x128x128xf32, #tpu.memory_space<hbm>>
        %dma_wait3A_237 = tpu.memref_squeeze %dma_wait3A_236 : memref<1x128x128xf32, #tpu.memory_space<hbm>> -> memref<128x128xf32, #tpu.memory_space<hbm>>
        %dma_wait3A_238 = arith.constant 0 : i32
        %dma_wait3A_239 = tpu.memref_slice %arg5[%arg0, %add3A_227, %dma_wait3A_238] : memref<2x10240x128xf32, #tpu.memory_space<hbm>> -> memref<1x128x128xf32, #tpu.memory_space<hbm>>
        %dma_wait3A_240 = tpu.memref_squeeze %dma_wait3A_239 : memref<1x128x128xf32, #tpu.memory_space<hbm>> -> memref<128x128xf32, #tpu.memory_space<hbm>>
        tpu.wait_dma2 semaphore(%run_scoped3A : memref<!tpu.dma_semaphore, #tpu.memory_space<semaphore_mem>>) src(%arg9 : memref<128x128xf32, #tpu.memory_space<vmem>>) dst(%dma_wait3A_240 : memref<128x128xf32, #tpu.memory_space<hbm>>)
        tpu.yield
      }) : () -> ()
      %scan3A_228 = arith.constant 0 : i32
      scf.yield %scan3A_228 : i32
    }
    %scan3A_220 = arith.constant 5 : i32
    return
  }
}

#map = affine_map<(d0, d1) -> (0, 0)>
#map1 = affine_map<(d0, d1) -> (0, 0, 0)>
module attributes {stable_mosaic.version = 14 : i64} {
  func.func @aggr_kernel(%arg0: i32, %arg1: i32, %arg2: memref<10000x128xf32, #tpu.memory_space<hbm>>, %arg3: memref<32x80x128xi32, #tpu.memory_space<hbm>>, %arg4: memref<128x128xf32, #tpu.memory_space<hbm>>, %arg5: memref<2x10240x128xf32, #tpu.memory_space<hbm>>, %arg6: memref<80x128xi32, #tpu.memory_space<vmem>>, %arg7: memref<2x128xi32, #tpu.memory_space<vmem>>, %arg8: memref<2x128xi32, #tpu.memory_space<vmem>>, %arg9: memref<128x128xf32, #tpu.memory_space<vmem>>, %arg10: memref<128x128xf32, #tpu.memory_space<vmem>>, %arg11: memref<10240x128xf32, #tpu.memory_space<vmem_shared>>, %arg12: memref<!tpu.dma_semaphore, #tpu.memory_space<semaphore_mem>>, %arg13: memref<!tpu.dma_semaphore, #tpu.memory_space<semaphore_mem>>, %arg14: memref<!tpu.dma_semaphore, #tpu.memory_space<semaphore_mem>>, %arg15: memref<!tpu.dma_semaphore, #tpu.memory_space<semaphore_mem>>) attributes {dimension_semantics = [#tpu.dimension_semantics<core_parallel>, #tpu.dimension_semantics<subcore_parallel>], iteration_bounds = array<i64: 2, 16>, scalar_prefetch = 0 : i64, scratch_operands = 10 : i64, tpu.core_type = #tpu.core_type<sc_vector_subcore>, window_params = [{transform_indices = #map}, {transform_indices = #map1}, {transform_indices = #map}, {transform_indices = #map1}]} {
    %mul3A = arith.constant 16 : i32
    %mul3A_0 = arith.muli %arg0, %mul3A : i32
    %add3A = arith.addi %mul3A_0, %arg1 : i32
    "tpu.region"() ({
      %run_scoped3A = tpu.sem_alloc : memref<!tpu.dma_semaphore, #tpu.memory_space<semaphore_mem>>
      tpu.enqueue_dma source(%arg4 : memref<128x128xf32, #tpu.memory_space<hbm>>) target(%arg9 : memref<128x128xf32, #tpu.memory_space<vmem>>) target_semaphore(%run_scoped3A : memref<!tpu.dma_semaphore, #tpu.memory_space<semaphore_mem>>)
      tpu.wait_dma2 semaphore(%run_scoped3A : memref<!tpu.dma_semaphore, #tpu.memory_space<semaphore_mem>>) src(%arg4 : memref<128x128xf32, #tpu.memory_space<hbm>>) dst(%arg9 : memref<128x128xf32, #tpu.memory_space<vmem>>)
      tpu.yield
    }) : () -> ()
    %scan3A = arith.constant 0 : i32
    %scan3A_1 = arith.constant 0 : i32
    %scan3A_2 = arith.constant 5 : i32
    %scan3A_3 = arith.addi %scan3A_1, %scan3A_2 : i32
    %scan3A_4 = arith.constant 1 : i32
    %scan3A_5 = scf.for %scan3A_221 = %scan3A_1 to %scan3A_3 step %scan3A_4 iter_args(%scan3A_222 = %scan3A) -> (i32)  : i32 {
      %mul3A_223 = arith.constant 640 : i32
      %mul3A_224 = arith.muli %arg1, %mul3A_223 : i32
      %mul3A_225 = arith.constant 128 : i32
      %mul3A_226 = arith.muli %scan3A_221, %mul3A_225 : i32
      %add3A_227 = arith.addi %mul3A_224, %mul3A_226 : i32
      "tpu.region"() ({
        %run_scoped3A = tpu.sem_alloc : memref<!tpu.dma_semaphore, #tpu.memory_space<semaphore_mem>>
        %dma_start3A_229 = arith.constant 0 : i32
        %dma_start3A_230 = tpu.memref_slice %arg11[%add3A_227, %dma_start3A_229] : memref<10240x128xf32, #tpu.memory_space<vmem_shared>> -> memref<128x128xf32, #tpu.memory_space<vmem_shared>>
        %dma_start3A_231 = arith.constant 0 : i32
        %dma_start3A_232 = tpu.memref_slice %arg11[%add3A_227, %dma_start3A_231] : memref<10240x128xf32, #tpu.memory_space<vmem_shared>> -> memref<128x128xf32, #tpu.memory_space<vmem_shared>>
        tpu.enqueue_dma source(%arg9 : memref<128x128xf32, #tpu.memory_space<vmem>>) target(%dma_start3A_232 : memref<128x128xf32, #tpu.memory_space<vmem_shared>>) target_semaphore(%run_scoped3A : memref<!tpu.dma_semaphore, #tpu.memory_space<semaphore_mem>>)
        %dma_wait3A_233 = arith.constant 0 : i32
        %dma_wait3A_234 = tpu.memref_slice %arg11[%add3A_227, %dma_wait3A_233] : memref<10240x128xf32, #tpu.memory_space<vmem_shared>> -> memref<128x128xf32, #tpu.memory_space<vmem_shared>>
        %dma_wait3A_235 = arith.constant 0 : i32
        %dma_wait3A_236 = tpu.memref_slice %arg11[%add3A_227, %dma_wait3A_235] : memref<10240x128xf32, #tpu.memory_space<vmem_shared>> -> memref<128x128xf32, #tpu.memory_space<vmem_shared>>
        tpu.wait_dma2 semaphore(%run_scoped3A : memref<!tpu.dma_semaphore, #tpu.memory_space<semaphore_mem>>) src(%arg9 : memref<128x128xf32, #tpu.memory_space<vmem>>) dst(%dma_wait3A_236 : memref<128x128xf32, #tpu.memory_space<vmem_shared>>)
        tpu.yield
      }) : () -> ()
      %scan3A_228 = arith.constant 0 : i32
      scf.yield %scan3A_228 : i32
    }
    %scan3A_6 = arith.constant 5 : i32
    "tpu.region"() ({
      %run_scoped3A = tpu.sem_alloc : memref<!tpu.dma_semaphore, #tpu.memory_space<semaphore_mem>>
      %dma_start3A_221 = arith.constant 0 : i32
      %dma_start3A_222 = arith.constant 0 : i32
      %dma_start3A_223 = tpu.memref_slice %arg3[%add3A, %dma_start3A_221, %dma_start3A_222] : memref<32x80x128xi32, #tpu.memory_space<hbm>> -> memref<1x80x128xi32, #tpu.memory_space<hbm>>
      %dma_start3A_224 = tpu.memref_squeeze %dma_start3A_223 : memref<1x80x128xi32, #tpu.memory_space<hbm>> -> memref<80x128xi32, #tpu.memory_space<hbm>>
      %dma_start3A_225 = arith.constant 0 : i32
      %dma_start3A_226 = arith.constant 0 : i32
      %dma_start3A_227 = tpu.memref_slice %arg3[%add3A, %dma_start3A_225, %dma_start3A_226] : memref<32x80x128xi32, #tpu.memory_space<hbm>> -> memref<1x80x128xi32, #tpu.memory_space<hbm>>
      %dma_start3A_228 = tpu.memref_squeeze %dma_start3A_227 : memref<1x80x128xi32, #tpu.memory_space<hbm>> -> memref<80x128xi32, #tpu.memory_space<hbm>>
      tpu.enqueue_dma source(%dma_start3A_228 : memref<80x128xi32, #tpu.memory_space<hbm>>) target(%arg6 : memref<80x128xi32, #tpu.memory_space<vmem>>) target_semaphore(%run_scoped3A : memref<!tpu.dma_semaphore, #tpu.memory_space<semaphore_mem>>)
      %dma_wait3A_229 = arith.constant 0 : i32
      %dma_wait3A_230 = arith.constant 0 : i32
      %dma_wait3A_231 = tpu.memref_slice %arg3[%add3A, %dma_wait3A_229, %dma_wait3A_230] : memref<32x80x128xi32, #tpu.memory_space<hbm>> -> memref<1x80x128xi32, #tpu.memory_space<hbm>>
      %dma_wait3A_232 = tpu.memref_squeeze %dma_wait3A_231 : memref<1x80x128xi32, #tpu.memory_space<hbm>> -> memref<80x128xi32, #tpu.memory_space<hbm>>
      %dma_wait3A_233 = arith.constant 0 : i32
      %dma_wait3A_234 = arith.constant 0 : i32
      %dma_wait3A_235 = tpu.memref_slice %arg3[%add3A, %dma_wait3A_233, %dma_wait3A_234] : memref<32x80x128xi32, #tpu.memory_space<hbm>> -> memref<1x80x128xi32, #tpu.memory_space<hbm>>
      %dma_wait3A_236 = tpu.memref_squeeze %dma_wait3A_235 : memref<1x80x128xi32, #tpu.memory_space<hbm>> -> memref<80x128xi32, #tpu.memory_space<hbm>>
      tpu.wait_dma2 semaphore(%run_scoped3A : memref<!tpu.dma_semaphore, #tpu.memory_space<semaphore_mem>>) src(%dma_wait3A_236 : memref<80x128xi32, #tpu.memory_space<hbm>>) dst(%arg6 : memref<80x128xi32, #tpu.memory_space<vmem>>)
      tpu.yield
    }) : () -> ()
    %barrier3A = arith.constant 0 : index
    tpu.barrier barrier_id(%barrier3A)
    %get3A = arith.constant 0 : i32
    %get3A_7 = arith.index_cast %get3A : i32 to index
    %get3A_8 = arith.constant 0 : index
    %get3A_9 = tpu.vector_load %arg6[%get3A_7, %get3A_8] {strides = array<i32>} : memref<80x128xi32, #tpu.memory_space<vmem>>, vector<1x16xi32>,
    %get3A_10 = vector.shape_cast %get3A_9 : vector<1x16xi32> to vector<16xi32>
    %shift_right_logical3A = arith.constant 16 : i32
    %shift_right_logical3A_11 = vector.broadcast %shift_right_logical3A : i32 to vector<16xi32>
    %shift_right_logical3A_12 = arith.shrui %get3A_10, %shift_right_logical3A_11 : vector<16xi32>
    %swap3A = arith.constant 0 : i32
    %swap3A_13 = arith.index_cast %swap3A : i32 to index
    %swap3A_14 = arith.constant 0 : index
    %swap3A_15 = tpu.vector_load %arg7[%swap3A_13, %swap3A_14] {strides = array<i32>} : memref<2x128xi32, #tpu.memory_space<vmem>>, vector<1x16xi32>,
    %swap3A_16 = vector.shape_cast %swap3A_15 : vector<1x16xi32> to vector<16xi32>
    %swap3A_17 = vector.shape_cast %shift_right_logical3A_12 : vector<16xi32> to vector<1x16xi32>
    tpu.vector_store %arg7[%swap3A_13, %swap3A_14], %swap3A_17 {strides = array<i32>} : memref<2x128xi32, #tpu.memory_space<vmem>>, vector<1x16xi32>,
    %and3A = arith.constant 65535 : i32
    %and3A_18 = vector.broadcast %and3A : i32 to vector<16xi32>
    %and3A_19 = arith.andi %get3A_10, %and3A_18 : vector<16xi32>
    %swap3A_20 = arith.constant 0 : i32
    %swap3A_21 = arith.index_cast %swap3A_20 : i32 to index
    %swap3A_22 = arith.constant 0 : index
    %swap3A_23 = tpu.vector_load %arg8[%swap3A_21, %swap3A_22] {strides = array<i32>} : memref<2x128xi32, #tpu.memory_space<vmem>>, vector<1x16xi32>,
    %swap3A_24 = vector.shape_cast %swap3A_23 : vector<1x16xi32> to vector<16xi32>
    %swap3A_25 = vector.shape_cast %and3A_19 : vector<16xi32> to vector<1x16xi32>
    tpu.vector_store %arg8[%swap3A_21, %swap3A_22], %swap3A_25 {strides = array<i32>} : memref<2x128xi32, #tpu.memory_space<vmem>>, vector<1x16xi32>,
    %get3A_26 = arith.constant 0 : i32
    %get3A_27 = arith.index_cast %get3A_26 : i32 to index
    %get3A_28 = arith.constant 16 : index
    %get3A_29 = tpu.vector_load %arg6[%get3A_27, %get3A_28] {strides = array<i32>} : memref<80x128xi32, #tpu.memory_space<vmem>>, vector<1x16xi32>,
    %get3A_30 = vector.shape_cast %get3A_29 : vector<1x16xi32> to vector<16xi32>
    %shift_right_logical3A_31 = arith.constant 16 : i32
    %shift_right_logical3A_32 = vector.broadcast %shift_right_logical3A_31 : i32 to vector<16xi32>
    %shift_right_logical3A_33 = arith.shrui %get3A_30, %shift_right_logical3A_32 : vector<16xi32>
    %swap3A_34 = arith.constant 0 : i32
    %swap3A_35 = arith.index_cast %swap3A_34 : i32 to index
    %swap3A_36 = arith.constant 16 : index
    %swap3A_37 = tpu.vector_load %arg7[%swap3A_35, %swap3A_36] {strides = array<i32>} : memref<2x128xi32, #tpu.memory_space<vmem>>, vector<1x16xi32>,
    %swap3A_38 = vector.shape_cast %swap3A_37 : vector<1x16xi32> to vector<16xi32>
    %swap3A_39 = vector.shape_cast %shift_right_logical3A_33 : vector<16xi32> to vector<1x16xi32>
    tpu.vector_store %arg7[%swap3A_35, %swap3A_36], %swap3A_39 {strides = array<i32>} : memref<2x128xi32, #tpu.memory_space<vmem>>, vector<1x16xi32>,
    %and3A_40 = arith.constant 65535 : i32
    %and3A_41 = vector.broadcast %and3A_40 : i32 to vector<16xi32>
    %and3A_42 = arith.andi %get3A_30, %and3A_41 : vector<16xi32>
    %swap3A_43 = arith.constant 0 : i32
    %swap3A_44 = arith.index_cast %swap3A_43 : i32 to index
    %swap3A_45 = arith.constant 16 : index
    %swap3A_46 = tpu.vector_load %arg8[%swap3A_44, %swap3A_45] {strides = array<i32>} : memref<2x128xi32, #tpu.memory_space<vmem>>, vector<1x16xi32>,
    %swap3A_47 = vector.shape_cast %swap3A_46 : vector<1x16xi32> to vector<16xi32>
    %swap3A_48 = vector.shape_cast %and3A_42 : vector<16xi32> to vector<1x16xi32>
    tpu.vector_store %arg8[%swap3A_44, %swap3A_45], %swap3A_48 {strides = array<i32>} : memref<2x128xi32, #tpu.memory_space<vmem>>, vector<1x16xi32>,
    %get3A_49 = arith.constant 0 : i32
    %get3A_50 = arith.index_cast %get3A_49 : i32 to index
    %get3A_51 = arith.constant 32 : index
    %get3A_52 = tpu.vector_load %arg6[%get3A_50, %get3A_51] {strides = array<i32>} : memref<80x128xi32, #tpu.memory_space<vmem>>, vector<1x16xi32>,
    %get3A_53 = vector.shape_cast %get3A_52 : vector<1x16xi32> to vector<16xi32>
    %shift_right_logical3A_54 = arith.constant 16 : i32
    %shift_right_logical3A_55 = vector.broadcast %shift_right_logical3A_54 : i32 to vector<16xi32>
    %shift_right_logical3A_56 = arith.shrui %get3A_53, %shift_right_logical3A_55 : vector<16xi32>
    %swap3A_57 = arith.constant 0 : i32
    %swap3A_58 = arith.index_cast %swap3A_57 : i32 to index
    %swap3A_59 = arith.constant 32 : index
    %swap3A_60 = tpu.vector_load %arg7[%swap3A_58, %swap3A_59] {strides = array<i32>} : memref<2x128xi32, #tpu.memory_space<vmem>>, vector<1x16xi32>,
    %swap3A_61 = vector.shape_cast %swap3A_60 : vector<1x16xi32> to vector<16xi32>
    %swap3A_62 = vector.shape_cast %shift_right_logical3A_56 : vector<16xi32> to vector<1x16xi32>
    tpu.vector_store %arg7[%swap3A_58, %swap3A_59], %swap3A_62 {strides = array<i32>} : memref<2x128xi32, #tpu.memory_space<vmem>>, vector<1x16xi32>,
    %and3A_63 = arith.constant 65535 : i32
    %and3A_64 = vector.broadcast %and3A_63 : i32 to vector<16xi32>
    %and3A_65 = arith.andi %get3A_53, %and3A_64 : vector<16xi32>
    %swap3A_66 = arith.constant 0 : i32
    %swap3A_67 = arith.index_cast %swap3A_66 : i32 to index
    %swap3A_68 = arith.constant 32 : index
    %swap3A_69 = tpu.vector_load %arg8[%swap3A_67, %swap3A_68] {strides = array<i32>} : memref<2x128xi32, #tpu.memory_space<vmem>>, vector<1x16xi32>,
    %swap3A_70 = vector.shape_cast %swap3A_69 : vector<1x16xi32> to vector<16xi32>
    %swap3A_71 = vector.shape_cast %and3A_65 : vector<16xi32> to vector<1x16xi32>
    tpu.vector_store %arg8[%swap3A_67, %swap3A_68], %swap3A_71 {strides = array<i32>} : memref<2x128xi32, #tpu.memory_space<vmem>>, vector<1x16xi32>,
    %get3A_72 = arith.constant 0 : i32
    %get3A_73 = arith.index_cast %get3A_72 : i32 to index
    %get3A_74 = arith.constant 48 : index
    %get3A_75 = tpu.vector_load %arg6[%get3A_73, %get3A_74] {strides = array<i32>} : memref<80x128xi32, #tpu.memory_space<vmem>>, vector<1x16xi32>,
    %get3A_76 = vector.shape_cast %get3A_75 : vector<1x16xi32> to vector<16xi32>
    %shift_right_logical3A_77 = arith.constant 16 : i32
    %shift_right_logical3A_78 = vector.broadcast %shift_right_logical3A_77 : i32 to vector<16xi32>
    %shift_right_logical3A_79 = arith.shrui %get3A_76, %shift_right_logical3A_78 : vector<16xi32>
    %swap3A_80 = arith.constant 0 : i32
    %swap3A_81 = arith.index_cast %swap3A_80 : i32 to index
    %swap3A_82 = arith.constant 48 : index
    %swap3A_83 = tpu.vector_load %arg7[%swap3A_81, %swap3A_82] {strides = array<i32>} : memref<2x128xi32, #tpu.memory_space<vmem>>, vector<1x16xi32>,
    %swap3A_84 = vector.shape_cast %swap3A_83 : vector<1x16xi32> to vector<16xi32>
    %swap3A_85 = vector.shape_cast %shift_right_logical3A_79 : vector<16xi32> to vector<1x16xi32>
    tpu.vector_store %arg7[%swap3A_81, %swap3A_82], %swap3A_85 {strides = array<i32>} : memref<2x128xi32, #tpu.memory_space<vmem>>, vector<1x16xi32>,
    %and3A_86 = arith.constant 65535 : i32
    %and3A_87 = vector.broadcast %and3A_86 : i32 to vector<16xi32>
    %and3A_88 = arith.andi %get3A_76, %and3A_87 : vector<16xi32>
    %swap3A_89 = arith.constant 0 : i32
    %swap3A_90 = arith.index_cast %swap3A_89 : i32 to index
    %swap3A_91 = arith.constant 48 : index
    %swap3A_92 = tpu.vector_load %arg8[%swap3A_90, %swap3A_91] {strides = array<i32>} : memref<2x128xi32, #tpu.memory_space<vmem>>, vector<1x16xi32>,
    %swap3A_93 = vector.shape_cast %swap3A_92 : vector<1x16xi32> to vector<16xi32>
    %swap3A_94 = vector.shape_cast %and3A_88 : vector<16xi32> to vector<1x16xi32>
    tpu.vector_store %arg8[%swap3A_90, %swap3A_91], %swap3A_94 {strides = array<i32>} : memref<2x128xi32, #tpu.memory_space<vmem>>, vector<1x16xi32>,
    %get3A_95 = arith.constant 0 : i32
    %get3A_96 = arith.index_cast %get3A_95 : i32 to index
    %get3A_97 = arith.constant 64 : index
    %get3A_98 = tpu.vector_load %arg6[%get3A_96, %get3A_97] {strides = array<i32>} : memref<80x128xi32, #tpu.memory_space<vmem>>, vector<1x16xi32>,
    %get3A_99 = vector.shape_cast %get3A_98 : vector<1x16xi32> to vector<16xi32>
    %shift_right_logical3A_100 = arith.constant 16 : i32
    %shift_right_logical3A_101 = vector.broadcast %shift_right_logical3A_100 : i32 to vector<16xi32>
    %shift_right_logical3A_102 = arith.shrui %get3A_99, %shift_right_logical3A_101 : vector<16xi32>
    %swap3A_103 = arith.constant 0 : i32
    %swap3A_104 = arith.index_cast %swap3A_103 : i32 to index
    %swap3A_105 = arith.constant 64 : index
    %swap3A_106 = tpu.vector_load %arg7[%swap3A_104, %swap3A_105] {strides = array<i32>} : memref<2x128xi32, #tpu.memory_space<vmem>>, vector<1x16xi32>,
    %swap3A_107 = vector.shape_cast %swap3A_106 : vector<1x16xi32> to vector<16xi32>
    %swap3A_108 = vector.shape_cast %shift_right_logical3A_102 : vector<16xi32> to vector<1x16xi32>
    tpu.vector_store %arg7[%swap3A_104, %swap3A_105], %swap3A_108 {strides = array<i32>} : memref<2x128xi32, #tpu.memory_space<vmem>>, vector<1x16xi32>,
    %and3A_109 = arith.constant 65535 : i32
    %and3A_110 = vector.broadcast %and3A_109 : i32 to vector<16xi32>
    %and3A_111 = arith.andi %get3A_99, %and3A_110 : vector<16xi32>
    %swap3A_112 = arith.constant 0 : i32
    %swap3A_113 = arith.index_cast %swap3A_112 : i32 to index
    %swap3A_114 = arith.constant 64 : index
    %swap3A_115 = tpu.vector_load %arg8[%swap3A_113, %swap3A_114] {strides = array<i32>} : memref<2x128xi32, #tpu.memory_space<vmem>>, vector<1x16xi32>,
    %swap3A_116 = vector.shape_cast %swap3A_115 : vector<1x16xi32> to vector<16xi32>
    %swap3A_117 = vector.shape_cast %and3A_111 : vector<16xi32> to vector<1x16xi32>
    tpu.vector_store %arg8[%swap3A_113, %swap3A_114], %swap3A_117 {strides = array<i32>} : memref<2x128xi32, #tpu.memory_space<vmem>>, vector<1x16xi32>,
    %get3A_118 = arith.constant 0 : i32
    %get3A_119 = arith.index_cast %get3A_118 : i32 to index
    %get3A_120 = arith.constant 80 : index
    %get3A_121 = tpu.vector_load %arg6[%get3A_119, %get3A_120] {strides = array<i32>} : memref<80x128xi32, #tpu.memory_space<vmem>>, vector<1x16xi32>,
    %get3A_122 = vector.shape_cast %get3A_121 : vector<1x16xi32> to vector<16xi32>
    %shift_right_logical3A_123 = arith.constant 16 : i32
    %shift_right_logical3A_124 = vector.broadcast %shift_right_logical3A_123 : i32 to vector<16xi32>
    %shift_right_logical3A_125 = arith.shrui %get3A_122, %shift_right_logical3A_124 : vector<16xi32>
    %swap3A_126 = arith.constant 0 : i32
    %swap3A_127 = arith.index_cast %swap3A_126 : i32 to index
    %swap3A_128 = arith.constant 80 : index
    %swap3A_129 = tpu.vector_load %arg7[%swap3A_127, %swap3A_128] {strides = array<i32>} : memref<2x128xi32, #tpu.memory_space<vmem>>, vector<1x16xi32>,
    %swap3A_130 = vector.shape_cast %swap3A_129 : vector<1x16xi32> to vector<16xi32>
    %swap3A_131 = vector.shape_cast %shift_right_logical3A_125 : vector<16xi32> to vector<1x16xi32>
    tpu.vector_store %arg7[%swap3A_127, %swap3A_128], %swap3A_131 {strides = array<i32>} : memref<2x128xi32, #tpu.memory_space<vmem>>, vector<1x16xi32>,
    %and3A_132 = arith.constant 65535 : i32
    %and3A_133 = vector.broadcast %and3A_132 : i32 to vector<16xi32>
    %and3A_134 = arith.andi %get3A_122, %and3A_133 : vector<16xi32>
    %swap3A_135 = arith.constant 0 : i32
    %swap3A_136 = arith.index_cast %swap3A_135 : i32 to index
    %swap3A_137 = arith.constant 80 : index
    %swap3A_138 = tpu.vector_load %arg8[%swap3A_136, %swap3A_137] {strides = array<i32>} : memref<2x128xi32, #tpu.memory_space<vmem>>, vector<1x16xi32>,
    %swap3A_139 = vector.shape_cast %swap3A_138 : vector<1x16xi32> to vector<16xi32>
    %swap3A_140 = vector.shape_cast %and3A_134 : vector<16xi32> to vector<1x16xi32>
    tpu.vector_store %arg8[%swap3A_136, %swap3A_137], %swap3A_140 {strides = array<i32>} : memref<2x128xi32, #tpu.memory_space<vmem>>, vector<1x16xi32>,
    %get3A_141 = arith.constant 0 : i32
    %get3A_142 = arith.index_cast %get3A_141 : i32 to index
    %get3A_143 = arith.constant 96 : index
    %get3A_144 = tpu.vector_load %arg6[%get3A_142, %get3A_143] {strides = array<i32>} : memref<80x128xi32, #tpu.memory_space<vmem>>, vector<1x16xi32>,
    %get3A_145 = vector.shape_cast %get3A_144 : vector<1x16xi32> to vector<16xi32>
    %shift_right_logical3A_146 = arith.constant 16 : i32
    %shift_right_logical3A_147 = vector.broadcast %shift_right_logical3A_146 : i32 to vector<16xi32>
    %shift_right_logical3A_148 = arith.shrui %get3A_145, %shift_right_logical3A_147 : vector<16xi32>
    %swap3A_149 = arith.constant 0 : i32
    %swap3A_150 = arith.index_cast %swap3A_149 : i32 to index
    %swap3A_151 = arith.constant 96 : index
    %swap3A_152 = tpu.vector_load %arg7[%swap3A_150, %swap3A_151] {strides = array<i32>} : memref<2x128xi32, #tpu.memory_space<vmem>>, vector<1x16xi32>,
    %swap3A_153 = vector.shape_cast %swap3A_152 : vector<1x16xi32> to vector<16xi32>
    %swap3A_154 = vector.shape_cast %shift_right_logical3A_148 : vector<16xi32> to vector<1x16xi32>
    tpu.vector_store %arg7[%swap3A_150, %swap3A_151], %swap3A_154 {strides = array<i32>} : memref<2x128xi32, #tpu.memory_space<vmem>>, vector<1x16xi32>,
    %and3A_155 = arith.constant 65535 : i32
    %and3A_156 = vector.broadcast %and3A_155 : i32 to vector<16xi32>
    %and3A_157 = arith.andi %get3A_145, %and3A_156 : vector<16xi32>
    %swap3A_158 = arith.constant 0 : i32
    %swap3A_159 = arith.index_cast %swap3A_158 : i32 to index
    %swap3A_160 = arith.constant 96 : index
    %swap3A_161 = tpu.vector_load %arg8[%swap3A_159, %swap3A_160] {strides = array<i32>} : memref<2x128xi32, #tpu.memory_space<vmem>>, vector<1x16xi32>,
    %swap3A_162 = vector.shape_cast %swap3A_161 : vector<1x16xi32> to vector<16xi32>
    %swap3A_163 = vector.shape_cast %and3A_157 : vector<16xi32> to vector<1x16xi32>
    tpu.vector_store %arg8[%swap3A_159, %swap3A_160], %swap3A_163 {strides = array<i32>} : memref<2x128xi32, #tpu.memory_space<vmem>>, vector<1x16xi32>,
    %get3A_164 = arith.constant 0 : i32
    %get3A_165 = arith.index_cast %get3A_164 : i32 to index
    %get3A_166 = arith.constant 112 : index
    %get3A_167 = tpu.vector_load %arg6[%get3A_165, %get3A_166] {strides = array<i32>} : memref<80x128xi32, #tpu.memory_space<vmem>>, vector<1x16xi32>,
    %get3A_168 = vector.shape_cast %get3A_167 : vector<1x16xi32> to vector<16xi32>
    %shift_right_logical3A_169 = arith.constant 16 : i32
    %shift_right_logical3A_170 = vector.broadcast %shift_right_logical3A_169 : i32 to vector<16xi32>
    %shift_right_logical3A_171 = arith.shrui %get3A_168, %shift_right_logical3A_170 : vector<16xi32>
    %swap3A_172 = arith.constant 0 : i32
    %swap3A_173 = arith.index_cast %swap3A_172 : i32 to index
    %swap3A_174 = arith.constant 112 : index
    %swap3A_175 = tpu.vector_load %arg7[%swap3A_173, %swap3A_174] {strides = array<i32>} : memref<2x128xi32, #tpu.memory_space<vmem>>, vector<1x16xi32>,
    %swap3A_176 = vector.shape_cast %swap3A_175 : vector<1x16xi32> to vector<16xi32>
    %swap3A_177 = vector.shape_cast %shift_right_logical3A_171 : vector<16xi32> to vector<1x16xi32>
    tpu.vector_store %arg7[%swap3A_173, %swap3A_174], %swap3A_177 {strides = array<i32>} : memref<2x128xi32, #tpu.memory_space<vmem>>, vector<1x16xi32>,
    %and3A_178 = arith.constant 65535 : i32
    %and3A_179 = vector.broadcast %and3A_178 : i32 to vector<16xi32>
    %and3A_180 = arith.andi %get3A_168, %and3A_179 : vector<16xi32>
    %swap3A_181 = arith.constant 0 : i32
    %swap3A_182 = arith.index_cast %swap3A_181 : i32 to index
    %swap3A_183 = arith.constant 112 : index
    %swap3A_184 = tpu.vector_load %arg8[%swap3A_182, %swap3A_183] {strides = array<i32>} : memref<2x128xi32, #tpu.memory_space<vmem>>, vector<1x16xi32>,
    %swap3A_185 = vector.shape_cast %swap3A_184 : vector<1x16xi32> to vector<16xi32>
    %swap3A_186 = vector.shape_cast %and3A_180 : vector<16xi32> to vector<1x16xi32>
    tpu.vector_store %arg8[%swap3A_182, %swap3A_183], %swap3A_186 {strides = array<i32>} : memref<2x128xi32, #tpu.memory_space<vmem>>, vector<1x16xi32>,
    %dma_start3A = arith.constant 0 : i32
    %dma_start3A_187 = arith.constant 0 : i32
    %dma_start3A_188 = tpu.memref_slice %arg7[%dma_start3A, %dma_start3A_187] : memref<2x128xi32, #tpu.memory_space<vmem>> -> memref<1x128xi32, #tpu.memory_space<vmem>>
    %dma_start3A_189 = tpu.memref_squeeze %dma_start3A_188 : memref<1x128xi32, #tpu.memory_space<vmem>> -> memref<128xi32, #tpu.memory_space<vmem>>
    %dma_start3A_190 = arith.constant 0 : i32
    %dma_start3A_191 = arith.constant 0 : i32
    %dma_start3A_192 = tpu.memref_slice %arg2[%dma_start3A_190, %dma_start3A_191] : memref<10000x128xf32, #tpu.memory_space<hbm>> -> memref<10000x128xf32, #tpu.memory_space<hbm>>
    tpu.enqueue_indirect_dma source(%dma_start3A_192 : memref<10000x128xf32, #tpu.memory_space<hbm>>) target(%arg9 : memref<128x128xf32, #tpu.memory_space<vmem>>) offsets(%dma_start3A_189 : memref<128xi32, #tpu.memory_space<vmem>>) semaphore(%arg12 : memref<!tpu.dma_semaphore, #tpu.memory_space<semaphore_mem>>)
    %scan3A_193 = arith.constant 0 : i32
    %scan3A_194 = arith.constant 0 : i32
    %scan3A_195 = arith.constant 40 : i32
    %scan3A_196 = arith.addi %scan3A_194, %scan3A_195 : i32
    %scan3A_197 = arith.constant 1 : i32
    %scan3A_198 = scf.for %scan3A_221 = %scan3A_194 to %scan3A_196 step %scan3A_197 iter_args(%scan3A_222 = %scan3A_193) -> (i32)  : i32 {
      %mul3A_223 = arith.constant 2 : i32
      %mul3A_224 = arith.muli %mul3A_223, %scan3A_221 : i32
      %add3A_225 = arith.constant 1 : i32
      %add3A_226 = arith.addi %mul3A_224, %add3A_225 : i32
      %gt3A = arith.constant 0 : i32
      %gt3A_227 = arith.cmpi sgt, %scan3A_221, %gt3A : i32
      %convert_element_type3A = arith.extui %gt3A_227 : i1 to i32
      %cond3A = arith.constant 0 : i32
      %cond3A_228 = arith.cmpi ne, %convert_element_type3A, %cond3A : i32
      scf.if %cond3A_228 {
        %dma_wait3A_445 = arith.constant 1 : i32
        %dma_wait3A_446 = arith.constant 0 : i32
        %dma_wait3A_447 = tpu.memref_slice %arg8[%dma_wait3A_445, %dma_wait3A_446] : memref<2x128xi32, #tpu.memory_space<vmem>> -> memref<1x128xi32, #tpu.memory_space<vmem>>
        %dma_wait3A_448 = tpu.memref_squeeze %dma_wait3A_447 : memref<1x128xi32, #tpu.memory_space<vmem>> -> memref<128xi32, #tpu.memory_space<vmem>>
        %dma_wait3A_449 = arith.constant 0 : i32
        %dma_wait3A_450 = arith.constant 0 : i32
        %dma_wait3A_451 = tpu.memref_slice %arg11[%dma_wait3A_449, %dma_wait3A_450] : memref<10240x128xf32, #tpu.memory_space<vmem_shared>> -> memref<10240x128xf32, #tpu.memory_space<vmem_shared>>
        tpu.wait_indirect_dma semaphore(%arg15 : memref<!tpu.dma_semaphore, #tpu.memory_space<semaphore_mem>>) src(%arg10 : memref<128x128xf32, #tpu.memory_space<vmem>>) dst(%dma_wait3A_451 : memref<10240x128xf32, #tpu.memory_space<vmem_shared>>)
      } else {
      }
      %get3A_229 = arith.index_cast %add3A_226 : i32 to index
      %get3A_230 = arith.constant 0 : index
      %get3A_231 = tpu.vector_load %arg6[%get3A_229, %get3A_230] {strides = array<i32>} : memref<80x128xi32, #tpu.memory_space<vmem>>, vector<1x16xi32>,
      %get3A_232 = vector.shape_cast %get3A_231 : vector<1x16xi32> to vector<16xi32>
      %shift_right_logical3A_233 = arith.constant 16 : i32
      %shift_right_logical3A_234 = vector.broadcast %shift_right_logical3A_233 : i32 to vector<16xi32>
      %shift_right_logical3A_235 = arith.shrui %get3A_232, %shift_right_logical3A_234 : vector<16xi32>
      %swap3A_236 = arith.constant 1 : i32
      %swap3A_237 = arith.index_cast %swap3A_236 : i32 to index
      %swap3A_238 = arith.constant 0 : index
      %swap3A_239 = tpu.vector_load %arg7[%swap3A_237, %swap3A_238] {strides = array<i32>} : memref<2x128xi32, #tpu.memory_space<vmem>>, vector<1x16xi32>,
      %swap3A_240 = vector.shape_cast %swap3A_239 : vector<1x16xi32> to vector<16xi32>
      %swap3A_241 = vector.shape_cast %shift_right_logical3A_235 : vector<16xi32> to vector<1x16xi32>
      tpu.vector_store %arg7[%swap3A_237, %swap3A_238], %swap3A_241 {strides = array<i32>} : memref<2x128xi32, #tpu.memory_space<vmem>>, vector<1x16xi32>,
      %and3A_242 = arith.constant 65535 : i32
      %and3A_243 = vector.broadcast %and3A_242 : i32 to vector<16xi32>
      %and3A_244 = arith.andi %get3A_232, %and3A_243 : vector<16xi32>
      %swap3A_245 = arith.constant 1 : i32
      %swap3A_246 = arith.index_cast %swap3A_245 : i32 to index
      %swap3A_247 = arith.constant 0 : index
      %swap3A_248 = tpu.vector_load %arg8[%swap3A_246, %swap3A_247] {strides = array<i32>} : memref<2x128xi32, #tpu.memory_space<vmem>>, vector<1x16xi32>,
      %swap3A_249 = vector.shape_cast %swap3A_248 : vector<1x16xi32> to vector<16xi32>
      %swap3A_250 = vector.shape_cast %and3A_244 : vector<16xi32> to vector<1x16xi32>
      tpu.vector_store %arg8[%swap3A_246, %swap3A_247], %swap3A_250 {strides = array<i32>} : memref<2x128xi32, #tpu.memory_space<vmem>>, vector<1x16xi32>,
      %get3A_251 = arith.index_cast %add3A_226 : i32 to index
      %get3A_252 = arith.constant 16 : index
      %get3A_253 = tpu.vector_load %arg6[%get3A_251, %get3A_252] {strides = array<i32>} : memref<80x128xi32, #tpu.memory_space<vmem>>, vector<1x16xi32>,
      %get3A_254 = vector.shape_cast %get3A_253 : vector<1x16xi32> to vector<16xi32>
      %shift_right_logical3A_255 = arith.constant 16 : i32
      %shift_right_logical3A_256 = vector.broadcast %shift_right_logical3A_255 : i32 to vector<16xi32>
      %shift_right_logical3A_257 = arith.shrui %get3A_254, %shift_right_logical3A_256 : vector<16xi32>
      %swap3A_258 = arith.constant 1 : i32
      %swap3A_259 = arith.index_cast %swap3A_258 : i32 to index
      %swap3A_260 = arith.constant 16 : index
      %swap3A_261 = tpu.vector_load %arg7[%swap3A_259, %swap3A_260] {strides = array<i32>} : memref<2x128xi32, #tpu.memory_space<vmem>>, vector<1x16xi32>,
      %swap3A_262 = vector.shape_cast %swap3A_261 : vector<1x16xi32> to vector<16xi32>
      %swap3A_263 = vector.shape_cast %shift_right_logical3A_257 : vector<16xi32> to vector<1x16xi32>
      tpu.vector_store %arg7[%swap3A_259, %swap3A_260], %swap3A_263 {strides = array<i32>} : memref<2x128xi32, #tpu.memory_space<vmem>>, vector<1x16xi32>,
      %and3A_264 = arith.constant 65535 : i32
      %and3A_265 = vector.broadcast %and3A_264 : i32 to vector<16xi32>
      %and3A_266 = arith.andi %get3A_254, %and3A_265 : vector<16xi32>
      %swap3A_267 = arith.constant 1 : i32
      %swap3A_268 = arith.index_cast %swap3A_267 : i32 to index
      %swap3A_269 = arith.constant 16 : index
      %swap3A_270 = tpu.vector_load %arg8[%swap3A_268, %swap3A_269] {strides = array<i32>} : memref<2x128xi32, #tpu.memory_space<vmem>>, vector<1x16xi32>,
      %swap3A_271 = vector.shape_cast %swap3A_270 : vector<1x16xi32> to vector<16xi32>
      %swap3A_272 = vector.shape_cast %and3A_266 : vector<16xi32> to vector<1x16xi32>
      tpu.vector_store %arg8[%swap3A_268, %swap3A_269], %swap3A_272 {strides = array<i32>} : memref<2x128xi32, #tpu.memory_space<vmem>>, vector<1x16xi32>,
      %get3A_273 = arith.index_cast %add3A_226 : i32 to index
      %get3A_274 = arith.constant 32 : index
      %get3A_275 = tpu.vector_load %arg6[%get3A_273, %get3A_274] {strides = array<i32>} : memref<80x128xi32, #tpu.memory_space<vmem>>, vector<1x16xi32>,
      %get3A_276 = vector.shape_cast %get3A_275 : vector<1x16xi32> to vector<16xi32>
      %shift_right_logical3A_277 = arith.constant 16 : i32
      %shift_right_logical3A_278 = vector.broadcast %shift_right_logical3A_277 : i32 to vector<16xi32>
      %shift_right_logical3A_279 = arith.shrui %get3A_276, %shift_right_logical3A_278 : vector<16xi32>
      %swap3A_280 = arith.constant 1 : i32
      %swap3A_281 = arith.index_cast %swap3A_280 : i32 to index
      %swap3A_282 = arith.constant 32 : index
      %swap3A_283 = tpu.vector_load %arg7[%swap3A_281, %swap3A_282] {strides = array<i32>} : memref<2x128xi32, #tpu.memory_space<vmem>>, vector<1x16xi32>,
      %swap3A_284 = vector.shape_cast %swap3A_283 : vector<1x16xi32> to vector<16xi32>
      %swap3A_285 = vector.shape_cast %shift_right_logical3A_279 : vector<16xi32> to vector<1x16xi32>
      tpu.vector_store %arg7[%swap3A_281, %swap3A_282], %swap3A_285 {strides = array<i32>} : memref<2x128xi32, #tpu.memory_space<vmem>>, vector<1x16xi32>,
      %and3A_286 = arith.constant 65535 : i32
      %and3A_287 = vector.broadcast %and3A_286 : i32 to vector<16xi32>
      %and3A_288 = arith.andi %get3A_276, %and3A_287 : vector<16xi32>
      %swap3A_289 = arith.constant 1 : i32
      %swap3A_290 = arith.index_cast %swap3A_289 : i32 to index
      %swap3A_291 = arith.constant 32 : index
      %swap3A_292 = tpu.vector_load %arg8[%swap3A_290, %swap3A_291] {strides = array<i32>} : memref<2x128xi32, #tpu.memory_space<vmem>>, vector<1x16xi32>,
      %swap3A_293 = vector.shape_cast %swap3A_292 : vector<1x16xi32> to vector<16xi32>
      %swap3A_294 = vector.shape_cast %and3A_288 : vector<16xi32> to vector<1x16xi32>
      tpu.vector_store %arg8[%swap3A_290, %swap3A_291], %swap3A_294 {strides = array<i32>} : memref<2x128xi32, #tpu.memory_space<vmem>>, vector<1x16xi32>,
      %get3A_295 = arith.index_cast %add3A_226 : i32 to index
      %get3A_296 = arith.constant 48 : index
      %get3A_297 = tpu.vector_load %arg6[%get3A_295, %get3A_296] {strides = array<i32>} : memref<80x128xi32, #tpu.memory_space<vmem>>, vector<1x16xi32>,
      %get3A_298 = vector.shape_cast %get3A_297 : vector<1x16xi32> to vector<16xi32>
      %shift_right_logical3A_299 = arith.constant 16 : i32
      %shift_right_logical3A_300 = vector.broadcast %shift_right_logical3A_299 : i32 to vector<16xi32>
      %shift_right_logical3A_301 = arith.shrui %get3A_298, %shift_right_logical3A_300 : vector<16xi32>
      %swap3A_302 = arith.constant 1 : i32
      %swap3A_303 = arith.index_cast %swap3A_302 : i32 to index
      %swap3A_304 = arith.constant 48 : index
      %swap3A_305 = tpu.vector_load %arg7[%swap3A_303, %swap3A_304] {strides = array<i32>} : memref<2x128xi32, #tpu.memory_space<vmem>>, vector<1x16xi32>,
      %swap3A_306 = vector.shape_cast %swap3A_305 : vector<1x16xi32> to vector<16xi32>
      %swap3A_307 = vector.shape_cast %shift_right_logical3A_301 : vector<16xi32> to vector<1x16xi32>
      tpu.vector_store %arg7[%swap3A_303, %swap3A_304], %swap3A_307 {strides = array<i32>} : memref<2x128xi32, #tpu.memory_space<vmem>>, vector<1x16xi32>,
      %and3A_308 = arith.constant 65535 : i32
      %and3A_309 = vector.broadcast %and3A_308 : i32 to vector<16xi32>
      %and3A_310 = arith.andi %get3A_298, %and3A_309 : vector<16xi32>
      %swap3A_311 = arith.constant 1 : i32
      %swap3A_312 = arith.index_cast %swap3A_311 : i32 to index
      %swap3A_313 = arith.constant 48 : index
      %swap3A_314 = tpu.vector_load %arg8[%swap3A_312, %swap3A_313] {strides = array<i32>} : memref<2x128xi32, #tpu.memory_space<vmem>>, vector<1x16xi32>,
      %swap3A_315 = vector.shape_cast %swap3A_314 : vector<1x16xi32> to vector<16xi32>
      %swap3A_316 = vector.shape_cast %and3A_310 : vector<16xi32> to vector<1x16xi32>
      tpu.vector_store %arg8[%swap3A_312, %swap3A_313], %swap3A_316 {strides = array<i32>} : memref<2x128xi32, #tpu.memory_space<vmem>>, vector<1x16xi32>,
      %get3A_317 = arith.index_cast %add3A_226 : i32 to index
      %get3A_318 = arith.constant 64 : index
      %get3A_319 = tpu.vector_load %arg6[%get3A_317, %get3A_318] {strides = array<i32>} : memref<80x128xi32, #tpu.memory_space<vmem>>, vector<1x16xi32>,
      %get3A_320 = vector.shape_cast %get3A_319 : vector<1x16xi32> to vector<16xi32>
      %shift_right_logical3A_321 = arith.constant 16 : i32
      %shift_right_logical3A_322 = vector.broadcast %shift_right_logical3A_321 : i32 to vector<16xi32>
      %shift_right_logical3A_323 = arith.shrui %get3A_320, %shift_right_logical3A_322 : vector<16xi32>
      %swap3A_324 = arith.constant 1 : i32
      %swap3A_325 = arith.index_cast %swap3A_324 : i32 to index
      %swap3A_326 = arith.constant 64 : index
      %swap3A_327 = tpu.vector_load %arg7[%swap3A_325, %swap3A_326] {strides = array<i32>} : memref<2x128xi32, #tpu.memory_space<vmem>>, vector<1x16xi32>,
      %swap3A_328 = vector.shape_cast %swap3A_327 : vector<1x16xi32> to vector<16xi32>
      %swap3A_329 = vector.shape_cast %shift_right_logical3A_323 : vector<16xi32> to vector<1x16xi32>
      tpu.vector_store %arg7[%swap3A_325, %swap3A_326], %swap3A_329 {strides = array<i32>} : memref<2x128xi32, #tpu.memory_space<vmem>>, vector<1x16xi32>,
      %and3A_330 = arith.constant 65535 : i32
      %and3A_331 = vector.broadcast %and3A_330 : i32 to vector<16xi32>
      %and3A_332 = arith.andi %get3A_320, %and3A_331 : vector<16xi32>
      %swap3A_333 = arith.constant 1 : i32
      %swap3A_334 = arith.index_cast %swap3A_333 : i32 to index
      %swap3A_335 = arith.constant 64 : index
      %swap3A_336 = tpu.vector_load %arg8[%swap3A_334, %swap3A_335] {strides = array<i32>} : memref<2x128xi32, #tpu.memory_space<vmem>>, vector<1x16xi32>,
      %swap3A_337 = vector.shape_cast %swap3A_336 : vector<1x16xi32> to vector<16xi32>
      %swap3A_338 = vector.shape_cast %and3A_332 : vector<16xi32> to vector<1x16xi32>
      tpu.vector_store %arg8[%swap3A_334, %swap3A_335], %swap3A_338 {strides = array<i32>} : memref<2x128xi32, #tpu.memory_space<vmem>>, vector<1x16xi32>,
      %get3A_339 = arith.index_cast %add3A_226 : i32 to index
      %get3A_340 = arith.constant 80 : index
      %get3A_341 = tpu.vector_load %arg6[%get3A_339, %get3A_340] {strides = array<i32>} : memref<80x128xi32, #tpu.memory_space<vmem>>, vector<1x16xi32>,
      %get3A_342 = vector.shape_cast %get3A_341 : vector<1x16xi32> to vector<16xi32>
      %shift_right_logical3A_343 = arith.constant 16 : i32
      %shift_right_logical3A_344 = vector.broadcast %shift_right_logical3A_343 : i32 to vector<16xi32>
      %shift_right_logical3A_345 = arith.shrui %get3A_342, %shift_right_logical3A_344 : vector<16xi32>
      %swap3A_346 = arith.constant 1 : i32
      %swap3A_347 = arith.index_cast %swap3A_346 : i32 to index
      %swap3A_348 = arith.constant 80 : index
      %swap3A_349 = tpu.vector_load %arg7[%swap3A_347, %swap3A_348] {strides = array<i32>} : memref<2x128xi32, #tpu.memory_space<vmem>>, vector<1x16xi32>,
      %swap3A_350 = vector.shape_cast %swap3A_349 : vector<1x16xi32> to vector<16xi32>
      %swap3A_351 = vector.shape_cast %shift_right_logical3A_345 : vector<16xi32> to vector<1x16xi32>
      tpu.vector_store %arg7[%swap3A_347, %swap3A_348], %swap3A_351 {strides = array<i32>} : memref<2x128xi32, #tpu.memory_space<vmem>>, vector<1x16xi32>,
      %and3A_352 = arith.constant 65535 : i32
      %and3A_353 = vector.broadcast %and3A_352 : i32 to vector<16xi32>
      %and3A_354 = arith.andi %get3A_342, %and3A_353 : vector<16xi32>
      %swap3A_355 = arith.constant 1 : i32
      %swap3A_356 = arith.index_cast %swap3A_355 : i32 to index
      %swap3A_357 = arith.constant 80 : index
      %swap3A_358 = tpu.vector_load %arg8[%swap3A_356, %swap3A_357] {strides = array<i32>} : memref<2x128xi32, #tpu.memory_space<vmem>>, vector<1x16xi32>,
      %swap3A_359 = vector.shape_cast %swap3A_358 : vector<1x16xi32> to vector<16xi32>
      %swap3A_360 = vector.shape_cast %and3A_354 : vector<16xi32> to vector<1x16xi32>
      tpu.vector_store %arg8[%swap3A_356, %swap3A_357], %swap3A_360 {strides = array<i32>} : memref<2x128xi32, #tpu.memory_space<vmem>>, vector<1x16xi32>,
      %get3A_361 = arith.index_cast %add3A_226 : i32 to index
      %get3A_362 = arith.constant 96 : index
      %get3A_363 = tpu.vector_load %arg6[%get3A_361, %get3A_362] {strides = array<i32>} : memref<80x128xi32, #tpu.memory_space<vmem>>, vector<1x16xi32>,
      %get3A_364 = vector.shape_cast %get3A_363 : vector<1x16xi32> to vector<16xi32>
      %shift_right_logical3A_365 = arith.constant 16 : i32
      %shift_right_logical3A_366 = vector.broadcast %shift_right_logical3A_365 : i32 to vector<16xi32>
      %shift_right_logical3A_367 = arith.shrui %get3A_364, %shift_right_logical3A_366 : vector<16xi32>
      %swap3A_368 = arith.constant 1 : i32
      %swap3A_369 = arith.index_cast %swap3A_368 : i32 to index
      %swap3A_370 = arith.constant 96 : index
      %swap3A_371 = tpu.vector_load %arg7[%swap3A_369, %swap3A_370] {strides = array<i32>} : memref<2x128xi32, #tpu.memory_space<vmem>>, vector<1x16xi32>,
      %swap3A_372 = vector.shape_cast %swap3A_371 : vector<1x16xi32> to vector<16xi32>
      %swap3A_373 = vector.shape_cast %shift_right_logical3A_367 : vector<16xi32> to vector<1x16xi32>
      tpu.vector_store %arg7[%swap3A_369, %swap3A_370], %swap3A_373 {strides = array<i32>} : memref<2x128xi32, #tpu.memory_space<vmem>>, vector<1x16xi32>,
      %and3A_374 = arith.constant 65535 : i32
      %and3A_375 = vector.broadcast %and3A_374 : i32 to vector<16xi32>
      %and3A_376 = arith.andi %get3A_364, %and3A_375 : vector<16xi32>
      %swap3A_377 = arith.constant 1 : i32
      %swap3A_378 = arith.index_cast %swap3A_377 : i32 to index
      %swap3A_379 = arith.constant 96 : index
      %swap3A_380 = tpu.vector_load %arg8[%swap3A_378, %swap3A_379] {strides = array<i32>} : memref<2x128xi32, #tpu.memory_space<vmem>>, vector<1x16xi32>,
      %swap3A_381 = vector.shape_cast %swap3A_380 : vector<1x16xi32> to vector<16xi32>
      %swap3A_382 = vector.shape_cast %and3A_376 : vector<16xi32> to vector<1x16xi32>
      tpu.vector_store %arg8[%swap3A_378, %swap3A_379], %swap3A_382 {strides = array<i32>} : memref<2x128xi32, #tpu.memory_space<vmem>>, vector<1x16xi32>,
      %get3A_383 = arith.index_cast %add3A_226 : i32 to index
      %get3A_384 = arith.constant 112 : index
      %get3A_385 = tpu.vector_load %arg6[%get3A_383, %get3A_384] {strides = array<i32>} : memref<80x128xi32, #tpu.memory_space<vmem>>, vector<1x16xi32>,
      %get3A_386 = vector.shape_cast %get3A_385 : vector<1x16xi32> to vector<16xi32>
      %shift_right_logical3A_387 = arith.constant 16 : i32
      %shift_right_logical3A_388 = vector.broadcast %shift_right_logical3A_387 : i32 to vector<16xi32>
      %shift_right_logical3A_389 = arith.shrui %get3A_386, %shift_right_logical3A_388 : vector<16xi32>
      %swap3A_390 = arith.constant 1 : i32
      %swap3A_391 = arith.index_cast %swap3A_390 : i32 to index
      %swap3A_392 = arith.constant 112 : index
      %swap3A_393 = tpu.vector_load %arg7[%swap3A_391, %swap3A_392] {strides = array<i32>} : memref<2x128xi32, #tpu.memory_space<vmem>>, vector<1x16xi32>,
      %swap3A_394 = vector.shape_cast %swap3A_393 : vector<1x16xi32> to vector<16xi32>
      %swap3A_395 = vector.shape_cast %shift_right_logical3A_389 : vector<16xi32> to vector<1x16xi32>
      tpu.vector_store %arg7[%swap3A_391, %swap3A_392], %swap3A_395 {strides = array<i32>} : memref<2x128xi32, #tpu.memory_space<vmem>>, vector<1x16xi32>,
      %and3A_396 = arith.constant 65535 : i32
      %and3A_397 = vector.broadcast %and3A_396 : i32 to vector<16xi32>
      %and3A_398 = arith.andi %get3A_386, %and3A_397 : vector<16xi32>
      %swap3A_399 = arith.constant 1 : i32
      %swap3A_400 = arith.index_cast %swap3A_399 : i32 to index
      %swap3A_401 = arith.constant 112 : index
      %swap3A_402 = tpu.vector_load %arg8[%swap3A_400, %swap3A_401] {strides = array<i32>} : memref<2x128xi32, #tpu.memory_space<vmem>>, vector<1x16xi32>,
      %swap3A_403 = vector.shape_cast %swap3A_402 : vector<1x16xi32> to vector<16xi32>
      %swap3A_404 = vector.shape_cast %and3A_398 : vector<16xi32> to vector<1x16xi32>
      tpu.vector_store %arg8[%swap3A_400, %swap3A_401], %swap3A_404 {strides = array<i32>} : memref<2x128xi32, #tpu.memory_space<vmem>>, vector<1x16xi32>,
      %dma_start3A_405 = arith.constant 1 : i32
      %dma_start3A_406 = arith.constant 0 : i32
      %dma_start3A_407 = tpu.memref_slice %arg7[%dma_start3A_405, %dma_start3A_406] : memref<2x128xi32, #tpu.memory_space<vmem>> -> memref<1x128xi32, #tpu.memory_space<vmem>>
      %dma_start3A_408 = tpu.memref_squeeze %dma_start3A_407 : memref<1x128xi32, #tpu.memory_space<vmem>> -> memref<128xi32, #tpu.memory_space<vmem>>
      %dma_start3A_409 = arith.constant 0 : i32
      %dma_start3A_410 = arith.constant 0 : i32
      %dma_start3A_411 = tpu.memref_slice %arg2[%dma_start3A_409, %dma_start3A_410] : memref<10000x128xf32, #tpu.memory_space<hbm>> -> memref<10000x128xf32, #tpu.memory_space<hbm>>
      tpu.enqueue_indirect_dma source(%dma_start3A_411 : memref<10000x128xf32, #tpu.memory_space<hbm>>) target(%arg10 : memref<128x128xf32, #tpu.memory_space<vmem>>) offsets(%dma_start3A_408 : memref<128xi32, #tpu.memory_space<vmem>>) semaphore(%arg13 : memref<!tpu.dma_semaphore, #tpu.memory_space<semaphore_mem>>)
      %dma_wait3A_412 = arith.constant 0 : i32
      %dma_wait3A_413 = arith.constant 0 : i32
      %dma_wait3A_414 = tpu.memref_slice %arg7[%dma_wait3A_412, %dma_wait3A_413] : memref<2x128xi32, #tpu.memory_space<vmem>> -> memref<1x128xi32, #tpu.memory_space<vmem>>
      %dma_wait3A_415 = tpu.memref_squeeze %dma_wait3A_414 : memref<1x128xi32, #tpu.memory_space<vmem>> -> memref<128xi32, #tpu.memory_space<vmem>>
      %dma_wait3A_416 = arith.constant 0 : i32
      %dma_wait3A_417 = arith.constant 0 : i32
      %dma_wait3A_418 = tpu.memref_slice %arg2[%dma_wait3A_416, %dma_wait3A_417] : memref<10000x128xf32, #tpu.memory_space<hbm>> -> memref<10000x128xf32, #tpu.memory_space<hbm>>
      tpu.wait_indirect_dma semaphore(%arg12 : memref<!tpu.dma_semaphore, #tpu.memory_space<semaphore_mem>>) src(%dma_wait3A_418 : memref<10000x128xf32, #tpu.memory_space<hbm>>) dst(%arg9 : memref<128x128xf32, #tpu.memory_space<vmem>>)
      %dma_start3A_419 = arith.constant 0 : i32
      %dma_start3A_420 = arith.constant 0 : i32
      %dma_start3A_421 = tpu.memref_slice %arg8[%dma_start3A_419, %dma_start3A_420] : memref<2x128xi32, #tpu.memory_space<vmem>> -> memref<1x128xi32, #tpu.memory_space<vmem>>
      %dma_start3A_422 = tpu.memref_squeeze %dma_start3A_421 : memref<1x128xi32, #tpu.memory_space<vmem>> -> memref<128xi32, #tpu.memory_space<vmem>>
      %dma_start3A_423 = arith.constant 0 : i32
      %dma_start3A_424 = arith.constant 0 : i32
      %dma_start3A_425 = tpu.memref_slice %arg11[%dma_start3A_423, %dma_start3A_424] : memref<10240x128xf32, #tpu.memory_space<vmem_shared>> -> memref<10240x128xf32, #tpu.memory_space<vmem_shared>>
      tpu.enqueue_indirect_dma source(%arg9 : memref<128x128xf32, #tpu.memory_space<vmem>>) target(%dma_start3A_425 : memref<10240x128xf32, #tpu.memory_space<vmem_shared>>) offsets(%dma_start3A_422 : memref<128xi32, #tpu.memory_space<vmem>>) semaphore(%arg14 : memref<!tpu.dma_semaphore, #tpu.memory_space<semaphore_mem>>) {add = true}
      %lt3A = arith.constant 39 : i32
      %lt3A_426 = arith.cmpi slt, %scan3A_221, %lt3A : i32
      %convert_element_type3A_427 = arith.extui %lt3A_426 : i1 to i32
      %cond3A_428 = arith.constant 0 : i32
      %cond3A_429 = arith.cmpi ne, %convert_element_type3A_427, %cond3A_428 : i32
      scf.if %cond3A_429 {
        %dma_wait3A_445 = arith.constant 0 : i32
        %dma_wait3A_446 = arith.constant 0 : i32
        %dma_wait3A_447 = tpu.memref_slice %arg8[%dma_wait3A_445, %dma_wait3A_446] : memref<2x128xi32, #tpu.memory_space<vmem>> -> memref<1x128xi32, #tpu.memory_space<vmem>>
        %dma_wait3A_448 = tpu.memref_squeeze %dma_wait3A_447 : memref<1x128xi32, #tpu.memory_space<vmem>> -> memref<128xi32, #tpu.memory_space<vmem>>
        %dma_wait3A_449 = arith.constant 0 : i32
        %dma_wait3A_450 = arith.constant 0 : i32
        %dma_wait3A_451 = tpu.memref_slice %arg11[%dma_wait3A_449, %dma_wait3A_450] : memref<10240x128xf32, #tpu.memory_space<vmem_shared>> -> memref<10240x128xf32, #tpu.memory_space<vmem_shared>>
        tpu.wait_indirect_dma semaphore(%arg14 : memref<!tpu.dma_semaphore, #tpu.memory_space<semaphore_mem>>) src(%arg9 : memref<128x128xf32, #tpu.memory_space<vmem>>) dst(%dma_wait3A_451 : memref<10240x128xf32, #tpu.memory_space<vmem_shared>>)
        %add3A_452 = arith.constant 2 : i32
        %add3A_453 = arith.addi %mul3A_224, %add3A_452 : i32
        %get3A_454 = arith.index_cast %add3A_453 : i32 to index
        %get3A_455 = arith.constant 0 : index
        %get3A_456 = tpu.vector_load %arg6[%get3A_454, %get3A_455] {strides = array<i32>} : memref<80x128xi32, #tpu.memory_space<vmem>>, vector<1x16xi32>,
        %get3A_457 = vector.shape_cast %get3A_456 : vector<1x16xi32> to vector<16xi32>
        %shift_right_logical3A_458 = arith.constant 16 : i32
        %shift_right_logical3A_459 = vector.broadcast %shift_right_logical3A_458 : i32 to vector<16xi32>
        %shift_right_logical3A_460 = arith.shrui %get3A_457, %shift_right_logical3A_459 : vector<16xi32>
        %swap3A_461 = arith.constant 0 : i32
        %swap3A_462 = arith.index_cast %swap3A_461 : i32 to index
        %swap3A_463 = arith.constant 0 : index
        %swap3A_464 = tpu.vector_load %arg7[%swap3A_462, %swap3A_463] {strides = array<i32>} : memref<2x128xi32, #tpu.memory_space<vmem>>, vector<1x16xi32>,
        %swap3A_465 = vector.shape_cast %swap3A_464 : vector<1x16xi32> to vector<16xi32>
        %swap3A_466 = vector.shape_cast %shift_right_logical3A_460 : vector<16xi32> to vector<1x16xi32>
        tpu.vector_store %arg7[%swap3A_462, %swap3A_463], %swap3A_466 {strides = array<i32>} : memref<2x128xi32, #tpu.memory_space<vmem>>, vector<1x16xi32>,
        %and3A_467 = arith.constant 65535 : i32
        %and3A_468 = vector.broadcast %and3A_467 : i32 to vector<16xi32>
        %and3A_469 = arith.andi %get3A_457, %and3A_468 : vector<16xi32>
        %swap3A_470 = arith.constant 0 : i32
        %swap3A_471 = arith.index_cast %swap3A_470 : i32 to index
        %swap3A_472 = arith.constant 0 : index
        %swap3A_473 = tpu.vector_load %arg8[%swap3A_471, %swap3A_472] {strides = array<i32>} : memref<2x128xi32, #tpu.memory_space<vmem>>, vector<1x16xi32>,
        %swap3A_474 = vector.shape_cast %swap3A_473 : vector<1x16xi32> to vector<16xi32>
        %swap3A_475 = vector.shape_cast %and3A_469 : vector<16xi32> to vector<1x16xi32>
        tpu.vector_store %arg8[%swap3A_471, %swap3A_472], %swap3A_475 {strides = array<i32>} : memref<2x128xi32, #tpu.memory_space<vmem>>, vector<1x16xi32>,
        %get3A_476 = arith.index_cast %add3A_453 : i32 to index
        %get3A_477 = arith.constant 16 : index
        %get3A_478 = tpu.vector_load %arg6[%get3A_476, %get3A_477] {strides = array<i32>} : memref<80x128xi32, #tpu.memory_space<vmem>>, vector<1x16xi32>,
        %get3A_479 = vector.shape_cast %get3A_478 : vector<1x16xi32> to vector<16xi32>
        %shift_right_logical3A_480 = arith.constant 16 : i32
        %shift_right_logical3A_481 = vector.broadcast %shift_right_logical3A_480 : i32 to vector<16xi32>
        %shift_right_logical3A_482 = arith.shrui %get3A_479, %shift_right_logical3A_481 : vector<16xi32>
        %swap3A_483 = arith.constant 0 : i32
        %swap3A_484 = arith.index_cast %swap3A_483 : i32 to index
        %swap3A_485 = arith.constant 16 : index
        %swap3A_486 = tpu.vector_load %arg7[%swap3A_484, %swap3A_485] {strides = array<i32>} : memref<2x128xi32, #tpu.memory_space<vmem>>, vector<1x16xi32>,
        %swap3A_487 = vector.shape_cast %swap3A_486 : vector<1x16xi32> to vector<16xi32>
        %swap3A_488 = vector.shape_cast %shift_right_logical3A_482 : vector<16xi32> to vector<1x16xi32>
        tpu.vector_store %arg7[%swap3A_484, %swap3A_485], %swap3A_488 {strides = array<i32>} : memref<2x128xi32, #tpu.memory_space<vmem>>, vector<1x16xi32>,
        %and3A_489 = arith.constant 65535 : i32
        %and3A_490 = vector.broadcast %and3A_489 : i32 to vector<16xi32>
        %and3A_491 = arith.andi %get3A_479, %and3A_490 : vector<16xi32>
        %swap3A_492 = arith.constant 0 : i32
        %swap3A_493 = arith.index_cast %swap3A_492 : i32 to index
        %swap3A_494 = arith.constant 16 : index
        %swap3A_495 = tpu.vector_load %arg8[%swap3A_493, %swap3A_494] {strides = array<i32>} : memref<2x128xi32, #tpu.memory_space<vmem>>, vector<1x16xi32>,
        %swap3A_496 = vector.shape_cast %swap3A_495 : vector<1x16xi32> to vector<16xi32>
        %swap3A_497 = vector.shape_cast %and3A_491 : vector<16xi32> to vector<1x16xi32>
        tpu.vector_store %arg8[%swap3A_493, %swap3A_494], %swap3A_497 {strides = array<i32>} : memref<2x128xi32, #tpu.memory_space<vmem>>, vector<1x16xi32>,
        %get3A_498 = arith.index_cast %add3A_453 : i32 to index
        %get3A_499 = arith.constant 32 : index
        %get3A_500 = tpu.vector_load %arg6[%get3A_498, %get3A_499] {strides = array<i32>} : memref<80x128xi32, #tpu.memory_space<vmem>>, vector<1x16xi32>,
        %get3A_501 = vector.shape_cast %get3A_500 : vector<1x16xi32> to vector<16xi32>
        %shift_right_logical3A_502 = arith.constant 16 : i32
        %shift_right_logical3A_503 = vector.broadcast %shift_right_logical3A_502 : i32 to vector<16xi32>
        %shift_right_logical3A_504 = arith.shrui %get3A_501, %shift_right_logical3A_503 : vector<16xi32>
        %swap3A_505 = arith.constant 0 : i32
        %swap3A_506 = arith.index_cast %swap3A_505 : i32 to index
        %swap3A_507 = arith.constant 32 : index
        %swap3A_508 = tpu.vector_load %arg7[%swap3A_506, %swap3A_507] {strides = array<i32>} : memref<2x128xi32, #tpu.memory_space<vmem>>, vector<1x16xi32>,
        %swap3A_509 = vector.shape_cast %swap3A_508 : vector<1x16xi32> to vector<16xi32>
        %swap3A_510 = vector.shape_cast %shift_right_logical3A_504 : vector<16xi32> to vector<1x16xi32>
        tpu.vector_store %arg7[%swap3A_506, %swap3A_507], %swap3A_510 {strides = array<i32>} : memref<2x128xi32, #tpu.memory_space<vmem>>, vector<1x16xi32>,
        %and3A_511 = arith.constant 65535 : i32
        %and3A_512 = vector.broadcast %and3A_511 : i32 to vector<16xi32>
        %and3A_513 = arith.andi %get3A_501, %and3A_512 : vector<16xi32>
        %swap3A_514 = arith.constant 0 : i32
        %swap3A_515 = arith.index_cast %swap3A_514 : i32 to index
        %swap3A_516 = arith.constant 32 : index
        %swap3A_517 = tpu.vector_load %arg8[%swap3A_515, %swap3A_516] {strides = array<i32>} : memref<2x128xi32, #tpu.memory_space<vmem>>, vector<1x16xi32>,
        %swap3A_518 = vector.shape_cast %swap3A_517 : vector<1x16xi32> to vector<16xi32>
        %swap3A_519 = vector.shape_cast %and3A_513 : vector<16xi32> to vector<1x16xi32>
        tpu.vector_store %arg8[%swap3A_515, %swap3A_516], %swap3A_519 {strides = array<i32>} : memref<2x128xi32, #tpu.memory_space<vmem>>, vector<1x16xi32>,
        %get3A_520 = arith.index_cast %add3A_453 : i32 to index
        %get3A_521 = arith.constant 48 : index
        %get3A_522 = tpu.vector_load %arg6[%get3A_520, %get3A_521] {strides = array<i32>} : memref<80x128xi32, #tpu.memory_space<vmem>>, vector<1x16xi32>,
        %get3A_523 = vector.shape_cast %get3A_522 : vector<1x16xi32> to vector<16xi32>
        %shift_right_logical3A_524 = arith.constant 16 : i32
        %shift_right_logical3A_525 = vector.broadcast %shift_right_logical3A_524 : i32 to vector<16xi32>
        %shift_right_logical3A_526 = arith.shrui %get3A_523, %shift_right_logical3A_525 : vector<16xi32>
        %swap3A_527 = arith.constant 0 : i32
        %swap3A_528 = arith.index_cast %swap3A_527 : i32 to index
        %swap3A_529 = arith.constant 48 : index
        %swap3A_530 = tpu.vector_load %arg7[%swap3A_528, %swap3A_529] {strides = array<i32>} : memref<2x128xi32, #tpu.memory_space<vmem>>, vector<1x16xi32>,
        %swap3A_531 = vector.shape_cast %swap3A_530 : vector<1x16xi32> to vector<16xi32>
        %swap3A_532 = vector.shape_cast %shift_right_logical3A_526 : vector<16xi32> to vector<1x16xi32>
        tpu.vector_store %arg7[%swap3A_528, %swap3A_529], %swap3A_532 {strides = array<i32>} : memref<2x128xi32, #tpu.memory_space<vmem>>, vector<1x16xi32>,
        %and3A_533 = arith.constant 65535 : i32
        %and3A_534 = vector.broadcast %and3A_533 : i32 to vector<16xi32>
        %and3A_535 = arith.andi %get3A_523, %and3A_534 : vector<16xi32>
        %swap3A_536 = arith.constant 0 : i32
        %swap3A_537 = arith.index_cast %swap3A_536 : i32 to index
        %swap3A_538 = arith.constant 48 : index
        %swap3A_539 = tpu.vector_load %arg8[%swap3A_537, %swap3A_538] {strides = array<i32>} : memref<2x128xi32, #tpu.memory_space<vmem>>, vector<1x16xi32>,
        %swap3A_540 = vector.shape_cast %swap3A_539 : vector<1x16xi32> to vector<16xi32>
        %swap3A_541 = vector.shape_cast %and3A_535 : vector<16xi32> to vector<1x16xi32>
        tpu.vector_store %arg8[%swap3A_537, %swap3A_538], %swap3A_541 {strides = array<i32>} : memref<2x128xi32, #tpu.memory_space<vmem>>, vector<1x16xi32>,
        %get3A_542 = arith.index_cast %add3A_453 : i32 to index
        %get3A_543 = arith.constant 64 : index
        %get3A_544 = tpu.vector_load %arg6[%get3A_542, %get3A_543] {strides = array<i32>} : memref<80x128xi32, #tpu.memory_space<vmem>>, vector<1x16xi32>,
        %get3A_545 = vector.shape_cast %get3A_544 : vector<1x16xi32> to vector<16xi32>
        %shift_right_logical3A_546 = arith.constant 16 : i32
        %shift_right_logical3A_547 = vector.broadcast %shift_right_logical3A_546 : i32 to vector<16xi32>
        %shift_right_logical3A_548 = arith.shrui %get3A_545, %shift_right_logical3A_547 : vector<16xi32>
        %swap3A_549 = arith.constant 0 : i32
        %swap3A_550 = arith.index_cast %swap3A_549 : i32 to index
        %swap3A_551 = arith.constant 64 : index
        %swap3A_552 = tpu.vector_load %arg7[%swap3A_550, %swap3A_551] {strides = array<i32>} : memref<2x128xi32, #tpu.memory_space<vmem>>, vector<1x16xi32>,
        %swap3A_553 = vector.shape_cast %swap3A_552 : vector<1x16xi32> to vector<16xi32>
        %swap3A_554 = vector.shape_cast %shift_right_logical3A_548 : vector<16xi32> to vector<1x16xi32>
        tpu.vector_store %arg7[%swap3A_550, %swap3A_551], %swap3A_554 {strides = array<i32>} : memref<2x128xi32, #tpu.memory_space<vmem>>, vector<1x16xi32>,
        %and3A_555 = arith.constant 65535 : i32
        %and3A_556 = vector.broadcast %and3A_555 : i32 to vector<16xi32>
        %and3A_557 = arith.andi %get3A_545, %and3A_556 : vector<16xi32>
        %swap3A_558 = arith.constant 0 : i32
        %swap3A_559 = arith.index_cast %swap3A_558 : i32 to index
        %swap3A_560 = arith.constant 64 : index
        %swap3A_561 = tpu.vector_load %arg8[%swap3A_559, %swap3A_560] {strides = array<i32>} : memref<2x128xi32, #tpu.memory_space<vmem>>, vector<1x16xi32>,
        %swap3A_562 = vector.shape_cast %swap3A_561 : vector<1x16xi32> to vector<16xi32>
        %swap3A_563 = vector.shape_cast %and3A_557 : vector<16xi32> to vector<1x16xi32>
        tpu.vector_store %arg8[%swap3A_559, %swap3A_560], %swap3A_563 {strides = array<i32>} : memref<2x128xi32, #tpu.memory_space<vmem>>, vector<1x16xi32>,
        %get3A_564 = arith.index_cast %add3A_453 : i32 to index
        %get3A_565 = arith.constant 80 : index
        %get3A_566 = tpu.vector_load %arg6[%get3A_564, %get3A_565] {strides = array<i32>} : memref<80x128xi32, #tpu.memory_space<vmem>>, vector<1x16xi32>,
        %get3A_567 = vector.shape_cast %get3A_566 : vector<1x16xi32> to vector<16xi32>
        %shift_right_logical3A_568 = arith.constant 16 : i32
        %shift_right_logical3A_569 = vector.broadcast %shift_right_logical3A_568 : i32 to vector<16xi32>
        %shift_right_logical3A_570 = arith.shrui %get3A_567, %shift_right_logical3A_569 : vector<16xi32>
        %swap3A_571 = arith.constant 0 : i32
        %swap3A_572 = arith.index_cast %swap3A_571 : i32 to index
        %swap3A_573 = arith.constant 80 : index
        %swap3A_574 = tpu.vector_load %arg7[%swap3A_572, %swap3A_573] {strides = array<i32>} : memref<2x128xi32, #tpu.memory_space<vmem>>, vector<1x16xi32>,
        %swap3A_575 = vector.shape_cast %swap3A_574 : vector<1x16xi32> to vector<16xi32>
        %swap3A_576 = vector.shape_cast %shift_right_logical3A_570 : vector<16xi32> to vector<1x16xi32>
        tpu.vector_store %arg7[%swap3A_572, %swap3A_573], %swap3A_576 {strides = array<i32>} : memref<2x128xi32, #tpu.memory_space<vmem>>, vector<1x16xi32>,
        %and3A_577 = arith.constant 65535 : i32
        %and3A_578 = vector.broadcast %and3A_577 : i32 to vector<16xi32>
        %and3A_579 = arith.andi %get3A_567, %and3A_578 : vector<16xi32>
        %swap3A_580 = arith.constant 0 : i32
        %swap3A_581 = arith.index_cast %swap3A_580 : i32 to index
        %swap3A_582 = arith.constant 80 : index
        %swap3A_583 = tpu.vector_load %arg8[%swap3A_581, %swap3A_582] {strides = array<i32>} : memref<2x128xi32, #tpu.memory_space<vmem>>, vector<1x16xi32>,
        %swap3A_584 = vector.shape_cast %swap3A_583 : vector<1x16xi32> to vector<16xi32>
        %swap3A_585 = vector.shape_cast %and3A_579 : vector<16xi32> to vector<1x16xi32>
        tpu.vector_store %arg8[%swap3A_581, %swap3A_582], %swap3A_585 {strides = array<i32>} : memref<2x128xi32, #tpu.memory_space<vmem>>, vector<1x16xi32>,
        %get3A_586 = arith.index_cast %add3A_453 : i32 to index
        %get3A_587 = arith.constant 96 : index
        %get3A_588 = tpu.vector_load %arg6[%get3A_586, %get3A_587] {strides = array<i32>} : memref<80x128xi32, #tpu.memory_space<vmem>>, vector<1x16xi32>,
        %get3A_589 = vector.shape_cast %get3A_588 : vector<1x16xi32> to vector<16xi32>
        %shift_right_logical3A_590 = arith.constant 16 : i32
        %shift_right_logical3A_591 = vector.broadcast %shift_right_logical3A_590 : i32 to vector<16xi32>
        %shift_right_logical3A_592 = arith.shrui %get3A_589, %shift_right_logical3A_591 : vector<16xi32>
        %swap3A_593 = arith.constant 0 : i32
        %swap3A_594 = arith.index_cast %swap3A_593 : i32 to index
        %swap3A_595 = arith.constant 96 : index
        %swap3A_596 = tpu.vector_load %arg7[%swap3A_594, %swap3A_595] {strides = array<i32>} : memref<2x128xi32, #tpu.memory_space<vmem>>, vector<1x16xi32>,
        %swap3A_597 = vector.shape_cast %swap3A_596 : vector<1x16xi32> to vector<16xi32>
        %swap3A_598 = vector.shape_cast %shift_right_logical3A_592 : vector<16xi32> to vector<1x16xi32>
        tpu.vector_store %arg7[%swap3A_594, %swap3A_595], %swap3A_598 {strides = array<i32>} : memref<2x128xi32, #tpu.memory_space<vmem>>, vector<1x16xi32>,
        %and3A_599 = arith.constant 65535 : i32
        %and3A_600 = vector.broadcast %and3A_599 : i32 to vector<16xi32>
        %and3A_601 = arith.andi %get3A_589, %and3A_600 : vector<16xi32>
        %swap3A_602 = arith.constant 0 : i32
        %swap3A_603 = arith.index_cast %swap3A_602 : i32 to index
        %swap3A_604 = arith.constant 96 : index
        %swap3A_605 = tpu.vector_load %arg8[%swap3A_603, %swap3A_604] {strides = array<i32>} : memref<2x128xi32, #tpu.memory_space<vmem>>, vector<1x16xi32>,
        %swap3A_606 = vector.shape_cast %swap3A_605 : vector<1x16xi32> to vector<16xi32>
        %swap3A_607 = vector.shape_cast %and3A_601 : vector<16xi32> to vector<1x16xi32>
        tpu.vector_store %arg8[%swap3A_603, %swap3A_604], %swap3A_607 {strides = array<i32>} : memref<2x128xi32, #tpu.memory_space<vmem>>, vector<1x16xi32>,
        %get3A_608 = arith.index_cast %add3A_453 : i32 to index
        %get3A_609 = arith.constant 112 : index
        %get3A_610 = tpu.vector_load %arg6[%get3A_608, %get3A_609] {strides = array<i32>} : memref<80x128xi32, #tpu.memory_space<vmem>>, vector<1x16xi32>,
        %get3A_611 = vector.shape_cast %get3A_610 : vector<1x16xi32> to vector<16xi32>
        %shift_right_logical3A_612 = arith.constant 16 : i32
        %shift_right_logical3A_613 = vector.broadcast %shift_right_logical3A_612 : i32 to vector<16xi32>
        %shift_right_logical3A_614 = arith.shrui %get3A_611, %shift_right_logical3A_613 : vector<16xi32>
        %swap3A_615 = arith.constant 0 : i32
        %swap3A_616 = arith.index_cast %swap3A_615 : i32 to index
        %swap3A_617 = arith.constant 112 : index
        %swap3A_618 = tpu.vector_load %arg7[%swap3A_616, %swap3A_617] {strides = array<i32>} : memref<2x128xi32, #tpu.memory_space<vmem>>, vector<1x16xi32>,
        %swap3A_619 = vector.shape_cast %swap3A_618 : vector<1x16xi32> to vector<16xi32>
        %swap3A_620 = vector.shape_cast %shift_right_logical3A_614 : vector<16xi32> to vector<1x16xi32>
        tpu.vector_store %arg7[%swap3A_616, %swap3A_617], %swap3A_620 {strides = array<i32>} : memref<2x128xi32, #tpu.memory_space<vmem>>, vector<1x16xi32>,
        %and3A_621 = arith.constant 65535 : i32
        %and3A_622 = vector.broadcast %and3A_621 : i32 to vector<16xi32>
        %and3A_623 = arith.andi %get3A_611, %and3A_622 : vector<16xi32>
        %swap3A_624 = arith.constant 0 : i32
        %swap3A_625 = arith.index_cast %swap3A_624 : i32 to index
        %swap3A_626 = arith.constant 112 : index
        %swap3A_627 = tpu.vector_load %arg8[%swap3A_625, %swap3A_626] {strides = array<i32>} : memref<2x128xi32, #tpu.memory_space<vmem>>, vector<1x16xi32>,
        %swap3A_628 = vector.shape_cast %swap3A_627 : vector<1x16xi32> to vector<16xi32>
        %swap3A_629 = vector.shape_cast %and3A_623 : vector<16xi32> to vector<1x16xi32>
        tpu.vector_store %arg8[%swap3A_625, %swap3A_626], %swap3A_629 {strides = array<i32>} : memref<2x128xi32, #tpu.memory_space<vmem>>, vector<1x16xi32>,
        %add3A_630 = arith.constant 2 : i32
        %add3A_631 = arith.addi %mul3A_224, %add3A_630 : i32
        %dma_start3A_632 = arith.constant 0 : i32
        %dma_start3A_633 = arith.constant 0 : i32
        %dma_start3A_634 = tpu.memref_slice %arg7[%dma_start3A_632, %dma_start3A_633] : memref<2x128xi32, #tpu.memory_space<vmem>> -> memref<1x128xi32, #tpu.memory_space<vmem>>
        %dma_start3A_635 = tpu.memref_squeeze %dma_start3A_634 : memref<1x128xi32, #tpu.memory_space<vmem>> -> memref<128xi32, #tpu.memory_space<vmem>>
        %dma_start3A_636 = arith.constant 0 : i32
        %dma_start3A_637 = arith.constant 0 : i32
        %dma_start3A_638 = tpu.memref_slice %arg2[%dma_start3A_636, %dma_start3A_637] : memref<10000x128xf32, #tpu.memory_space<hbm>> -> memref<10000x128xf32, #tpu.memory_space<hbm>>
        tpu.enqueue_indirect_dma source(%dma_start3A_638 : memref<10000x128xf32, #tpu.memory_space<hbm>>) target(%arg9 : memref<128x128xf32, #tpu.memory_space<vmem>>) offsets(%dma_start3A_635 : memref<128xi32, #tpu.memory_space<vmem>>) semaphore(%arg12 : memref<!tpu.dma_semaphore, #tpu.memory_space<semaphore_mem>>)
      } else {
      }
      %dma_wait3A_430 = arith.constant 1 : i32
      %dma_wait3A_431 = arith.constant 0 : i32
      %dma_wait3A_432 = tpu.memref_slice %arg7[%dma_wait3A_430, %dma_wait3A_431] : memref<2x128xi32, #tpu.memory_space<vmem>> -> memref<1x128xi32, #tpu.memory_space<vmem>>
      %dma_wait3A_433 = tpu.memref_squeeze %dma_wait3A_432 : memref<1x128xi32, #tpu.memory_space<vmem>> -> memref<128xi32, #tpu.memory_space<vmem>>
      %dma_wait3A_434 = arith.constant 0 : i32
      %dma_wait3A_435 = arith.constant 0 : i32
      %dma_wait3A_436 = tpu.memref_slice %arg2[%dma_wait3A_434, %dma_wait3A_435] : memref<10000x128xf32, #tpu.memory_space<hbm>> -> memref<10000x128xf32, #tpu.memory_space<hbm>>
      tpu.wait_indirect_dma semaphore(%arg13 : memref<!tpu.dma_semaphore, #tpu.memory_space<semaphore_mem>>) src(%dma_wait3A_436 : memref<10000x128xf32, #tpu.memory_space<hbm>>) dst(%arg10 : memref<128x128xf32, #tpu.memory_space<vmem>>)
      %dma_start3A_437 = arith.constant 1 : i32
      %dma_start3A_438 = arith.constant 0 : i32
      %dma_start3A_439 = tpu.memref_slice %arg8[%dma_start3A_437, %dma_start3A_438] : memref<2x128xi32, #tpu.memory_space<vmem>> -> memref<1x128xi32, #tpu.memory_space<vmem>>
      %dma_start3A_440 = tpu.memref_squeeze %dma_start3A_439 : memref<1x128xi32, #tpu.memory_space<vmem>> -> memref<128xi32, #tpu.memory_space<vmem>>
      %dma_start3A_441 = arith.constant 0 : i32
      %dma_start3A_442 = arith.constant 0 : i32
      %dma_start3A_443 = tpu.memref_slice %arg11[%dma_start3A_441, %dma_start3A_442] : memref<10240x128xf32, #tpu.memory_space<vmem_shared>> -> memref<10240x128xf32, #tpu.memory_space<vmem_shared>>
      tpu.enqueue_indirect_dma source(%arg10 : memref<128x128xf32, #tpu.memory_space<vmem>>) target(%dma_start3A_443 : memref<10240x128xf32, #tpu.memory_space<vmem_shared>>) offsets(%dma_start3A_440 : memref<128xi32, #tpu.memory_space<vmem>>) semaphore(%arg15 : memref<!tpu.dma_semaphore, #tpu.memory_space<semaphore_mem>>) {add = true}
      %scan3A_444 = arith.constant 0 : i32
      scf.yield %scan3A_444 : i32
    }
    %scan3A_199 = arith.constant 40 : i32
    %dma_wait3A = arith.constant 0 : i32
    %dma_wait3A_200 = arith.constant 0 : i32
    %dma_wait3A_201 = tpu.memref_slice %arg8[%dma_wait3A, %dma_wait3A_200] : memref<2x128xi32, #tpu.memory_space<vmem>> -> memref<1x128xi32, #tpu.memory_space<vmem>>
    %dma_wait3A_202 = tpu.memref_squeeze %dma_wait3A_201 : memref<1x128xi32, #tpu.memory_space<vmem>> -> memref<128xi32, #tpu.memory_space<vmem>>
    %dma_wait3A_203 = arith.constant 0 : i32
    %dma_wait3A_204 = arith.constant 0 : i32
    %dma_wait3A_205 = tpu.memref_slice %arg11[%dma_wait3A_203, %dma_wait3A_204] : memref<10240x128xf32, #tpu.memory_space<vmem_shared>> -> memref<10240x128xf32, #tpu.memory_space<vmem_shared>>
    tpu.wait_indirect_dma semaphore(%arg14 : memref<!tpu.dma_semaphore, #tpu.memory_space<semaphore_mem>>) src(%arg9 : memref<128x128xf32, #tpu.memory_space<vmem>>) dst(%dma_wait3A_205 : memref<10240x128xf32, #tpu.memory_space<vmem_shared>>)
    %dma_wait3A_206 = arith.constant 1 : i32
    %dma_wait3A_207 = arith.constant 0 : i32
    %dma_wait3A_208 = tpu.memref_slice %arg8[%dma_wait3A_206, %dma_wait3A_207] : memref<2x128xi32, #tpu.memory_space<vmem>> -> memref<1x128xi32, #tpu.memory_space<vmem>>
    %dma_wait3A_209 = tpu.memref_squeeze %dma_wait3A_208 : memref<1x128xi32, #tpu.memory_space<vmem>> -> memref<128xi32, #tpu.memory_space<vmem>>
    %dma_wait3A_210 = arith.constant 0 : i32
    %dma_wait3A_211 = arith.constant 0 : i32
    %dma_wait3A_212 = tpu.memref_slice %arg11[%dma_wait3A_210, %dma_wait3A_211] : memref<10240x128xf32, #tpu.memory_space<vmem_shared>> -> memref<10240x128xf32, #tpu.memory_space<vmem_shared>>
    tpu.wait_indirect_dma semaphore(%arg15 : memref<!tpu.dma_semaphore, #tpu.memory_space<semaphore_mem>>) src(%arg10 : memref<128x128xf32, #tpu.memory_space<vmem>>) dst(%dma_wait3A_212 : memref<10240x128xf32, #tpu.memory_space<vmem_shared>>)
    %barrier3A_213 = arith.constant 0 : index
    tpu.barrier barrier_id(%barrier3A_213)
    %scan3A_214 = arith.constant 0 : i32
    %scan3A_215 = arith.constant 0 : i32
    %scan3A_216 = arith.constant 5 : i32
    %scan3A_217 = arith.addi %scan3A_215, %scan3A_216 : i32
    %scan3A_218 = arith.constant 1 : i32
    %scan3A_219 = scf.for %scan3A_221 = %scan3A_215 to %scan3A_217 step %scan3A_218 iter_args(%scan3A_222 = %scan3A_214) -> (i32)  : i32 {
      %mul3A_223 = arith.constant 640 : i32
      %mul3A_224 = arith.muli %arg1, %mul3A_223 : i32
      %mul3A_225 = arith.constant 128 : i32
      %mul3A_226 = arith.muli %scan3A_221, %mul3A_225 : i32
      %add3A_227 = arith.addi %mul3A_224, %mul3A_226 : i32
      "tpu.region"() ({
        %run_scoped3A = tpu.sem_alloc : memref<!tpu.dma_semaphore, #tpu.memory_space<semaphore_mem>>
        %dma_start3A_229 = arith.constant 0 : i32
        %dma_start3A_230 = tpu.memref_slice %arg11[%add3A_227, %dma_start3A_229] : memref<10240x128xf32, #tpu.memory_space<vmem_shared>> -> memref<128x128xf32, #tpu.memory_space<vmem_shared>>
        %dma_start3A_231 = arith.constant 0 : i32
        %dma_start3A_232 = tpu.memref_slice %arg11[%add3A_227, %dma_start3A_231] : memref<10240x128xf32, #tpu.memory_space<vmem_shared>> -> memref<128x128xf32, #tpu.memory_space<vmem_shared>>
        tpu.enqueue_dma source(%dma_start3A_232 : memref<128x128xf32, #tpu.memory_space<vmem_shared>>) target(%arg9 : memref<128x128xf32, #tpu.memory_space<vmem>>) target_semaphore(%run_scoped3A : memref<!tpu.dma_semaphore, #tpu.memory_space<semaphore_mem>>)
        %dma_wait3A_233 = arith.constant 0 : i32
        %dma_wait3A_234 = tpu.memref_slice %arg11[%add3A_227, %dma_wait3A_233] : memref<10240x128xf32, #tpu.memory_space<vmem_shared>> -> memref<128x128xf32, #tpu.memory_space<vmem_shared>>
        %dma_wait3A_235 = arith.constant 0 : i32
        %dma_wait3A_236 = tpu.memref_slice %arg11[%add3A_227, %dma_wait3A_235] : memref<10240x128xf32, #tpu.memory_space<vmem_shared>> -> memref<128x128xf32, #tpu.memory_space<vmem_shared>>
        tpu.wait_dma2 semaphore(%run_scoped3A : memref<!tpu.dma_semaphore, #tpu.memory_space<semaphore_mem>>) src(%dma_wait3A_236 : memref<128x128xf32, #tpu.memory_space<vmem_shared>>) dst(%arg9 : memref<128x128xf32, #tpu.memory_space<vmem>>)
        tpu.yield
      }) : () -> ()
      "tpu.region"() ({
        %run_scoped3A = tpu.sem_alloc : memref<!tpu.dma_semaphore, #tpu.memory_space<semaphore_mem>>
        %dma_start3A_229 = arith.constant 0 : i32
        %dma_start3A_230 = tpu.memref_slice %arg5[%arg0, %add3A_227, %dma_start3A_229] : memref<2x10240x128xf32, #tpu.memory_space<hbm>> -> memref<1x128x128xf32, #tpu.memory_space<hbm>>
        %dma_start3A_231 = tpu.memref_squeeze %dma_start3A_230 : memref<1x128x128xf32, #tpu.memory_space<hbm>> -> memref<128x128xf32, #tpu.memory_space<hbm>>
        %dma_start3A_232 = arith.constant 0 : i32
        %dma_start3A_233 = tpu.memref_slice %arg5[%arg0, %add3A_227, %dma_start3A_232] : memref<2x10240x128xf32, #tpu.memory_space<hbm>> -> memref<1x128x128xf32, #tpu.memory_space<hbm>>
        %dma_start3A_234 = tpu.memref_squeeze %dma_start3A_233 : memref<1x128x128xf32, #tpu.memory_space<hbm>> -> memref<128x128xf32, #tpu.memory_space<hbm>>
        tpu.enqueue_dma source(%arg9 : memref<128x128xf32, #tpu.memory_space<vmem>>) target(%dma_start3A_234 : memref<128x128xf32, #tpu.memory_space<hbm>>) target_semaphore(%run_scoped3A : memref<!tpu.dma_semaphore, #tpu.memory_space<semaphore_mem>>)
        %dma_wait3A_235 = arith.constant 0 : i32
        %dma_wait3A_236 = tpu.memref_slice %arg5[%arg0, %add3A_227, %dma_wait3A_235] : memref<2x10240x128xf32, #tpu.memory_space<hbm>> -> memref<1x128x128xf32, #tpu.memory_space<hbm>>
        %dma_wait3A_237 = tpu.memref_squeeze %dma_wait3A_236 : memref<1x128x128xf32, #tpu.memory_space<hbm>> -> memref<128x128xf32, #tpu.memory_space<hbm>>
        %dma_wait3A_238 = arith.constant 0 : i32
        %dma_wait3A_239 = tpu.memref_slice %arg5[%arg0, %add3A_227, %dma_wait3A_238] : memref<2x10240x128xf32, #tpu.memory_space<hbm>> -> memref<1x128x128xf32, #tpu.memory_space<hbm>>
        %dma_wait3A_240 = tpu.memref_squeeze %dma_wait3A_239 : memref<1x128x128xf32, #tpu.memory_space<hbm>> -> memref<128x128xf32, #tpu.memory_space<hbm>>
        tpu.wait_dma2 semaphore(%run_scoped3A : memref<!tpu.dma_semaphore, #tpu.memory_space<semaphore_mem>>) src(%arg9 : memref<128x128xf32, #tpu.memory_space<vmem>>) dst(%dma_wait3A_240 : memref<128x128xf32, #tpu.memory_space<hbm>>)
        tpu.yield
      }) : () -> ()
      %scan3A_228 = arith.constant 0 : i32
      scf.yield %scan3A_228 : i32
    }
    %scan3A_220 = arith.constant 5 : i32
    return
  }
}

module attributes {stable_mosaic.version = 14 : i64} {
  func.func @_stage1_body(%arg0: i32, %arg1: memref<1000x128xf32, #tpu.memory_space<vmem>>, %arg2: memref<128x128xf32, #tpu.memory_space<vmem>>, %arg3: memref<2x1000x16xf32, #tpu.memory_space<vmem>>, %arg4: memref<1000x128xf32, #tpu.memory_space<vmem>>, %arg5: memref<1000x128xf32, #tpu.memory_space<vmem>>) attributes {dimension_semantics = [#tpu.dimension_semantics<arbitrary>], iteration_bounds = array<i64: 10>, scalar_prefetch = 0 : i64, scratch_operands = 0 : i64, tpu.core_type = #tpu.core_type<tc>, window_params = [{transform_indices = @transform_0, window_bounds = array<i64: 1000, 128>}, {pipeline_mode = #tpu.pipeline_mode<synchronous>, transform_indices = @transform_1, window_bounds = array<i64: 128, 128>}, {transform_indices = @transform_2, window_bounds = array<i64: 2, 1000, 16>}, {transform_indices = @transform_3, window_bounds = array<i64: 1000, 128>}, {transform_indices = @transform_4, window_bounds = array<i64: 1000, 128>}]} {
    %get3A = arith.constant 0 : index
    %get3A_0 = arith.constant 0 : index
    %get3A_1 = arith.constant 0 : index
    %get3A_2 = vector.load %arg3[%get3A, %get3A_0, %get3A_1] : memref<2x1000x16xf32, #tpu.memory_space<vmem>>, vector<2x1000x16xf32>
    %slice3A = vector.extract_strided_slice %get3A_2 {offsets = [0, 0, 0], sizes = [1, 1000, 1], strides = [1, 1, 1]} : vector<2x1000x16xf32> to vector<1x1000x1xf32>
    %squeeze3A = vector.shape_cast %slice3A : vector<1x1000x1xf32> to vector<1000x1xf32>
    %slice3A_3 = vector.extract_strided_slice %get3A_2 {offsets = [1, 0, 0], sizes = [1, 1000, 1], strides = [1, 1, 1]} : vector<2x1000x16xf32> to vector<1x1000x1xf32>
    %squeeze3A_4 = vector.shape_cast %slice3A_3 : vector<1x1000x1xf32> to vector<1000x1xf32>
    %add3A = arith.addf %squeeze3A, %squeeze3A_4 : vector<1000x1xf32>
    %add3A_5 = arith.constant 1.000000e+00 : f32
    %add3A_6 = vector.broadcast %add3A_5 : f32 to vector<1000x1xf32>
    %add3A_7 = arith.addf %add3A, %add3A_6 : vector<1000x1xf32>
    %rsqrt3A = math.rsqrt %add3A_7 : vector<1000x1xf32>
    %get3A_8 = arith.constant 0 : index
    %get3A_9 = arith.constant 0 : index
    %get3A_10 = vector.load %arg1[%get3A_8, %get3A_9] : memref<1000x128xf32, #tpu.memory_space<vmem>>, vector<1000x128xf32>
    %get3A_11 = arith.constant 0 : index
    %get3A_12 = arith.constant 0 : index
    %get3A_13 = vector.load %arg2[%get3A_11, %get3A_12] : memref<128x128xf32, #tpu.memory_space<vmem>>, vector<128x128xf32>
    %dot_general3A = arith.constant dense<0.000000e+00> : vector<1000x128xf32>
    %dot_general3A_14 = tpu.matmul %get3A_10, %get3A_13, %dot_general3A {dimension_numbers = #tpu.dot_dimension_numbers<[1], [0], [0], [1], [0, 0, 1, 1], [], []>, transpose_lhs_hint = false} : vector<1000x128xf32>, vector<128x128xf32>, vector<1000x128xf32> -> vector<1000x128xf32>
    %swap3A = arith.constant 0 : index
    %swap3A_15 = arith.constant 0 : index
    %swap3A_16 = vector.load %arg5[%swap3A, %swap3A_15] : memref<1000x128xf32, #tpu.memory_space<vmem>>, vector<1000x128xf32>
    tpu.vector_store %arg5[%swap3A, %swap3A_15], %dot_general3A_14 {strides = array<i32>} : memref<1000x128xf32, #tpu.memory_space<vmem>>, vector<1000x128xf32>,
    %mul3A = vector.broadcast %rsqrt3A : vector<1000x1xf32> to vector<1000x128xf32>
    %mul3A_17 = arith.mulf %dot_general3A_14, %mul3A : vector<1000x128xf32>
    %swap3A_18 = arith.constant 0 : index
    %swap3A_19 = arith.constant 0 : index
    %swap3A_20 = vector.load %arg4[%swap3A_18, %swap3A_19] : memref<1000x128xf32, #tpu.memory_space<vmem>>, vector<1000x128xf32>
    tpu.vector_store %arg4[%swap3A_18, %swap3A_19], %mul3A_17 {strides = array<i32>} : memref<1000x128xf32, #tpu.memory_space<vmem>>, vector<1000x128xf32>,
    return
  }
  func.func @transform_0(%arg0: i32) -> (i32, i32) {
    %c0_i32 = arith.constant 0 : i32
    %c0_i32_0 = arith.constant 0 : i32
    return %arg0, %c0_i32 : i32, i32
  }
  func.func @transform_1(%arg0: i32) -> (i32, i32) {
    %c0_i32 = arith.constant 0 : i32
    %c0_i32_0 = arith.constant 0 : i32
    %c0_i32_1 = arith.constant 0 : i32
    return %c0_i32, %c0_i32_0 : i32, i32
  }
  func.func @transform_2(%arg0: i32) -> (i32, i32, i32) {
    %c0_i32 = arith.constant 0 : i32
    %c0_i32_0 = arith.constant 0 : i32
    %c0_i32_1 = arith.constant 0 : i32
    return %c0_i32, %arg0, %c0_i32_0 : i32, i32, i32
  }
  func.func @transform_3(%arg0: i32) -> (i32, i32) {
    %c0_i32 = arith.constant 0 : i32
    %c0_i32_0 = arith.constant 0 : i32
    return %arg0, %c0_i32 : i32, i32
  }
  func.func @transform_4(%arg0: i32) -> (i32, i32) {
    %c0_i32 = arith.constant 0 : i32
    %c0_i32_0 = arith.constant 0 : i32
    return %arg0, %c0_i32 : i32, i32
  }
}

module attributes {stable_mosaic.version = 14 : i64} {
  func.func @_stage2_body(%arg0: i32, %arg1: memref<2x1000x128xf32, #tpu.memory_space<vmem>>, %arg2: memref<1000x128xf32, #tpu.memory_space<vmem>>, %arg3: memref<2x1000x16xf32, #tpu.memory_space<vmem>>, %arg4: memref<128x128xf32, #tpu.memory_space<vmem>>, %arg5: memref<1x128xf32, #tpu.memory_space<vmem>>, %arg6: memref<1000x128xf32, #tpu.memory_space<vmem>>, %arg7: memref<1000x128xf32, #tpu.memory_space<vmem>>) attributes {dimension_semantics = [#tpu.dimension_semantics<arbitrary>], iteration_bounds = array<i64: 10>, scalar_prefetch = 0 : i64, scratch_operands = 0 : i64, tpu.core_type = #tpu.core_type<tc>, window_params = [{transform_indices = @transform_0, window_bounds = array<i64: 2, 1000, 128>}, {transform_indices = @transform_1, window_bounds = array<i64: 1000, 128>}, {transform_indices = @transform_2, window_bounds = array<i64: 2, 1000, 16>}, {pipeline_mode = #tpu.pipeline_mode<synchronous>, transform_indices = @transform_3, window_bounds = array<i64: 128, 128>}, {pipeline_mode = #tpu.pipeline_mode<synchronous>, transform_indices = @transform_4, window_bounds = array<i64: 1, 128>}, {transform_indices = @transform_5, window_bounds = array<i64: 1000, 128>}, {transform_indices = @transform_6, window_bounds = array<i64: 1000, 128>}]} {
    %get3A = arith.constant 0 : index
    %get3A_0 = arith.constant 0 : index
    %get3A_1 = arith.constant 0 : index
    %get3A_2 = vector.load %arg3[%get3A, %get3A_0, %get3A_1] : memref<2x1000x16xf32, #tpu.memory_space<vmem>>, vector<2x1000x16xf32>
    %slice3A = vector.extract_strided_slice %get3A_2 {offsets = [0, 0, 0], sizes = [1, 1000, 1], strides = [1, 1, 1]} : vector<2x1000x16xf32> to vector<1x1000x1xf32>
    %squeeze3A = vector.shape_cast %slice3A : vector<1x1000x1xf32> to vector<1000x1xf32>
    %slice3A_3 = vector.extract_strided_slice %get3A_2 {offsets = [1, 0, 0], sizes = [1, 1000, 1], strides = [1, 1, 1]} : vector<2x1000x16xf32> to vector<1x1000x1xf32>
    %squeeze3A_4 = vector.shape_cast %slice3A_3 : vector<1x1000x1xf32> to vector<1000x1xf32>
    %add3A = arith.addf %squeeze3A, %squeeze3A_4 : vector<1000x1xf32>
    %add3A_5 = arith.constant 1.000000e+00 : f32
    %add3A_6 = vector.broadcast %add3A_5 : f32 to vector<1000x1xf32>
    %add3A_7 = arith.addf %add3A, %add3A_6 : vector<1000x1xf32>
    %rsqrt3A = math.rsqrt %add3A_7 : vector<1000x1xf32>
    %get3A_8 = arith.constant 0 : index
    %get3A_9 = arith.constant 0 : index
    %get3A_10 = arith.constant 0 : index
    %get3A_11 = vector.load %arg1[%get3A_8, %get3A_9, %get3A_10] : memref<2x1000x128xf32, #tpu.memory_space<vmem>>, vector<1x1000x128xf32>
    %get3A_12 = vector.shape_cast %get3A_11 : vector<1x1000x128xf32> to vector<1000x128xf32>
    %get3A_13 = arith.constant 1 : index
    %get3A_14 = arith.constant 0 : index
    %get3A_15 = arith.constant 0 : index
    %get3A_16 = vector.load %arg1[%get3A_13, %get3A_14, %get3A_15] : memref<2x1000x128xf32, #tpu.memory_space<vmem>>, vector<1x1000x128xf32>
    %get3A_17 = vector.shape_cast %get3A_16 : vector<1x1000x128xf32> to vector<1000x128xf32>
    %add3A_18 = arith.addf %get3A_12, %get3A_17 : vector<1000x128xf32>
    %mul3A = vector.broadcast %rsqrt3A : vector<1000x1xf32> to vector<1000x128xf32>
    %mul3A_19 = arith.mulf %mul3A, %add3A_18 : vector<1000x128xf32>
    %mul3A_20 = arith.mulf %rsqrt3A, %rsqrt3A : vector<1000x1xf32>
    %get3A_21 = arith.constant 0 : index
    %get3A_22 = arith.constant 0 : index
    %get3A_23 = vector.load %arg2[%get3A_21, %get3A_22] : memref<1000x128xf32, #tpu.memory_space<vmem>>, vector<1000x128xf32>
    %mul3A_24 = vector.broadcast %mul3A_20 : vector<1000x1xf32> to vector<1000x128xf32>
    %mul3A_25 = arith.mulf %mul3A_24, %get3A_23 : vector<1000x128xf32>
    %add3A_26 = arith.addf %mul3A_19, %mul3A_25 : vector<1000x128xf32>
    %get3A_27 = arith.constant 0 : index
    %get3A_28 = arith.constant 0 : index
    %get3A_29 = vector.load %arg5[%get3A_27, %get3A_28] : memref<1x128xf32, #tpu.memory_space<vmem>>, vector<1x128xf32>
    %add3A_30 = vector.broadcast %get3A_29 : vector<1x128xf32> to vector<1000x128xf32>
    %add3A_31 = arith.addf %add3A_26, %add3A_30 : vector<1000x128xf32>
    %max3A = arith.constant 0.000000e+00 : f32
    %max3A_32 = vector.broadcast %max3A : f32 to vector<1000x128xf32>
    %max3A_33 = arith.maximumf %add3A_31, %max3A_32 : vector<1000x128xf32>
    %get3A_34 = arith.constant 0 : index
    %get3A_35 = arith.constant 0 : index
    %get3A_36 = vector.load %arg4[%get3A_34, %get3A_35] : memref<128x128xf32, #tpu.memory_space<vmem>>, vector<128x128xf32>
    %dot_general3A = arith.constant dense<0.000000e+00> : vector<1000x128xf32>
    %dot_general3A_37 = tpu.matmul %max3A_33, %get3A_36, %dot_general3A {dimension_numbers = #tpu.dot_dimension_numbers<[1], [0], [0], [1], [0, 0, 1, 1], [], []>, transpose_lhs_hint = false} : vector<1000x128xf32>, vector<128x128xf32>, vector<1000x128xf32> -> vector<1000x128xf32>
    %swap3A = arith.constant 0 : index
    %swap3A_38 = arith.constant 0 : index
    %swap3A_39 = vector.load %arg7[%swap3A, %swap3A_38] : memref<1000x128xf32, #tpu.memory_space<vmem>>, vector<1000x128xf32>
    tpu.vector_store %arg7[%swap3A, %swap3A_38], %dot_general3A_37 {strides = array<i32>} : memref<1000x128xf32, #tpu.memory_space<vmem>>, vector<1000x128xf32>,
    %mul3A_40 = vector.broadcast %rsqrt3A : vector<1000x1xf32> to vector<1000x128xf32>
    %mul3A_41 = arith.mulf %dot_general3A_37, %mul3A_40 : vector<1000x128xf32>
    %swap3A_42 = arith.constant 0 : index
    %swap3A_43 = arith.constant 0 : index
    %swap3A_44 = vector.load %arg6[%swap3A_42, %swap3A_43] : memref<1000x128xf32, #tpu.memory_space<vmem>>, vector<1000x128xf32>
    tpu.vector_store %arg6[%swap3A_42, %swap3A_43], %mul3A_41 {strides = array<i32>} : memref<1000x128xf32, #tpu.memory_space<vmem>>, vector<1000x128xf32>,
    return
  }
  func.func @transform_0(%arg0: i32) -> (i32, i32, i32) {
    %c0_i32 = arith.constant 0 : i32
    %c0_i32_0 = arith.constant 0 : i32
    %c0_i32_1 = arith.constant 0 : i32
    return %c0_i32, %arg0, %c0_i32_0 : i32, i32, i32
  }
  func.func @transform_1(%arg0: i32) -> (i32, i32) {
    %c0_i32 = arith.constant 0 : i32
    %c0_i32_0 = arith.constant 0 : i32
    return %arg0, %c0_i32 : i32, i32
  }
  func.func @transform_2(%arg0: i32) -> (i32, i32, i32) {
    %c0_i32 = arith.constant 0 : i32
    %c0_i32_0 = arith.constant 0 : i32
    %c0_i32_1 = arith.constant 0 : i32
    return %c0_i32, %arg0, %c0_i32_0 : i32, i32, i32
  }
  func.func @transform_3(%arg0: i32) -> (i32, i32) {
    %c0_i32 = arith.constant 0 : i32
    %c0_i32_0 = arith.constant 0 : i32
    %c0_i32_1 = arith.constant 0 : i32
    return %c0_i32, %c0_i32_0 : i32, i32
  }
  func.func @transform_4(%arg0: i32) -> (i32, i32) {
    %c0_i32 = arith.constant 0 : i32
    %c0_i32_0 = arith.constant 0 : i32
    %c0_i32_1 = arith.constant 0 : i32
    return %c0_i32, %c0_i32_0 : i32, i32
  }
  func.func @transform_5(%arg0: i32) -> (i32, i32) {
    %c0_i32 = arith.constant 0 : i32
    %c0_i32_0 = arith.constant 0 : i32
    return %arg0, %c0_i32 : i32, i32
  }
  func.func @transform_6(%arg0: i32) -> (i32, i32) {
    %c0_i32 = arith.constant 0 : i32
    %c0_i32_0 = arith.constant 0 : i32
    return %arg0, %c0_i32 : i32, i32
  }
}

module attributes {stable_mosaic.version = 14 : i64} {
  func.func @_stage3_body(%arg0: i32, %arg1: memref<2x1000x128xf32, #tpu.memory_space<vmem>>, %arg2: memref<1000x128xf32, #tpu.memory_space<vmem>>, %arg3: memref<2x1000x16xf32, #tpu.memory_space<vmem>>, %arg4: memref<1x128xf32, #tpu.memory_space<vmem>>, %arg5: memref<128x128xf32, #tpu.memory_space<vmem>>, %arg6: memref<1x128xf32, #tpu.memory_space<vmem>>, %arg7: memref<1000x128xf32, #tpu.memory_space<vmem>>) attributes {dimension_semantics = [#tpu.dimension_semantics<arbitrary>], iteration_bounds = array<i64: 10>, scalar_prefetch = 0 : i64, scratch_operands = 0 : i64, tpu.core_type = #tpu.core_type<tc>, window_params = [{transform_indices = @transform_0, window_bounds = array<i64: 2, 1000, 128>}, {transform_indices = @transform_1, window_bounds = array<i64: 1000, 128>}, {transform_indices = @transform_2, window_bounds = array<i64: 2, 1000, 16>}, {pipeline_mode = #tpu.pipeline_mode<synchronous>, transform_indices = @transform_3, window_bounds = array<i64: 1, 128>}, {pipeline_mode = #tpu.pipeline_mode<synchronous>, transform_indices = @transform_4, window_bounds = array<i64: 128, 128>}, {pipeline_mode = #tpu.pipeline_mode<synchronous>, transform_indices = @transform_5, window_bounds = array<i64: 1, 128>}, {transform_indices = @transform_6, window_bounds = array<i64: 1000, 128>}]} {
    %get3A = arith.constant 0 : index
    %get3A_0 = arith.constant 0 : index
    %get3A_1 = arith.constant 0 : index
    %get3A_2 = vector.load %arg3[%get3A, %get3A_0, %get3A_1] : memref<2x1000x16xf32, #tpu.memory_space<vmem>>, vector<2x1000x16xf32>
    %slice3A = vector.extract_strided_slice %get3A_2 {offsets = [0, 0, 0], sizes = [1, 1000, 1], strides = [1, 1, 1]} : vector<2x1000x16xf32> to vector<1x1000x1xf32>
    %squeeze3A = vector.shape_cast %slice3A : vector<1x1000x1xf32> to vector<1000x1xf32>
    %slice3A_3 = vector.extract_strided_slice %get3A_2 {offsets = [1, 0, 0], sizes = [1, 1000, 1], strides = [1, 1, 1]} : vector<2x1000x16xf32> to vector<1x1000x1xf32>
    %squeeze3A_4 = vector.shape_cast %slice3A_3 : vector<1x1000x1xf32> to vector<1000x1xf32>
    %add3A = arith.addf %squeeze3A, %squeeze3A_4 : vector<1000x1xf32>
    %add3A_5 = arith.constant 1.000000e+00 : f32
    %add3A_6 = vector.broadcast %add3A_5 : f32 to vector<1000x1xf32>
    %add3A_7 = arith.addf %add3A, %add3A_6 : vector<1000x1xf32>
    %rsqrt3A = math.rsqrt %add3A_7 : vector<1000x1xf32>
    %get3A_8 = arith.constant 0 : index
    %get3A_9 = arith.constant 0 : index
    %get3A_10 = arith.constant 0 : index
    %get3A_11 = vector.load %arg1[%get3A_8, %get3A_9, %get3A_10] : memref<2x1000x128xf32, #tpu.memory_space<vmem>>, vector<1x1000x128xf32>
    %get3A_12 = vector.shape_cast %get3A_11 : vector<1x1000x128xf32> to vector<1000x128xf32>
    %get3A_13 = arith.constant 1 : index
    %get3A_14 = arith.constant 0 : index
    %get3A_15 = arith.constant 0 : index
    %get3A_16 = vector.load %arg1[%get3A_13, %get3A_14, %get3A_15] : memref<2x1000x128xf32, #tpu.memory_space<vmem>>, vector<1x1000x128xf32>
    %get3A_17 = vector.shape_cast %get3A_16 : vector<1x1000x128xf32> to vector<1000x128xf32>
    %add3A_18 = arith.addf %get3A_12, %get3A_17 : vector<1000x128xf32>
    %mul3A = vector.broadcast %rsqrt3A : vector<1000x1xf32> to vector<1000x128xf32>
    %mul3A_19 = arith.mulf %mul3A, %add3A_18 : vector<1000x128xf32>
    %mul3A_20 = arith.mulf %rsqrt3A, %rsqrt3A : vector<1000x1xf32>
    %get3A_21 = arith.constant 0 : index
    %get3A_22 = arith.constant 0 : index
    %get3A_23 = vector.load %arg2[%get3A_21, %get3A_22] : memref<1000x128xf32, #tpu.memory_space<vmem>>, vector<1000x128xf32>
    %mul3A_24 = vector.broadcast %mul3A_20 : vector<1000x1xf32> to vector<1000x128xf32>
    %mul3A_25 = arith.mulf %mul3A_24, %get3A_23 : vector<1000x128xf32>
    %add3A_26 = arith.addf %mul3A_19, %mul3A_25 : vector<1000x128xf32>
    %get3A_27 = arith.constant 0 : index
    %get3A_28 = arith.constant 0 : index
    %get3A_29 = vector.load %arg4[%get3A_27, %get3A_28] : memref<1x128xf32, #tpu.memory_space<vmem>>, vector<1x128xf32>
    %add3A_30 = vector.broadcast %get3A_29 : vector<1x128xf32> to vector<1000x128xf32>
    %add3A_31 = arith.addf %add3A_26, %add3A_30 : vector<1000x128xf32>
    %max3A = arith.constant 0.000000e+00 : f32
    %max3A_32 = vector.broadcast %max3A : f32 to vector<1000x128xf32>
    %max3A_33 = arith.maximumf %add3A_31, %max3A_32 : vector<1000x128xf32>
    %get3A_34 = arith.constant 0 : index
    %get3A_35 = arith.constant 0 : index
    %get3A_36 = vector.load %arg5[%get3A_34, %get3A_35] : memref<128x128xf32, #tpu.memory_space<vmem>>, vector<128x128xf32>
    %dot_general3A = arith.constant dense<0.000000e+00> : vector<1000x128xf32>
    %dot_general3A_37 = tpu.matmul %max3A_33, %get3A_36, %dot_general3A {dimension_numbers = #tpu.dot_dimension_numbers<[1], [0], [0], [1], [0, 0, 1, 1], [], []>, transpose_lhs_hint = false} : vector<1000x128xf32>, vector<128x128xf32>, vector<1000x128xf32> -> vector<1000x128xf32>
    %get3A_38 = arith.constant 0 : index
    %get3A_39 = arith.constant 0 : index
    %get3A_40 = vector.load %arg6[%get3A_38, %get3A_39] : memref<1x128xf32, #tpu.memory_space<vmem>>, vector<1x128xf32>
    %add3A_41 = vector.broadcast %get3A_40 : vector<1x128xf32> to vector<1000x128xf32>
    %add3A_42 = arith.addf %dot_general3A_37, %add3A_41 : vector<1000x128xf32>
    %swap3A = arith.constant 0 : index
    %swap3A_43 = arith.constant 0 : index
    %swap3A_44 = vector.load %arg7[%swap3A, %swap3A_43] : memref<1000x128xf32, #tpu.memory_space<vmem>>, vector<1000x128xf32>
    tpu.vector_store %arg7[%swap3A, %swap3A_43], %add3A_42 {strides = array<i32>} : memref<1000x128xf32, #tpu.memory_space<vmem>>, vector<1000x128xf32>,
    return
  }
  func.func @transform_0(%arg0: i32) -> (i32, i32, i32) {
    %c0_i32 = arith.constant 0 : i32
    %c0_i32_0 = arith.constant 0 : i32
    %c0_i32_1 = arith.constant 0 : i32
    return %c0_i32, %arg0, %c0_i32_0 : i32, i32, i32
  }
  func.func @transform_1(%arg0: i32) -> (i32, i32) {
    %c0_i32 = arith.constant 0 : i32
    %c0_i32_0 = arith.constant 0 : i32
    return %arg0, %c0_i32 : i32, i32
  }
  func.func @transform_2(%arg0: i32) -> (i32, i32, i32) {
    %c0_i32 = arith.constant 0 : i32
    %c0_i32_0 = arith.constant 0 : i32
    %c0_i32_1 = arith.constant 0 : i32
    return %c0_i32, %arg0, %c0_i32_0 : i32, i32, i32
  }
  func.func @transform_3(%arg0: i32) -> (i32, i32) {
    %c0_i32 = arith.constant 0 : i32
    %c0_i32_0 = arith.constant 0 : i32
    %c0_i32_1 = arith.constant 0 : i32
    return %c0_i32, %c0_i32_0 : i32, i32
  }
  func.func @transform_4(%arg0: i32) -> (i32, i32) {
    %c0_i32 = arith.constant 0 : i32
    %c0_i32_0 = arith.constant 0 : i32
    %c0_i32_1 = arith.constant 0 : i32
    return %c0_i32, %c0_i32_0 : i32, i32
  }
  func.func @transform_5(%arg0: i32) -> (i32, i32) {
    %c0_i32 = arith.constant 0 : i32
    %c0_i32_0 = arith.constant 0 : i32
    %c0_i32_1 = arith.constant 0 : i32
    return %c0_i32, %c0_i32_0 : i32, i32
  }
  func.func @transform_6(%arg0: i32) -> (i32, i32) {
    %c0_i32 = arith.constant 0 : i32
    %c0_i32_0 = arith.constant 0 : i32
    return %arg0, %c0_i32 : i32, i32
  }
}

</mosaic_0001>

<sc_bundles>
// kernel: kernel.11.cloned.1.call-start
scs
__scs_entry_jumppad:
0x0: {  	(pc) =	sbr.rel $0x88, $3  }
0x1: {  	(tag) =	ssettag $0x0;
	lr =	simm.s32 $0x1  }
0x2: {  	[smem:$0x3F99] =	sst lr;
	_ =	strace $0xD0000000  }
0x3: {  	_ = 	snop  }
0x4: {  	_ = 	snop  }
0x5: {  	_ = 	snop  }
0x6: {  	_ = 	snop  }
0x7: {  	_ = 	snop  }
__scs_overlays_trampoline_lowered:
0x8: {  	[smem:$0x3FA8] =	sst s0  }
0x9: {  	[smem:$0x3FA9] =	sst s1  }
0xa: {  	[smem:$0x3FAA] =	sst s2  }
0xb: {  	[smem:$0x3FAB] =	sst s3  }
0xc: {  	[smem:$0x3FAC] =	sst s4  }
0xd: {  	[smem:$0x3FAD] =	sst s5  }
0xe: {  	[smem:$0x3FAE] =	sst s6  }
0xf: {  	[smem:$0x3FAF] =	sst s7  }
0x10: {  	[smem:$0x3FB0] =	sst s8  }
0x11: {  	[smem:$0x3FB1] =	sst s9;
	s0 =	simm.s32 @!p0 $0x0  }
0x12: {  	s1 =	sld [smem:$0x3F97];
	s0 =	simm.s32 @p0 $0x1  }
0x13: {  	[smem:$0x3FB2] =	sst s0;
	s0 =	simm.s32 @!p1 $0x0  }
0x14: {  	s2 =	sld [smem:$0x3F96];
	s0 =	simm.s32 @p1 $0x1  }
0x15: {  	[smem:$0x3FB3] =	sst s0;
	s0 =	simm.s32 @!p2 $0x0  }
0x16: {  	s3 =	sld [smem:$0x3FDB];
	s0 =	simm.s32 @p2 $0x1  }
0x17: {  	s4 =	simm.s32 $0x1BF5;
	[smem:$0x3FB5] =	sst s0  }
0x18: {  	s0 =	sld [smem:$0x3F98];
	_ =	swait.ge [sflag:s4], $0x0  }
0x19: {  	s7 =	sld [smem:$0x3F99]  }
0x1a: {  	s8 =	sadd.s32 $0xFFFFE003, lr  }
0x1b: {  	s9 =	sadd.s32 $0xFFFFFEF7, lr;
	s5 =	simm.s32 $0xFFFFFFFF;
	p2 =	slt.u32 s8, $0xFFFFF086  }
0x1c: {  	p1 =	slt.u32 s9, $0xF7A;
	s5 =	simm.s32 @!p2 $0x0  }
0x1d: {  	s5 =	simm.s32 @p1 $0x1;
	p0 =	seq.s32 s7, s2  }
0x1e: {  	s7 =	smul.u32 @!p0 $0xF7A, s2;
	p2 =	seq.s32 @!p0 s5, $0x0  }
0x1f: {  	s9 =	smul.u32 $0xF7A, s1;
	s8 =	simm.s32 @!p0 $0x1BF5;
	p2 =	por !p2, p0  }
0x20: {  	[sflag:s8] =	ssyncset.s32 @!p0 $0xFFFFF086;
	s6 =	sadd.s32 @!p0 s3, s7;
	s7 =	simm.s32 @!p0 $0x108  }
0x21: {  	s3 =	sadd.s32 s3, s9;
	s6 =	sadd.s32 @!p0 $0x88, s6;
	s7 =	simm.s32 @p2 $0x1082  }
0x22: {  	[simem:s7], [sflag:s8] =	dma.local @!p0 [hbm:s6], $0xF7A  }
0x23: {  	s9 =	sor.u32 $0xD0000000, s2;
	s6 =	simm.s32 $0x108;
	_ =	swait.ge @!p0 [sflag:s8], $0x0  }
0x24: {  	s3 =	sadd.s32 $0x88, s3;
	s6 =	simm.s32 @!p1 $0x1082;
	[sflag:s4] =	ssyncset.s32 $0xFFFFF086  }
0x25: {  	[simem:s6], [sflag:s4] =	dma.local [hbm:s3], $0xF7A  }
0x26: {  	[smem:$0x3F99] =	sst s1;
	(tag) =	ssettag s2;
	_ =	strace s9  }
0x27: {  	s1 =	sld [smem:$0x3FA9]  }
0x28: {  	s2 =	sld [smem:$0x3FAA]  }
0x29: {  	s4 =	sld [smem:$0x3FAC]  }
0x2a: {  	p0 =	seq.s32 s5, $0x0;
	s5 =	sld [smem:$0x3FAD]  }
0x2b: {  	s6 =	sld [smem:$0x3FAE]  }
0x2c: {  	s7 =	sld [smem:$0x3FAF]  }
0x2d: {  	s3 =	simm.s32 $0x108;
	s8 =	sld [smem:$0x3FB0]  }
0x2e: {  	s3 =	simm.s32 @!p0 $0x1082;
	s9 =	sld [smem:$0x3FB1]  }
0x2f: {  	lr =	sadd.s32 s0, s3;
	s0 =	sld [smem:$0x3FA8]  }
0x30: {  	s3 =	sld [smem:$0x3FAB]  }
0x31: {  	[smem:$0x3FB4] =	sst s10  }
0x32: {  	s10 =	sld [smem:$0x3FB2];
	_ =	sdelay $0x3  }
0x33: {  	p0 =	seq.s32 s10, $0x1;
	s10 =	sld [smem:$0x3FB4];
	_ =	sdelay $0x3  }
0x34: {  	[smem:$0x3FB4] =	sst s10  }
0x35: {  	s10 =	sld [smem:$0x3FB3];
	_ =	sdelay $0x3  }
0x36: {  	p1 =	seq.s32 s10, $0x1;
	s10 =	sld [smem:$0x3FB4];
	_ =	sdelay $0x3  }
0x37: {  	[smem:$0x3FB4] =	sst s10  }
0x38: {  	s10 =	sld [smem:$0x3FB5]  }
0x39: {  	_ = 	snop;
	(pc) =	sbr.ind lr, $3  }
0x3a: {  	_ = 	snop  }
0x3b: {  	_ = 	snop  }
0x3c: {  	p2 =	seq.s32 s10, $0x1;
	s10 =	sld [smem:$0x3FB4]  }
0x3d: {  	_ =	shalt  }
0x3e: {  	_ =	shalt  }
0x3f: {  	_ =	shalt  }
0x40: {  	_ =	shalt  }
0x41: {  	_ =	shalt  }
0x42: {  	_ =	shalt  }
0x43: {  	_ =	shalt  }
0x44: {  	_ =	shalt  }
0x45: {  	_ =	shalt  }
0x46: {  	_ =	shalt  }
0x47: {  	_ =	shalt  }
0x48: {  	_ =	shalt  }
0x49: {  	_ =	shalt  }
0x4a: {  	_ =	shalt  }
0x4b: {  	_ =	shalt  }
0x4c: {  	_ =	shalt  }
0x4d: {  	_ =	shalt  }
0x4e: {  	_ =	shalt  }
0x4f: {  	_ =	shalt  }
0x50: {  	_ =	shalt  }
0x51: {  	_ =	shalt  }
0x52: {  	_ =	shalt  }
0x53: {  	_ =	shalt  }
0x54: {  	_ =	shalt  }
0x55: {  	_ =	shalt  }
0x56: {  	_ =	shalt  }
0x57: {  	_ =	shalt  }
0x58: {  	_ =	shalt  }
0x59: {  	_ =	shalt  }
0x5a: {  	_ =	shalt  }
0x5b: {  	_ =	shalt  }
0x5c: {  	_ =	shalt  }
0x5d: {  	_ =	shalt  }
0x5e: {  	_ =	shalt  }
0x5f: {  	_ =	shalt  }
0x60: {  	_ =	shalt  }
0x61: {  	_ =	shalt  }
0x62: {  	_ =	shalt  }
0x63: {  	_ =	shalt  }
0x64: {  	_ =	shalt  }
0x65: {  	_ =	shalt  }
0x66: {  	_ =	shalt  }
0x67: {  	_ =	shalt  }
0x68: {  	_ =	shalt  }
0x69: {  	_ =	shalt  }
0x6a: {  	_ =	shalt  }
0x6b: {  	_ =	shalt  }
0x6c: {  	_ =	shalt  }
0x6d: {  	_ =	shalt  }
0x6e: {  	_ =	shalt  }
0x6f: {  	_ =	shalt  }
0x70: {  	_ =	shalt  }
0x71: {  	_ =	shalt  }
0x72: {  	_ =	shalt  }
0x73: {  	_ =	shalt  }
0x74: {  	_ =	shalt  }
0x75: {  	_ =	shalt  }
0x76: {  	_ =	shalt  }
0x77: {  	_ =	shalt  }
0x78: {  	_ =	shalt  }
0x79: {  	_ =	shalt  }
0x7a: {  	_ =	shalt  }
0x7b: {  	_ =	shalt  }
0x7c: {  	_ =	shalt  }
0x7d: {  	_ =	shalt  }
0x7e: {  	_ =	shalt  }
0x7f: {  	_ =	shalt  }
0x80: {  	_ =	shalt  }
0x81: {  	_ =	shalt  }
0x82: {  	_ =	shalt  }
0x83: {  	_ =	shalt  }
0x84: {  	_ =	shalt  }
0x85: {  	_ =	shalt  }
0x86: {  	_ =	shalt  }
0x87: {  	_ =	shalt  }
.Lfunc_end0:
.L_simem_size_0:
called_computation.1_lowered:
.L_overlay_start_0:
0x88: {  	s2 =	sld [smem:$0x3FD9]  }
0x89: {  	s3 =	sld [smem:$0x3FFE];
	_ =	sdelay $0x1  }
0x8a: {  	s1 =	srdreg.scid  }
0x8b: {  	s0 =	sand.u32 $0x1, s1  }
0x8c: {  	s17 =	sshll.u32 s0, $0xA;
	s2 =	sadd.s32 s3, s2  }
0x8d: {  	s2 =	sadd.s32 s2, s17  }
0x8e: {  	[smem:$0x3FC0] =	sst s2  }
0x8f: {  	_ = 	snop  }
0x90: {  	s2 =	sld [smem:$0x3FD0];
	(tm) =	ssettm $0x1  }
0x91: {  	s18 =	sld [smem:$0x3FFB];
	_ =	sdelay $0x3  }
0x92: {  	_ =	strace s18  }
0x93: {  	s3 =	sld [smem:$0x3FFC];
	_ =	sdelay $0x3  }
0x94: {  	_ =	strace s3  }
0x95: {  	s3 =	sld [smem:$0x3FFD];
	_ =	sdelay $0x3  }
0x96: {  	_ =	strace s3  }
0x97: {  	_ =	strace $0x8FFFFFFF  }
0x98: {  	s19 =	sld [smem:$0x3FDB];
	_ =	sdelay $0x1  }
0x99: {  	s4 =	simm.s32 $_scs_section_size  }
0x9a: {  	s5 =	simm.s32 $_size__tile_overlayer_lowered;
	s6 =	simm.s32 $_tile_overlayer_lowered  }
0x9b: {  	s22 =	simm.s32 $0x1BFF;
	s21 =	sshll.u32 s6, $0x1;
	s3 =	sadd.s32 s4, s19  }
0x9c: {  	s7 =	simm.s32 $0x0;
	s20 =	sshll.u32 s5, $0x1;
	s5 =	sadd.s32 s21, s3  }
0x9d: {  	[timem:s7], [sflag:s22] =	dma.local [hbm:s5], s20  }
0x9e: {  	_ =	swait.ge [sflag:s22], s20  }
0x9f: {  	s4 =	ssub.s32 $0x0, s20;
	[sflag:s22] =	ssyncset.done $0x0  }
0xa0: {  	[sflag:s22] =	ssyncadd.s32 s4;
	_ =	sdelay $0x1  }
0xa1: {  	s23 =	simm.s32 $0x1B8B  }
0xa2: {  	_ =	swait.ge [sflag:s23], $0x1  }
0xa3: {  	[sflag:s23] =	ssyncset.done $0x0  }
0xa4: {  	s25 =	simm.s32 $0x1B8E;
	s24 =	sld [smem:$0x3FFE];
	[sflag:s23] =	ssyncadd.s32 $0xFFFFFFFF  }
0xa5: {  	s26 =	simm.s32 $execute0_lowered;
	[smem:$0x3FD2] =	sst s25  }
0xa6: {  	s5 =	sshll.u32 s26, $0x1;
	_ =	strace $0x80000049;
	[dreg:$0x1] =	wrdreg $0xFFFFFFFF  }
0xa7: {  	s28 =	simm.s32 $_size_execute0_lowered;
	s3 =	sadd.s32 s3, s5;
	[dreg:$0x0] =	wrdreg $0x0  }
0xa8: {  	s5 =	sshll.u32 s28, $0x1;
	[dreg:$0x2] =	wrdreg s3  }
0xa9: {  	[dreg:$0x3] =	wrdreg s5  }
0xaa: {  	[dreg:$0x4] =	wrdreg $0xC0  }
0xab: {  	_ =	task [dreg:s7], $0x5FFFF  }
0xac: {  	[dreg:$0x1] =	wrdreg $0xFFFFFFFF  }
0xad: {  	[dreg:$0x0] =	wrdreg $0x60  }
0xae: {  	[dreg:$0x2] =	wrdreg s2  }
0xaf: {  	[dreg:$0x3] =	wrdreg s24  }
0xb0: {  	[dreg:$0x4] =	wrdreg $0xAA000  }
0xb1: {  	[dreg:$0x5] =	wrdreg $0x9  }
0xb2: {  	_ =	task.clear_ibuf [dreg:s7], $0x6FFFF;
	_ =	strace $0x90000049  }
0xb3: {  	s29 =	simm.s32 $0x9;
	_ =	strace $0x8000004B  }
0xb4: {  	_ =	swait.ge [sflag:s29], $0x1  }
0xb5: {  	[sflag:s29] =	ssyncadd.s32 $0xFFFFFFFF  }
0xb6: {  	_ =	strace $0x9000004B  }
0xb7: {  	_ =	sfence  }
0xb8: {  	s30 =	sld [smem:$0x0];
	_ =	sdelay $0x2  }
0xb9: {  	s31 =	sshll.u32 s1, $0xD;
	s1 =	sshrl.u32 s1, $0x2  }
0xba: {  	s3 =	sand.u32 $0x4000, s31;
	s1 =	sadd.s32 s1, s30  }
0xbb: {  	s0 =	sor.u32 s3, s0;
	s1 =	sshll.u32 s1, $0x11  }
0xbc: {  	s0 =	sor.u32 s1, s0  }
0xbd: {  	s0 =	sadd.s32 $0x8F2B, s0  }
0xbe: {  	[sflag:s0] =	ssyncadd.remote.s32 $0x1  }
0xbf: {  	_ =	sfence.sel $0xFFFF  }
0xc0: {  	[dreg:$0x0] =	wrdreg $0xFFFFFFFF;
	(pc) =	sbr.abs _section_cstart, $3  }
0xc1: {  	[dreg:$0x1] =	wrdreg $0xFFFFFFFF  }
0xc2: {  	_ =	task.clear_ibuf [dreg:s7], $0x2FFFF;
	_ =	strace $0x9FFFFFFF  }
0xc3: {  	(tm) =	ssettm $0x7FFFFFFF  }
tec
execute0_lowered:
.L_overlay_start_1:
0x0: {  	(tag) =	ssettag $0x1  }
0x1: {  	s1 =	rddreg [dreg:$0x0]  }
0x2: {  	s0 =	srdreg.scid;
	s2 =	rddreg [dreg:$0x1]  }
0x3: {  	s9 =	stileid.u32;
	s3 =	rddreg [dreg:$0x2]  }
0x4: {  	s28 =	simm.s32 $0x6A00;
	s29 =	simm.s32 $0x1;
	s30 =	simm.s32 $0x2900  }
0x5: {  	s31 =	simm.s32 $0x2;
	s0 =	sand.u32 $0x1, s0;
	s6 =	smul.u32 $0x50000, s9  }
0x6: {  	s7 =	sadd.s32 $0x2400, s2;
	s12 =	smul.u32 $0x14000, s9;
	s4 =	sshll.u32 s0, $0x4  }
0x7: {  	s11 =	ssub.s32 $0x2, s0;
	s0 =	smul.u32 $0x140000, s0;
	s5 =	sor.u32 s9, s4  }
0x8: {  	s4 =	simm.s32 $0x0;
	s8 =	sshrl.u32 s11, $0x1;
	s6 =	sshrl.u32 s6, $0x2  }
0x9: {  	s19 =	sadd.s32 $0x4000, s12;
	s23 =	sadd.s32 $0x8000, s12;
	s24 =	sadd.s32 $0xC000, s12  }
0xa: {  	s5 =	smul.u32 $0x500, s5;
	[smem:$0x7FF] =	sst s4;
	s6 =	sadd.s32 s6, s3  }
0xb: {  	s18 =	sadd.s32 s0, s12;
	s21 =	sadd.s32 s0, s19;
	s14 =	sadd.s32 s19, s3  }
0xc: {  	s25 =	sadd.s32 s0, s24;
	_ =	strace $0x8000004A;
	[dreg:$0x4] =	wrdreg s7  }
0xd: {  	s7 =	ssub.s32 s11, s8;
	s16 =	sadd.s32 $0x4000, s6;
	s17 =	sadd.s32 $0x8000, s6  }
0xe: {  	s20 =	sadd.s32 $0xC000, s6;
	s10 =	sadd.s32 $0x10000, s6;
	s22 =	sshrl.u32 s21, $0x3  }
0xf: {  	s8 =	sadd.s32 $0x10000, s12;
	s26 =	sshrl.u32 s25, $0x3;
	[dreg:$0x7] =	wrdreg s16  }
0x10: {  	s25 =	simm.s32 $0x4;
	s5 =	sadd.s32 s5, s2;
	[dreg:$0x8] =	wrdreg s17  }
0x11: {  	s2 =	sadd.s32 $0x5D400, s2;
	s15 =	smax.u32 s7, $0x1;
	[dreg:$0x9] =	wrdreg s20  }
0x12: {  	[dreg:$0xa] =	wrdreg s10;
	s16 =	sadd.s32 s23, s3;
	s20 =	sadd.s32 s8, s3  }
0x13: {  	s5 =	sadd.s32 $0x53400, s5;
	[dreg:$0x6] =	wrdreg s15;
	s15 =	sadd.s32 s2, s22  }
0x14: {  	s19 =	sadd.s32 s2, s26;
	s22 =	simm.s32 $0x2A00;
	s26 =	simm.s32 $0x2880  }
0x15: {  	[dreg:$0x5] =	wrdreg s5;
	s5 =	sshrl.u32 s18, $0x3;
	s18 =	sadd.s32 s24, s3  }
0x16: {  	s13 =	sadd.s32 s2, s5;
	s5 =	sadd.s32 s0, s23;
	s0 =	sadd.s32 s0, s8  }
0x17: {  	s24 =	simm.s32 $0x80;
	s5 =	sshrl.u32 s5, $0x3;
	s0 =	sshrl.u32 s0, $0x3  }
0x18: {  	s23 =	simm.s32 $0x5;
	s17 =	sadd.s32 s2, s5;
	s21 =	sadd.s32 s2, s0  }
0x19: {  	s2 =	simm.s32 $0x2980;
	s0 =	simm.s32 $0x3;
	s5 =	simm.s32 $0x0  }
.LBB2_1:
0x1a: {  	s7 =	rddreg [dreg:$0x4]  }
0x1b: {  	[tilespmem:s22], [sflag:$0x5] =	stream.linear.gather [hbm4b:s7+s4], $0x4000, $0x38;
	[tilespmem:$0x1EA00] =	vst v63  }
0x1c: {  	_ =	swait.ge [sflag:s23], $0x4000  }
0x1d: {  	[sflag:s23] =	ssyncset.done $0x0  }
0x1e: {  	[sflag:s23] =	ssyncadd.s32 $0xFFFFC000  }
0x1f: {  	[spmem:s6] =	stream.linear.scatter [tilespmem:s22], [sflag:$0x5], $0x4000, $0x38;
	[tilespmem:$0x1EA00] =	vst v63  }
0x20: {  	_ =	swait.ge [sflag:s23], $0x4000  }
0x21: {  	[sflag:s23] =	ssyncset.done $0x0  }
0x22: {  	s11 =	rddreg [dreg:$0x7];
	[sflag:s23] =	ssyncadd.s32 $0xFFFFC000  }
0x23: {  	[spmem:s11] =	stream.linear.scatter [tilespmem:s22], [sflag:$0x5], $0x4000, $0x38;
	[tilespmem:$0x1EA00] =	vst v63  }
0x24: {  	_ =	swait.ge [sflag:s23], $0x4000  }
0x25: {  	[sflag:s23] =	ssyncset.done $0x0  }
0x26: {  	s12 =	rddreg [dreg:$0x8];
	[sflag:s23] =	ssyncadd.s32 $0xFFFFC000  }
0x27: {  	[spmem:s12] =	stream.linear.scatter [tilespmem:s22], [sflag:$0x5], $0x4000, $0x38;
	[tilespmem:$0x1EA00] =	vst v63  }
0x28: {  	_ =	swait.ge [sflag:s23], $0x4000  }
0x29: {  	[sflag:s23] =	ssyncset.done $0x0  }
0x2a: {  	s8 =	rddreg [dreg:$0x9];
	[sflag:s23] =	ssyncadd.s32 $0xFFFFC000  }
0x2b: {  	[spmem:s8] =	stream.linear.scatter [tilespmem:s22], [sflag:$0x5], $0x4000, $0x38;
	[tilespmem:$0x1EA00] =	vst v63  }
0x2c: {  	_ =	swait.ge [sflag:s23], $0x4000  }
0x2d: {  	[sflag:s23] =	ssyncset.done $0x0  }
0x2e: {  	s9 =	rddreg [dreg:$0xa];
	[sflag:s23] =	ssyncadd.s32 $0xFFFFC000  }
0x2f: {  	[spmem:s9] =	stream.linear.scatter [tilespmem:s22], [sflag:$0x5], $0x4000, $0x38;
	[tilespmem:$0x1EA00] =	vst v63  }
0x30: {  	_ =	swait.ge [sflag:s23], $0x4000  }
0x31: {  	[sflag:s23] =	ssyncset.done $0x0  }
0x32: {  	s10 =	rddreg [dreg:$0x5];
	[sflag:s23] =	ssyncadd.s32 $0xFFFFC000  }
0x33: {  	[tilespmem:s4], [sflag:$0x5] =	stream.linear.gather [hbm4b:s10+s4], $0x2800, $0x38;
	[tilespmem:$0x1EA00] =	vst v63  }
0x34: {  	_ =	swait.ge [sflag:s23], $0x2800  }
0x35: {  	[sflag:s23] =	ssyncset.done $0x0  }
0x36: {  	[sflag:s23] =	ssyncadd.s32 $0xFFFFD800  }
0x37: {  	[bflag:$0x0] =	sbarrier.arrive $0xFFFF  }
0x38: {  	v0 =	vld [tilespmem:$0x0];
	_ =	sdelay $0x1  }
0x39: {  	v1 =	vld [tilespmem:$0x10];
	_ =	sdelay $0x1  }
0x3a: {  	v2 =	vld [tilespmem:$0x20]  }
0x3b: {  	v3 =	vshrl.u32 v0, $0x10  }
0x3c: {  	v0 =	vand.u32 $0xFFFF, v0;
	[tilespmem:$0x2800] =	vst v3;
	v3 =	vld [tilespmem:$0x30]  }
0x3d: {  	[tilespmem:$0x2900] =	vst v0;
	v0 =	vshrl.u32 v1, $0x10  }
0x3e: {  	[tilespmem:$0x2810] =	vst v0;
	v0 =	vand.u32 $0xFFFF, v1;
	v1 =	vld [tilespmem:$0x40]  }
0x3f: {  	[tilespmem:$0x2910] =	vst v0;
	v0 =	vshrl.u32 v2, $0x10  }
0x40: {  	[tilespmem:$0x2820] =	vst v0;
	v0 =	vand.u32 $0xFFFF, v2;
	v2 =	vld [tilespmem:$0x50]  }
0x41: {  	[tilespmem:$0x2920] =	vst v0;
	v0 =	vshrl.u32 v3, $0x10  }
0x42: {  	[tilespmem:$0x2830] =	vst v0;
	v0 =	vand.u32 $0xFFFF, v3;
	v3 =	vld [tilespmem:$0x60]  }
0x43: {  	[tilespmem:$0x2930] =	vst v0;
	v0 =	vshrl.u32 v1, $0x10  }
0x44: {  	[tilespmem:$0x2840] =	vst v0;
	v0 =	vand.u32 $0xFFFF, v1;
	v1 =	vld [tilespmem:$0x70]  }
0x45: {  	[tilespmem:$0x2940] =	vst v0;
	v0 =	vshrl.u32 v2, $0x10  }
0x46: {  	[tilespmem:$0x2850] =	vst v0;
	v0 =	vand.u32 $0xFFFF, v2  }
0x47: {  	[tilespmem:$0x2950] =	vst v0;
	v0 =	vshrl.u32 v3, $0x10  }
0x48: {  	[tilespmem:$0x2860] =	vst v0;
	v0 =	vand.u32 $0xFFFF, v3  }
0x49: {  	[tilespmem:$0x2960] =	vst v0;
	v0 =	vshrl.u32 v1, $0x10  }
0x4a: {  	p0 =	por $0x1, $0x1;
	[tilespmem:$0x2870] =	vst v0;
	v0 =	vand.u32 $0xFFFF, v1  }
0x4b: {  	s7 =	simm.s32 @!p0 $0x4;
	s11 =	simm.s32 $0x2800;
	[tilespmem:$0x2970] =	vst v0  }
0x4c: {  	[tilespmem:s22], [sflag:$0x1] =	stream.indirect.gather [hbm4b:s1+s24], $0x80, s11, s24, $0xb8;
	[tilespmem:$0x1EA00] =	vst v63  }
0x4d: {  	_ =	swait.ge @!p0 [sflag:s7], $0x4000  }
0x4e: {  	[sflag:s7] =	ssyncset.done @!p0 $0x0  }
0x4f: {  	s12 =	simm.s32 $0x0;
	[sflag:s7] =	ssyncadd.s32 @!p0 $0xFFFFC000  }
0x50: {  	v0 =	vld [tilespmem:s12+$0x80];
	_ =	sdelay $0x4  }
0x51: {  	v1 =	vshrl.u32 v0, $0x10  }
0x52: {  	v0 =	vand.u32 $0xFFFF, v0;
	[tilespmem:$0x2880] =	vst v1  }
0x53: {  	[tilespmem:$0x2980] =	vst v0  }
0x54: {  	v0 =	vld [tilespmem:s12+$0x90];
	_ =	sdelay $0x4  }
0x55: {  	v1 =	vshrl.u32 v0, $0x10  }
0x56: {  	v0 =	vand.u32 $0xFFFF, v0;
	[tilespmem:$0x2890] =	vst v1  }
0x57: {  	[tilespmem:$0x2990] =	vst v0  }
0x58: {  	v0 =	vld [tilespmem:s12+$0xA0];
	_ =	sdelay $0x4  }
0x59: {  	v1 =	vshrl.u32 v0, $0x10  }
0x5a: {  	v0 =	vand.u32 $0xFFFF, v0;
	[tilespmem:$0x28A0] =	vst v1  }
0x5b: {  	[tilespmem:$0x29A0] =	vst v0  }
0x5c: {  	v0 =	vld [tilespmem:s12+$0xB0];
	_ =	sdelay $0x4  }
0x5d: {  	v1 =	vshrl.u32 v0, $0x10  }
0x5e: {  	v0 =	vand.u32 $0xFFFF, v0;
	[tilespmem:$0x28B0] =	vst v1  }
0x5f: {  	[tilespmem:$0x29B0] =	vst v0  }
0x60: {  	v0 =	vld [tilespmem:s12+$0xC0];
	_ =	sdelay $0x4  }
0x61: {  	v1 =	vshrl.u32 v0, $0x10  }
0x62: {  	v0 =	vand.u32 $0xFFFF, v0;
	[tilespmem:$0x28C0] =	vst v1  }
0x63: {  	[tilespmem:$0x29C0] =	vst v0  }
0x64: {  	v0 =	vld [tilespmem:s12+$0xD0];
	_ =	sdelay $0x4  }
0x65: {  	v1 =	vshrl.u32 v0, $0x10  }
0x66: {  	v0 =	vand.u32 $0xFFFF, v0;
	[tilespmem:$0x28D0] =	vst v1  }
0x67: {  	[tilespmem:$0x29D0] =	vst v0  }
0x68: {  	v0 =	vld [tilespmem:s12+$0xE0];
	_ =	sdelay $0x4  }
0x69: {  	v1 =	vshrl.u32 v0, $0x10  }
0x6a: {  	v0 =	vand.u32 $0xFFFF, v0;
	[tilespmem:$0x28E0] =	vst v1  }
0x6b: {  	[tilespmem:$0x29E0] =	vst v0  }
0x6c: {  	v0 =	vld [tilespmem:s12+$0xF0];
	_ =	sdelay $0x4  }
0x6d: {  	v1 =	vshrl.u32 v0, $0x10  }
0x6e: {  	v0 =	vand.u32 $0xFFFF, v0;
	[tilespmem:$0x28F0] =	vst v1  }
0x6f: {  	[tilespmem:$0x29F0] =	vst v0  }
0x70: {  	[tilespmem:s28], [sflag:$0x2] =	stream.indirect.gather [hbm4b:s1+s24], $0x80, s26, s24, $0xb8;
	[tilespmem:$0x1EA00] =	vst v63  }
0x71: {  	_ =	swait.ge [sflag:s29], $0x4000  }
0x72: {  	p1 =	por $0x0, $0x0;
	[sflag:s29] =	ssyncset.done $0x0  }
0x73: {  	s7 =	simm.s32 @!p1 $0x3;
	[sflag:s29] =	ssyncadd.s32 $0xFFFFC000  }
0x74: {  	[spmem:s3] =	stream.indirect.scatter.add.f32 [tilespmem:s22], [sflag:$0x3], $0x80, s30, s24, $0xb8;
	[tilespmem:$0x1EA00] =	vst v63  }
0x75: {  	_ =	swait.ge @!p1 [sflag:s7], $0x4000  }
0x76: {  	[sflag:s7] =	ssyncset.done @!p1 $0x0  }
0x77: {  	s9 =	simm.s32 @!p1 $0x0;
	[sflag:s7] =	ssyncadd.s32 @!p1 $0xFFFFC000  }
0x78: {  	v0 =	vld @!p1 [tilespmem:s9+$0x100];
	_ =	sdelay $0x4  }
0x79: {  	v1 =	vshrl.u32 @!p1 v0, $0x10  }
0x7a: {  	v0 =	vand.u32 @!p1 $0xFFFF, v0;
	[tilespmem:$0x2800] =	vst @!p1 v1  }
0x7b: {  	[tilespmem:$0x2900] =	vst @!p1 v0  }
0x7c: {  	v0 =	vld @!p1 [tilespmem:s9+$0x110];
	_ =	sdelay $0x4  }
0x7d: {  	v1 =	vshrl.u32 @!p1 v0, $0x10  }
0x7e: {  	v0 =	vand.u32 @!p1 $0xFFFF, v0;
	[tilespmem:$0x2810] =	vst @!p1 v1  }
0x7f: {  	[tilespmem:$0x2910] =	vst @!p1 v0  }
0x80: {  	v0 =	vld @!p1 [tilespmem:s9+$0x120];
	_ =	sdelay $0x4  }
0x81: {  	v1 =	vshrl.u32 @!p1 v0, $0x10  }
0x82: {  	v0 =	vand.u32 @!p1 $0xFFFF, v0;
	[tilespmem:$0x2820] =	vst @!p1 v1  }
0x83: {  	[tilespmem:$0x2920] =	vst @!p1 v0  }
0x84: {  	v0 =	vld @!p1 [tilespmem:s9+$0x130];
	_ =	sdelay $0x4  }
0x85: {  	v1 =	vshrl.u32 @!p1 v0, $0x10  }
0x86: {  	v0 =	vand.u32 @!p1 $0xFFFF, v0;
	[tilespmem:$0x2830] =	vst @!p1 v1  }
0x87: {  	[tilespmem:$0x2930] =	vst @!p1 v0  }
0x88: {  	v0 =	vld @!p1 [tilespmem:s9+$0x140];
	_ =	sdelay $0x4  }
0x89: {  	v1 =	vshrl.u32 @!p1 v0, $0x10  }
0x8a: {  	v0 =	vand.u32 @!p1 $0xFFFF, v0;
	[tilespmem:$0x2840] =	vst @!p1 v1  }
0x8b: {  	[tilespmem:$0x2940] =	vst @!p1 v0  }
0x8c: {  	s7 =	simm.s32 $0x400;
	v0 =	vld @!p1 [tilespmem:s9+$0x150]  }
.LBB2_2:
0x8d: {  	_ =	sdelay $0x2  }
0x8e: {  	s8 =	smov.u32 s7;
	s7 =	sadd.s32 $0x400, s7  }
0x8f: {  	p0 =	sne.s32 s7, $0xA000;
	v1 =	vshrl.u32 @!p1 v0, $0x10;
	v0 =	vand.u32 @!p1 $0xFFFF, v0  }
0x90: {  	[tilespmem:$0x2850] =	vst @!p1 v1  }
0x91: {  	[tilespmem:$0x2950] =	vst @!p1 v0  }
0x92: {  	v0 =	vld @!p1 [tilespmem:s9+$0x160];
	_ =	sdelay $0x4  }
0x93: {  	v1 =	vshrl.u32 @!p1 v0, $0x10;
	v0 =	vand.u32 @!p1 $0xFFFF, v0  }
0x94: {  	[tilespmem:$0x2860] =	vst @!p1 v1  }
0x95: {  	[tilespmem:$0x2960] =	vst @!p1 v0  }
0x96: {  	v0 =	vld @!p1 [tilespmem:s9+$0x170];
	_ =	sdelay $0x2  }
0x97: {  	p2 =	seq.s32 s8, $0x0;
	s9 =	simm.s32 @!p1 $0x2A00  }
0x98: {  	s11 =	simm.s32 @!p1 $0x80;
	s12 =	simm.s32 @!p1 $0x2800;
	s10 =	simm.s32 @!p2 $0x4  }
0x99: {  	v1 =	vshrl.u32 @!p1 v0, $0x10;
	v0 =	vand.u32 @!p1 $0xFFFF, v0  }
0x9a: {  	[tilespmem:$0x2870] =	vst @!p1 v1  }
0x9b: {  	[tilespmem:$0x2970] =	vst @!p1 v0  }
0x9c: {  	[tilespmem:s9], [sflag:$0x1] =	stream.indirect.gather @!p1 [hbm4b:s1+s11], $0x80, s12, s11, $0xb8;
	[tilespmem:$0x1EA00] =	vst v63  }
0x9d: {  	_ =	swait.ge [sflag:s31], $0x4000  }
0x9e: {  	[sflag:s31] =	ssyncset.done $0x0  }
0x9f: {  	[sflag:s31] =	ssyncadd.s32 $0xFFFFC000  }
0xa0: {  	[spmem:s3] =	stream.indirect.scatter.add.f32 [tilespmem:s28], [sflag:$0x4], $0x80, s2, s24, $0xb8;
	[tilespmem:$0x1EA00] =	vst v63  }
0xa1: {  	_ =	swait.ge @!p2 [sflag:s10], $0x4000  }
0xa2: {  	[sflag:s10] =	ssyncset.done @!p2 $0x0  }
0xa3: {  	s9 =	sshra.s32 s8, $0x2;
	[sflag:s10] =	ssyncadd.s32 @!p2 $0xFFFFC000  }
0xa4: {  	v0 =	vld [tilespmem:s9+$0x80];
	_ =	sdelay $0x4  }
0xa5: {  	v1 =	vshrl.u32 v0, $0x10;
	v0 =	vand.u32 $0xFFFF, v0  }
0xa6: {  	[tilespmem:$0x2880] =	vst v1  }
0xa7: {  	[tilespmem:$0x2980] =	vst v0  }
0xa8: {  	v0 =	vld [tilespmem:s9+$0x90];
	_ =	sdelay $0x4  }
0xa9: {  	v1 =	vshrl.u32 v0, $0x10;
	v0 =	vand.u32 $0xFFFF, v0  }
0xaa: {  	[tilespmem:$0x2890] =	vst v1  }
0xab: {  	[tilespmem:$0x2990] =	vst v0  }
0xac: {  	v0 =	vld [tilespmem:s9+$0xA0];
	_ =	sdelay $0x4  }
0xad: {  	v1 =	vshrl.u32 v0, $0x10;
	v0 =	vand.u32 $0xFFFF, v0  }
0xae: {  	[tilespmem:$0x28A0] =	vst v1  }
0xaf: {  	[tilespmem:$0x29A0] =	vst v0  }
0xb0: {  	v0 =	vld [tilespmem:s9+$0xB0];
	_ =	sdelay $0x4  }
0xb1: {  	v1 =	vshrl.u32 v0, $0x10;
	v0 =	vand.u32 $0xFFFF, v0  }
0xb2: {  	[tilespmem:$0x28B0] =	vst v1  }
0xb3: {  	[tilespmem:$0x29B0] =	vst v0  }
0xb4: {  	v0 =	vld [tilespmem:s9+$0xC0];
	_ =	sdelay $0x4  }
0xb5: {  	v1 =	vshrl.u32 v0, $0x10;
	v0 =	vand.u32 $0xFFFF, v0  }
0xb6: {  	[tilespmem:$0x28C0] =	vst v1  }
0xb7: {  	[tilespmem:$0x29C0] =	vst v0  }
0xb8: {  	v0 =	vld [tilespmem:s9+$0xD0];
	_ =	sdelay $0x4  }
0xb9: {  	v1 =	vshrl.u32 v0, $0x10;
	v0 =	vand.u32 $0xFFFF, v0  }
0xba: {  	[tilespmem:$0x28D0] =	vst v1  }
0xbb: {  	[tilespmem:$0x29D0] =	vst v0  }
0xbc: {  	v0 =	vld [tilespmem:s9+$0xE0];
	_ =	sdelay $0x4  }
0xbd: {  	v1 =	vshrl.u32 v0, $0x10;
	v0 =	vand.u32 $0xFFFF, v0  }
0xbe: {  	[tilespmem:$0x28E0] =	vst v1  }
0xbf: {  	[tilespmem:$0x29E0] =	vst v0  }
0xc0: {  	v0 =	vld [tilespmem:s9+$0xF0];
	_ =	sdelay $0x3  }
0xc1: {  	p1 =	seq.s32 s8, $0x9C00  }
0xc2: {  	v1 =	vshrl.u32 v0, $0x10;
	v0 =	vand.u32 $0xFFFF, v0  }
0xc3: {  	s10 =	simm.s32 @!p1 $0x3;
	[tilespmem:$0x28F0] =	vst v1  }
0xc4: {  	[tilespmem:$0x29F0] =	vst v0  }
0xc5: {  	[tilespmem:s28], [sflag:$0x2] =	stream.indirect.gather [hbm4b:s1+s24], $0x80, s26, s24, $0xb8;
	[tilespmem:$0x1EA00] =	vst v63  }
0xc6: {  	s9 =	sshra.s32 @!p1 s8, $0x2;
	_ =	swait.ge [sflag:s29], $0x4000  }
0xc7: {  	[sflag:s29] =	ssyncset.done $0x0  }
0xc8: {  	[sflag:s29] =	ssyncadd.s32 $0xFFFFC000  }
0xc9: {  	[spmem:s3] =	stream.indirect.scatter.add.f32 [tilespmem:s22], [sflag:$0x3], $0x80, s30, s24, $0xb8;
	[tilespmem:$0x1EA00] =	vst v63  }
0xca: {  	_ =	swait.ge @!p1 [sflag:s10], $0x4000  }
0xcb: {  	[sflag:s10] =	ssyncset.done @!p1 $0x0  }
0xcc: {  	[sflag:s10] =	ssyncadd.s32 @!p1 $0xFFFFC000  }
0xcd: {  	v0 =	vld @!p1 [tilespmem:s9+$0x100];
	_ =	sdelay $0x4  }
0xce: {  	v1 =	vshrl.u32 @!p1 v0, $0x10;
	v0 =	vand.u32 @!p1 $0xFFFF, v0  }
0xcf: {  	[tilespmem:$0x2800] =	vst @!p1 v1  }
0xd0: {  	[tilespmem:$0x2900] =	vst @!p1 v0  }
0xd1: {  	v0 =	vld @!p1 [tilespmem:s9+$0x110];
	_ =	sdelay $0x4  }
0xd2: {  	v1 =	vshrl.u32 @!p1 v0, $0x10;
	v0 =	vand.u32 @!p1 $0xFFFF, v0  }
0xd3: {  	[tilespmem:$0x2810] =	vst @!p1 v1  }
0xd4: {  	[tilespmem:$0x2910] =	vst @!p1 v0  }
0xd5: {  	v0 =	vld @!p1 [tilespmem:s9+$0x120];
	_ =	sdelay $0x4  }
0xd6: {  	v1 =	vshrl.u32 @!p1 v0, $0x10;
	v0 =	vand.u32 @!p1 $0xFFFF, v0  }
0xd7: {  	[tilespmem:$0x2820] =	vst @!p1 v1  }
0xd8: {  	[tilespmem:$0x2920] =	vst @!p1 v0  }
0xd9: {  	v0 =	vld @!p1 [tilespmem:s9+$0x130];
	_ =	sdelay $0x4  }
0xda: {  	v1 =	vshrl.u32 @!p1 v0, $0x10;
	v0 =	vand.u32 @!p1 $0xFFFF, v0  }
0xdb: {  	[tilespmem:$0x2830] =	vst @!p1 v1  }
0xdc: {  	[tilespmem:$0x2930] =	vst @!p1 v0  }
0xdd: {  	v0 =	vld @!p1 [tilespmem:s9+$0x140];
	_ =	sdelay $0x3  }
.Ltmp0:
0xde: {  	(pc) =	sbr.rel @p0 .LBB2_2-.Ltmp0, $4  }
0xdf: {  	v1 =	vshrl.u32 @!p1 v0, $0x10;
	v0 =	vand.u32 @!p1 $0xFFFF, v0  }
0xe0: {  	[tilespmem:$0x2840] =	vst @!p1 v1  }
0xe1: {  	[tilespmem:$0x2940] =	vst @!p1 v0  }
0xe2: {  	v0 =	vld @!p1 [tilespmem:s9+$0x150]  }
0xe3: {  	_ =	sdelay $0x3  }
0xe4: {  	v1 =	vshrl.u32 @!p1 v0, $0x10  }
0xe5: {  	v0 =	vand.u32 @!p1 $0xFFFF, v0;
	[tilespmem:$0x2850] =	vst @!p1 v1  }
0xe6: {  	[tilespmem:$0x2950] =	vst @!p1 v0  }
0xe7: {  	v0 =	vld @!p1 [tilespmem:s9+$0x160];
	_ =	sdelay $0x4  }
0xe8: {  	v1 =	vshrl.u32 @!p1 v0, $0x10  }
0xe9: {  	v0 =	vand.u32 @!p1 $0xFFFF, v0;
	[tilespmem:$0x2860] =	vst @!p1 v1  }
0xea: {  	[tilespmem:$0x2960] =	vst @!p1 v0  }
0xeb: {  	v0 =	vld @!p1 [tilespmem:s9+$0x170];
	_ =	sdelay $0x4  }
0xec: {  	v1 =	vshrl.u32 @!p1 v0, $0x10  }
0xed: {  	v0 =	vand.u32 @!p1 $0xFFFF, v0;
	[tilespmem:$0x2870] =	vst @!p1 v1  }
0xee: {  	s7 =	simm.s32 @!p1 $0x2A00;
	s8 =	simm.s32 @!p1 $0x80;
	s9 =	simm.s32 @!p1 $0x2800;
	[tilespmem:$0x2970] =	vst @!p1 v0  }
0xef: {  	[tilespmem:s7], [sflag:$0x1] =	stream.indirect.gather @!p1 [hbm4b:s1+s8], $0x80, s9, s8, $0xb8;
	[tilespmem:$0x1EA00] =	vst v63  }
0xf0: {  	_ =	swait.ge [sflag:s31], $0x4000  }
0xf1: {  	[sflag:s31] =	ssyncset.done $0x0  }
0xf2: {  	[sflag:s31] =	ssyncadd.s32 $0xFFFFC000  }
0xf3: {  	[spmem:s3] =	stream.indirect.scatter.add.f32 [tilespmem:s28], [sflag:$0x4], $0x80, s2, s24, $0xb8;
	[tilespmem:$0x1EA00] =	vst v63  }
0xf4: {  	_ =	swait.ge [sflag:s0], $0x4000  }
0xf5: {  	[sflag:s0] =	ssyncset.done $0x0  }
0xf6: {  	[sflag:s0] =	ssyncadd.s32 $0xFFFFC000  }
0xf7: {  	_ =	swait.ge [sflag:s25], $0x4000  }
0xf8: {  	[sflag:s25] =	ssyncset.done $0x0  }
0xf9: {  	[sflag:s25] =	ssyncadd.s32 $0xFFFFC000  }
0xfa: {  	[bflag:$0x0] =	sbarrier.arrive $0xFFFF  }
0xfb: {  	[tilespmem:s22], [sflag:$0x5] =	stream.linear.gather [spmem:s6], $0x4000, $0x38;
	[tilespmem:$0x1EA00] =	vst v63  }
0xfc: {  	_ =	swait.ge [sflag:s23], $0x4000  }
0xfd: {  	[sflag:s23] =	ssyncset.done $0x0  }
0xfe: {  	[sflag:s23] =	ssyncadd.s32 $0xFFFFC000  }
0xff: {  	[hbm4b:s13+s4] =	stream.linear.scatter [tilespmem:s22], [sflag:$0x5], $0x4000, $0x38;
	[tilespmem:$0x1EA00] =	vst v63  }
0x100: {  	_ =	swait.ge [sflag:s23], $0x4000  }
0x101: {  	[sflag:s23] =	ssyncset.done $0x0  }
0x102: {  	[sflag:s23] =	ssyncadd.s32 $0xFFFFC000  }
0x103: {  	[tilespmem:s22], [sflag:$0x5] =	stream.linear.gather [spmem:s14], $0x4000, $0x38;
	[tilespmem:$0x1EA00] =	vst v63  }
0x104: {  	_ =	swait.ge [sflag:s23], $0x4000  }
0x105: {  	[sflag:s23] =	ssyncset.done $0x0  }
0x106: {  	[sflag:s23] =	ssyncadd.s32 $0xFFFFC000  }
0x107: {  	[hbm4b:s15+s4] =	stream.linear.scatter [tilespmem:s22], [sflag:$0x5], $0x4000, $0x38;
	[tilespmem:$0x1EA00] =	vst v63  }
0x108: {  	_ =	swait.ge [sflag:s23], $0x4000  }
0x109: {  	[sflag:s23] =	ssyncset.done $0x0  }
0x10a: {  	[sflag:s23] =	ssyncadd.s32 $0xFFFFC000  }
0x10b: {  	[tilespmem:s22], [sflag:$0x5] =	stream.linear.gather [spmem:s16], $0x4000, $0x38;
	[tilespmem:$0x1EA00] =	vst v63  }
0x10c: {  	_ =	swait.ge [sflag:s23], $0x4000  }
0x10d: {  	[sflag:s23] =	ssyncset.done $0x0  }
0x10e: {  	[sflag:s23] =	ssyncadd.s32 $0xFFFFC000  }
0x10f: {  	[hbm4b:s17+s4] =	stream.linear.scatter [tilespmem:s22], [sflag:$0x5], $0x4000, $0x38;
	[tilespmem:$0x1EA00] =	vst v63  }
0x110: {  	_ =	swait.ge [sflag:s23], $0x4000  }
0x111: {  	[sflag:s23] =	ssyncset.done $0x0  }
0x112: {  	[sflag:s23] =	ssyncadd.s32 $0xFFFFC000  }
0x113: {  	[tilespmem:s22], [sflag:$0x5] =	stream.linear.gather [spmem:s18], $0x4000, $0x38;
	[tilespmem:$0x1EA00] =	vst v63  }
0x114: {  	_ =	swait.ge [sflag:s23], $0x4000  }
0x115: {  	[sflag:s23] =	ssyncset.done $0x0  }
0x116: {  	[sflag:s23] =	ssyncadd.s32 $0xFFFFC000  }
0x117: {  	[hbm4b:s19+s4] =	stream.linear.scatter [tilespmem:s22], [sflag:$0x5], $0x4000, $0x38;
	[tilespmem:$0x1EA00] =	vst v63  }
0x118: {  	_ =	swait.ge [sflag:s23], $0x4000  }
0x119: {  	[sflag:s23] =	ssyncset.done $0x0  }
0x11a: {  	[sflag:s23] =	ssyncadd.s32 $0xFFFFC000  }
0x11b: {  	[tilespmem:s22], [sflag:$0x5] =	stream.linear.gather [spmem:s20], $0x4000, $0x38;
	[tilespmem:$0x1EA00] =	vst v63  }
0x11c: {  	_ =	swait.ge [sflag:s23], $0x4000  }
0x11d: {  	[sflag:s23] =	ssyncset.done $0x0  }
0x11e: {  	[sflag:s23] =	ssyncadd.s32 $0xFFFFC000  }
0x11f: {  	[hbm4b:s21+s4] =	stream.linear.scatter [tilespmem:s22], [sflag:$0x5], $0x4000, $0x38;
	[tilespmem:$0x1EA00] =	vst v63  }
0x120: {  	_ =	swait.ge [sflag:s23], $0x4000  }
0x121: {  	s5 =	sadd.s32 $0x1, s5;
	s12 =	rddreg [dreg:$0x6]  }
0x122: {  	p0 =	sne.s32 s5, s12  }
.Ltmp1:
0x123: {  	_ = 	snop;
	(pc) =	sbr.rel @p0 .LBB2_1-.Ltmp1, $3  }
0x124: {  	_ =	sdelay $0x1  }
0x125: {  	[sflag:s23] =	ssyncset.done $0x0  }
0x126: {  	[sflag:s23] =	ssyncadd.s32 $0xFFFFC000  }
0x127: {  	_ =	sfence.sel $0x180000  }
0x128: {  	[bflag:$0x0] =	sbarrier.arrive $0xFFFF  }
0x129: {  	_ =	strace $0x9000004A  }
0x12a: {  	s0 =	stileid.u32;
	[bflag:$0x2] =	sbarrier.arrive $0xFFFF  }
0x12b: {  	p0 =	sne.s32 s0, $0x0;
	s0 =	rddreg [dreg:$0x3]  }
0x12c: {  	s0 =	sadd.s32 @!p0 $0x100000, s0  }
0x12d: {  	[sflag:s0] =	ssyncadd.tile.s32 @!p0 $0x1;
	_ =	shalt  }
.Lfunc_end2:
_tile_overlayer_lowered:
.L_overlay_start_2:
0x12e: {  	(tag) =	ssettag $0x2  }
0x12f: {  	s0 =	rddreg [dreg:$0x0];
	s2 =	stileid.u32  }
0x130: {  	s1 =	rddreg [dreg:$0x1];
	p0 =	sne.s32 s2, $0x0  }
0x131: {  	s3 =	rddreg [dreg:$0x2];
	[bflag:$0x3] =	sbarrier.arrive $0xFFFF;
	s2 =	simm.s32 @!p0 $0x1C05  }
0x132: {  	[timem:s3], [sflag:s2] =	dma.local @!p0 [hbm:s0], s1  }
0x133: {  	s0 =	simm.s32 @!p0 $0x5  }
0x134: {  	_ =	swait.ge @!p0 [sflag:s0], s1  }
0x135: {  	s1 =	ssub.s32 @!p0 $0x0, s1;
	[sflag:s0] =	ssyncset.done @!p0 $0x0  }
0x136: {  	[sflag:s0] =	ssyncadd.s32 @!p0 s1  }
0x137: {  	[bflag:$0x3] =	sbarrier.arrive $0xFFFF  }
0x138: {  	_ =	shalt  }

// kernel: kernel.14.cloned.1.call-start
scs
__scs_entry_jumppad:
0x0: {  	(pc) =	sbr.rel $0x88, $3  }
0x1: {  	(tag) =	ssettag $0x0;
	lr =	simm.s32 $0x1  }
0x2: {  	[smem:$0x3F99] =	sst lr;
	_ =	strace $0xD0000000  }
0x3: {  	_ = 	snop  }
0x4: {  	_ = 	snop  }
0x5: {  	_ = 	snop  }
0x6: {  	_ = 	snop  }
0x7: {  	_ = 	snop  }
__scs_overlays_trampoline_lowered:
0x8: {  	[smem:$0x3FA8] =	sst s0  }
0x9: {  	[smem:$0x3FA9] =	sst s1  }
0xa: {  	[smem:$0x3FAA] =	sst s2  }
0xb: {  	[smem:$0x3FAB] =	sst s3  }
0xc: {  	[smem:$0x3FAC] =	sst s4  }
0xd: {  	[smem:$0x3FAD] =	sst s5  }
0xe: {  	[smem:$0x3FAE] =	sst s6  }
0xf: {  	[smem:$0x3FAF] =	sst s7  }
0x10: {  	[smem:$0x3FB0] =	sst s8  }
0x11: {  	[smem:$0x3FB1] =	sst s9;
	s0 =	simm.s32 @!p0 $0x0  }
0x12: {  	s1 =	sld [smem:$0x3F97];
	s0 =	simm.s32 @p0 $0x1  }
0x13: {  	[smem:$0x3FB2] =	sst s0;
	s0 =	simm.s32 @!p1 $0x0  }
0x14: {  	s2 =	sld [smem:$0x3F96];
	s0 =	simm.s32 @p1 $0x1  }
0x15: {  	[smem:$0x3FB3] =	sst s0;
	s0 =	simm.s32 @!p2 $0x0  }
0x16: {  	s3 =	sld [smem:$0x3FDB];
	s0 =	simm.s32 @p2 $0x1  }
0x17: {  	s4 =	simm.s32 $0x1BF5;
	[smem:$0x3FB5] =	sst s0  }
0x18: {  	s0 =	sld [smem:$0x3F98];
	_ =	swait.ge [sflag:s4], $0x0  }
0x19: {  	s7 =	sld [smem:$0x3F99]  }
0x1a: {  	s8 =	sadd.s32 $0xFFFFE003, lr  }
0x1b: {  	s9 =	sadd.s32 $0xFFFFFEF7, lr;
	s5 =	simm.s32 $0xFFFFFFFF;
	p2 =	slt.u32 s8, $0xFFFFF086  }
0x1c: {  	p1 =	slt.u32 s9, $0xF7A;
	s5 =	simm.s32 @!p2 $0x0  }
0x1d: {  	s5 =	simm.s32 @p1 $0x1;
	p0 =	seq.s32 s7, s2  }
0x1e: {  	s7 =	smul.u32 @!p0 $0xF7A, s2;
	p2 =	seq.s32 @!p0 s5, $0x0  }
0x1f: {  	s9 =	smul.u32 $0xF7A, s1;
	s8 =	simm.s32 @!p0 $0x1BF5;
	p2 =	por !p2, p0  }
0x20: {  	[sflag:s8] =	ssyncset.s32 @!p0 $0xFFFFF086;
	s6 =	sadd.s32 @!p0 s3, s7;
	s7 =	simm.s32 @!p0 $0x108  }
0x21: {  	s3 =	sadd.s32 s3, s9;
	s6 =	sadd.s32 @!p0 $0x88, s6;
	s7 =	simm.s32 @p2 $0x1082  }
0x22: {  	[simem:s7], [sflag:s8] =	dma.local @!p0 [hbm:s6], $0xF7A  }
0x23: {  	s9 =	sor.u32 $0xD0000000, s2;
	s6 =	simm.s32 $0x108;
	_ =	swait.ge @!p0 [sflag:s8], $0x0  }
0x24: {  	s3 =	sadd.s32 $0x88, s3;
	s6 =	simm.s32 @!p1 $0x1082;
	[sflag:s4] =	ssyncset.s32 $0xFFFFF086  }
0x25: {  	[simem:s6], [sflag:s4] =	dma.local [hbm:s3], $0xF7A  }
0x26: {  	[smem:$0x3F99] =	sst s1;
	(tag) =	ssettag s2;
	_ =	strace s9  }
0x27: {  	s1 =	sld [smem:$0x3FA9]  }
0x28: {  	s2 =	sld [smem:$0x3FAA]  }
0x29: {  	s4 =	sld [smem:$0x3FAC]  }
0x2a: {  	p0 =	seq.s32 s5, $0x0;
	s5 =	sld [smem:$0x3FAD]  }
0x2b: {  	s6 =	sld [smem:$0x3FAE]  }
0x2c: {  	s7 =	sld [smem:$0x3FAF]  }
0x2d: {  	s3 =	simm.s32 $0x108;
	s8 =	sld [smem:$0x3FB0]  }
0x2e: {  	s3 =	simm.s32 @!p0 $0x1082;
	s9 =	sld [smem:$0x3FB1]  }
0x2f: {  	lr =	sadd.s32 s0, s3;
	s0 =	sld [smem:$0x3FA8]  }
0x30: {  	s3 =	sld [smem:$0x3FAB]  }
0x31: {  	[smem:$0x3FB4] =	sst s10  }
0x32: {  	s10 =	sld [smem:$0x3FB2];
	_ =	sdelay $0x3  }
0x33: {  	p0 =	seq.s32 s10, $0x1;
	s10 =	sld [smem:$0x3FB4];
	_ =	sdelay $0x3  }
0x34: {  	[smem:$0x3FB4] =	sst s10  }
0x35: {  	s10 =	sld [smem:$0x3FB3];
	_ =	sdelay $0x3  }
0x36: {  	p1 =	seq.s32 s10, $0x1;
	s10 =	sld [smem:$0x3FB4];
	_ =	sdelay $0x3  }
0x37: {  	[smem:$0x3FB4] =	sst s10  }
0x38: {  	s10 =	sld [smem:$0x3FB5]  }
0x39: {  	_ = 	snop;
	(pc) =	sbr.ind lr, $3  }
0x3a: {  	_ = 	snop  }
0x3b: {  	_ = 	snop  }
0x3c: {  	p2 =	seq.s32 s10, $0x1;
	s10 =	sld [smem:$0x3FB4]  }
0x3d: {  	_ =	shalt  }
0x3e: {  	_ =	shalt  }
0x3f: {  	_ =	shalt  }
0x40: {  	_ =	shalt  }
0x41: {  	_ =	shalt  }
0x42: {  	_ =	shalt  }
0x43: {  	_ =	shalt  }
0x44: {  	_ =	shalt  }
0x45: {  	_ =	shalt  }
0x46: {  	_ =	shalt  }
0x47: {  	_ =	shalt  }
0x48: {  	_ =	shalt  }
0x49: {  	_ =	shalt  }
0x4a: {  	_ =	shalt  }
0x4b: {  	_ =	shalt  }
0x4c: {  	_ =	shalt  }
0x4d: {  	_ =	shalt  }
0x4e: {  	_ =	shalt  }
0x4f: {  	_ =	shalt  }
0x50: {  	_ =	shalt  }
0x51: {  	_ =	shalt  }
0x52: {  	_ =	shalt  }
0x53: {  	_ =	shalt  }
0x54: {  	_ =	shalt  }
0x55: {  	_ =	shalt  }
0x56: {  	_ =	shalt  }
0x57: {  	_ =	shalt  }
0x58: {  	_ =	shalt  }
0x59: {  	_ =	shalt  }
0x5a: {  	_ =	shalt  }
0x5b: {  	_ =	shalt  }
0x5c: {  	_ =	shalt  }
0x5d: {  	_ =	shalt  }
0x5e: {  	_ =	shalt  }
0x5f: {  	_ =	shalt  }
0x60: {  	_ =	shalt  }
0x61: {  	_ =	shalt  }
0x62: {  	_ =	shalt  }
0x63: {  	_ =	shalt  }
0x64: {  	_ =	shalt  }
0x65: {  	_ =	shalt  }
0x66: {  	_ =	shalt  }
0x67: {  	_ =	shalt  }
0x68: {  	_ =	shalt  }
0x69: {  	_ =	shalt  }
0x6a: {  	_ =	shalt  }
0x6b: {  	_ =	shalt  }
0x6c: {  	_ =	shalt  }
0x6d: {  	_ =	shalt  }
0x6e: {  	_ =	shalt  }
0x6f: {  	_ =	shalt  }
0x70: {  	_ =	shalt  }
0x71: {  	_ =	shalt  }
0x72: {  	_ =	shalt  }
0x73: {  	_ =	shalt  }
0x74: {  	_ =	shalt  }
0x75: {  	_ =	shalt  }
0x76: {  	_ =	shalt  }
0x77: {  	_ =	shalt  }
0x78: {  	_ =	shalt  }
0x79: {  	_ =	shalt  }
0x7a: {  	_ =	shalt  }
0x7b: {  	_ =	shalt  }
0x7c: {  	_ =	shalt  }
0x7d: {  	_ =	shalt  }
0x7e: {  	_ =	shalt  }
0x7f: {  	_ =	shalt  }
0x80: {  	_ =	shalt  }
0x81: {  	_ =	shalt  }
0x82: {  	_ =	shalt  }
0x83: {  	_ =	shalt  }
0x84: {  	_ =	shalt  }
0x85: {  	_ =	shalt  }
0x86: {  	_ =	shalt  }
0x87: {  	_ =	shalt  }
.Lfunc_end0:
.L_simem_size_0:
called_computation.2_lowered:
.L_overlay_start_0:
0x88: {  	s2 =	sld [smem:$0x3FD9]  }
0x89: {  	s3 =	sld [smem:$0x3FFE];
	_ =	sdelay $0x1  }
0x8a: {  	s1 =	srdreg.scid  }
0x8b: {  	s0 =	sand.u32 $0x1, s1  }
0x8c: {  	s17 =	sshll.u32 s0, $0xA;
	s2 =	sadd.s32 s3, s2  }
0x8d: {  	s2 =	sadd.s32 s2, s17  }
0x8e: {  	[smem:$0x3FC0] =	sst s2  }
0x8f: {  	_ = 	snop  }
0x90: {  	s2 =	sld [smem:$0x3FD0];
	(tm) =	ssettm $0x1  }
0x91: {  	s18 =	sld [smem:$0x3FFB];
	_ =	sdelay $0x3  }
0x92: {  	_ =	strace s18  }
0x93: {  	s3 =	sld [smem:$0x3FFC];
	_ =	sdelay $0x3  }
0x94: {  	_ =	strace s3  }
0x95: {  	s3 =	sld [smem:$0x3FFD];
	_ =	sdelay $0x3  }
0x96: {  	_ =	strace s3  }
0x97: {  	_ =	strace $0x8FFFFFFF  }
0x98: {  	s19 =	sld [smem:$0x3FDB];
	_ =	sdelay $0x1  }
0x99: {  	s4 =	simm.s32 $_scs_section_size  }
0x9a: {  	s5 =	simm.s32 $_size__tile_overlayer_lowered;
	s6 =	simm.s32 $_tile_overlayer_lowered  }
0x9b: {  	s22 =	simm.s32 $0x1BFF;
	s21 =	sshll.u32 s6, $0x1;
	s3 =	sadd.s32 s4, s19  }
0x9c: {  	s7 =	simm.s32 $0x0;
	s20 =	sshll.u32 s5, $0x1;
	s5 =	sadd.s32 s21, s3  }
0x9d: {  	[timem:s7], [sflag:s22] =	dma.local [hbm:s5], s20  }
0x9e: {  	_ =	swait.ge [sflag:s22], s20  }
0x9f: {  	s4 =	ssub.s32 $0x0, s20;
	[sflag:s22] =	ssyncset.done $0x0  }
0xa0: {  	[sflag:s22] =	ssyncadd.s32 s4;
	_ =	sdelay $0x1  }
0xa1: {  	s23 =	simm.s32 $0x1B8B  }
0xa2: {  	_ =	swait.ge [sflag:s23], $0x1  }
0xa3: {  	[sflag:s23] =	ssyncset.done $0x0  }
0xa4: {  	s25 =	simm.s32 $0x1B8E;
	s24 =	sld [smem:$0x3FFE];
	[sflag:s23] =	ssyncadd.s32 $0xFFFFFFFF  }
0xa5: {  	s26 =	simm.s32 $execute0_lowered;
	[smem:$0x3FD2] =	sst s25  }
0xa6: {  	s5 =	sshll.u32 s26, $0x1;
	_ =	strace $0x8000004C;
	[dreg:$0x1] =	wrdreg $0xFFFFFFFF  }
0xa7: {  	s28 =	simm.s32 $_size_execute0_lowered;
	s3 =	sadd.s32 s3, s5;
	[dreg:$0x0] =	wrdreg $0x0  }
0xa8: {  	s5 =	sshll.u32 s28, $0x1;
	[dreg:$0x2] =	wrdreg s3  }
0xa9: {  	[dreg:$0x3] =	wrdreg s5  }
0xaa: {  	[dreg:$0x4] =	wrdreg $0xC0  }
0xab: {  	_ =	task [dreg:s7], $0x5FFFF  }
0xac: {  	[dreg:$0x1] =	wrdreg $0xFFFFFFFF  }
0xad: {  	[dreg:$0x0] =	wrdreg $0x60  }
0xae: {  	[dreg:$0x2] =	wrdreg s2  }
0xaf: {  	[dreg:$0x3] =	wrdreg s24  }
0xb0: {  	[dreg:$0x4] =	wrdreg $0xAA000  }
0xb1: {  	[dreg:$0x5] =	wrdreg $0x9  }
0xb2: {  	_ =	task.clear_ibuf [dreg:s7], $0x6FFFF;
	_ =	strace $0x9000004C  }
0xb3: {  	s29 =	simm.s32 $0x9;
	_ =	strace $0x8000004E  }
0xb4: {  	_ =	swait.ge [sflag:s29], $0x1  }
0xb5: {  	[sflag:s29] =	ssyncadd.s32 $0xFFFFFFFF  }
0xb6: {  	_ =	strace $0x9000004E  }
0xb7: {  	_ =	sfence  }
0xb8: {  	s30 =	sld [smem:$0x0];
	_ =	sdelay $0x2  }
0xb9: {  	s31 =	sshll.u32 s1, $0xD;
	s1 =	sshrl.u32 s1, $0x2  }
0xba: {  	s3 =	sand.u32 $0x4000, s31;
	s1 =	sadd.s32 s1, s30  }
0xbb: {  	s0 =	sor.u32 s3, s0;
	s1 =	sshll.u32 s1, $0x11  }
0xbc: {  	s0 =	sor.u32 s1, s0  }
0xbd: {  	s0 =	sadd.s32 $0x8F2B, s0  }
0xbe: {  	[sflag:s0] =	ssyncadd.remote.s32 $0x1  }
0xbf: {  	_ =	sfence.sel $0xFFFF  }
0xc0: {  	[dreg:$0x0] =	wrdreg $0xFFFFFFFF;
	(pc) =	sbr.abs _section_cstart, $3  }
0xc1: {  	[dreg:$0x1] =	wrdreg $0xFFFFFFFF  }
0xc2: {  	_ =	task.clear_ibuf [dreg:s7], $0x2FFFF;
	_ =	strace $0x9FFFFFFF  }
0xc3: {  	(tm) =	ssettm $0x7FFFFFFF  }
tec
execute0_lowered:
.L_overlay_start_1:
0x0: {  	(tag) =	ssettag $0x1  }
0x1: {  	s1 =	rddreg [dreg:$0x0]  }
0x2: {  	s0 =	srdreg.scid;
	s2 =	rddreg [dreg:$0x1]  }
0x3: {  	s9 =	stileid.u32;
	s3 =	rddreg [dreg:$0x2]  }
0x4: {  	s28 =	simm.s32 $0x6A00;
	s29 =	simm.s32 $0x1;
	s30 =	simm.s32 $0x2900  }
0x5: {  	s31 =	simm.s32 $0x2;
	s0 =	sand.u32 $0x1, s0;
	s6 =	smul.u32 $0x50000, s9  }
0x6: {  	s7 =	sadd.s32 $0x2400, s2;
	s12 =	smul.u32 $0x14000, s9;
	s4 =	sshll.u32 s0, $0x4  }
0x7: {  	s11 =	ssub.s32 $0x2, s0;
	s0 =	smul.u32 $0x140000, s0;
	s5 =	sor.u32 s9, s4  }
0x8: {  	s4 =	simm.s32 $0x0;
	s8 =	sshrl.u32 s11, $0x1;
	s6 =	sshrl.u32 s6, $0x2  }
0x9: {  	s19 =	sadd.s32 $0x4000, s12;
	s23 =	sadd.s32 $0x8000, s12;
	s24 =	sadd.s32 $0xC000, s12  }
0xa: {  	s5 =	smul.u32 $0x500, s5;
	[smem:$0x7FF] =	sst s4;
	s6 =	sadd.s32 s6, s3  }
0xb: {  	s18 =	sadd.s32 s0, s12;
	s21 =	sadd.s32 s0, s19;
	s14 =	sadd.s32 s19, s3  }
0xc: {  	s25 =	sadd.s32 s0, s24;
	_ =	strace $0x8000004D;
	[dreg:$0x4] =	wrdreg s7  }
0xd: {  	s7 =	ssub.s32 s11, s8;
	s16 =	sadd.s32 $0x4000, s6;
	s17 =	sadd.s32 $0x8000, s6  }
0xe: {  	s20 =	sadd.s32 $0xC000, s6;
	s10 =	sadd.s32 $0x10000, s6;
	s22 =	sshrl.u32 s21, $0x3  }
0xf: {  	s8 =	sadd.s32 $0x10000, s12;
	s26 =	sshrl.u32 s25, $0x3;
	[dreg:$0x7] =	wrdreg s16  }
0x10: {  	s25 =	simm.s32 $0x4;
	s5 =	sadd.s32 s5, s2;
	[dreg:$0x8] =	wrdreg s17  }
0x11: {  	s2 =	sadd.s32 $0x5D400, s2;
	s15 =	smax.u32 s7, $0x1;
	[dreg:$0x9] =	wrdreg s20  }
0x12: {  	[dreg:$0xa] =	wrdreg s10;
	s16 =	sadd.s32 s23, s3;
	s20 =	sadd.s32 s8, s3  }
0x13: {  	s5 =	sadd.s32 $0x53400, s5;
	[dreg:$0x6] =	wrdreg s15;
	s15 =	sadd.s32 s2, s22  }
0x14: {  	s19 =	sadd.s32 s2, s26;
	s22 =	simm.s32 $0x2A00;
	s26 =	simm.s32 $0x2880  }
0x15: {  	[dreg:$0x5] =	wrdreg s5;
	s5 =	sshrl.u32 s18, $0x3;
	s18 =	sadd.s32 s24, s3  }
0x16: {  	s13 =	sadd.s32 s2, s5;
	s5 =	sadd.s32 s0, s23;
	s0 =	sadd.s32 s0, s8  }
0x17: {  	s24 =	simm.s32 $0x80;
	s5 =	sshrl.u32 s5, $0x3;
	s0 =	sshrl.u32 s0, $0x3  }
0x18: {  	s23 =	simm.s32 $0x5;
	s17 =	sadd.s32 s2, s5;
	s21 =	sadd.s32 s2, s0  }
0x19: {  	s2 =	simm.s32 $0x2980;
	s0 =	simm.s32 $0x3;
	s5 =	simm.s32 $0x0  }
.LBB2_1:
0x1a: {  	s7 =	rddreg [dreg:$0x4]  }
0x1b: {  	[tilespmem:s22], [sflag:$0x5] =	stream.linear.gather [hbm4b:s7+s4], $0x4000, $0x38;
	[tilespmem:$0x1EA00] =	vst v63  }
0x1c: {  	_ =	swait.ge [sflag:s23], $0x4000  }
0x1d: {  	[sflag:s23] =	ssyncset.done $0x0  }
0x1e: {  	[sflag:s23] =	ssyncadd.s32 $0xFFFFC000  }
0x1f: {  	[spmem:s6] =	stream.linear.scatter [tilespmem:s22], [sflag:$0x5], $0x4000, $0x38;
	[tilespmem:$0x1EA00] =	vst v63  }
0x20: {  	_ =	swait.ge [sflag:s23], $0x4000  }
0x21: {  	[sflag:s23] =	ssyncset.done $0x0  }
0x22: {  	s11 =	rddreg [dreg:$0x7];
	[sflag:s23] =	ssyncadd.s32 $0xFFFFC000  }
0x23: {  	[spmem:s11] =	stream.linear.scatter [tilespmem:s22], [sflag:$0x5], $0x4000, $0x38;
	[tilespmem:$0x1EA00] =	vst v63  }
0x24: {  	_ =	swait.ge [sflag:s23], $0x4000  }
0x25: {  	[sflag:s23] =	ssyncset.done $0x0  }
0x26: {  	s12 =	rddreg [dreg:$0x8];
	[sflag:s23] =	ssyncadd.s32 $0xFFFFC000  }
0x27: {  	[spmem:s12] =	stream.linear.scatter [tilespmem:s22], [sflag:$0x5], $0x4000, $0x38;
	[tilespmem:$0x1EA00] =	vst v63  }
0x28: {  	_ =	swait.ge [sflag:s23], $0x4000  }
0x29: {  	[sflag:s23] =	ssyncset.done $0x0  }
0x2a: {  	s8 =	rddreg [dreg:$0x9];
	[sflag:s23] =	ssyncadd.s32 $0xFFFFC000  }
0x2b: {  	[spmem:s8] =	stream.linear.scatter [tilespmem:s22], [sflag:$0x5], $0x4000, $0x38;
	[tilespmem:$0x1EA00] =	vst v63  }
0x2c: {  	_ =	swait.ge [sflag:s23], $0x4000  }
0x2d: {  	[sflag:s23] =	ssyncset.done $0x0  }
0x2e: {  	s9 =	rddreg [dreg:$0xa];
	[sflag:s23] =	ssyncadd.s32 $0xFFFFC000  }
0x2f: {  	[spmem:s9] =	stream.linear.scatter [tilespmem:s22], [sflag:$0x5], $0x4000, $0x38;
	[tilespmem:$0x1EA00] =	vst v63  }
0x30: {  	_ =	swait.ge [sflag:s23], $0x4000  }
0x31: {  	[sflag:s23] =	ssyncset.done $0x0  }
0x32: {  	s10 =	rddreg [dreg:$0x5];
	[sflag:s23] =	ssyncadd.s32 $0xFFFFC000  }
0x33: {  	[tilespmem:s4], [sflag:$0x5] =	stream.linear.gather [hbm4b:s10+s4], $0x2800, $0x38;
	[tilespmem:$0x1EA00] =	vst v63  }
0x34: {  	_ =	swait.ge [sflag:s23], $0x2800  }
0x35: {  	[sflag:s23] =	ssyncset.done $0x0  }
0x36: {  	[sflag:s23] =	ssyncadd.s32 $0xFFFFD800  }
0x37: {  	[bflag:$0x0] =	sbarrier.arrive $0xFFFF  }
0x38: {  	v0 =	vld [tilespmem:$0x0];
	_ =	sdelay $0x1  }
0x39: {  	v1 =	vld [tilespmem:$0x10];
	_ =	sdelay $0x1  }
0x3a: {  	v2 =	vld [tilespmem:$0x20]  }
0x3b: {  	v3 =	vshrl.u32 v0, $0x10  }
0x3c: {  	v0 =	vand.u32 $0xFFFF, v0;
	[tilespmem:$0x2800] =	vst v3;
	v3 =	vld [tilespmem:$0x30]  }
0x3d: {  	[tilespmem:$0x2900] =	vst v0;
	v0 =	vshrl.u32 v1, $0x10  }
0x3e: {  	[tilespmem:$0x2810] =	vst v0;
	v0 =	vand.u32 $0xFFFF, v1;
	v1 =	vld [tilespmem:$0x40]  }
0x3f: {  	[tilespmem:$0x2910] =	vst v0;
	v0 =	vshrl.u32 v2, $0x10  }
0x40: {  	[tilespmem:$0x2820] =	vst v0;
	v0 =	vand.u32 $0xFFFF, v2;
	v2 =	vld [tilespmem:$0x50]  }
0x41: {  	[tilespmem:$0x2920] =	vst v0;
	v0 =	vshrl.u32 v3, $0x10  }
0x42: {  	[tilespmem:$0x2830] =	vst v0;
	v0 =	vand.u32 $0xFFFF, v3;
	v3 =	vld [tilespmem:$0x60]  }
0x43: {  	[tilespmem:$0x2930] =	vst v0;
	v0 =	vshrl.u32 v1, $0x10  }
0x44: {  	[tilespmem:$0x2840] =	vst v0;
	v0 =	vand.u32 $0xFFFF, v1;
	v1 =	vld [tilespmem:$0x70]  }
0x45: {  	[tilespmem:$0x2940] =	vst v0;
	v0 =	vshrl.u32 v2, $0x10  }
0x46: {  	[tilespmem:$0x2850] =	vst v0;
	v0 =	vand.u32 $0xFFFF, v2  }
0x47: {  	[tilespmem:$0x2950] =	vst v0;
	v0 =	vshrl.u32 v3, $0x10  }
0x48: {  	[tilespmem:$0x2860] =	vst v0;
	v0 =	vand.u32 $0xFFFF, v3  }
0x49: {  	[tilespmem:$0x2960] =	vst v0;
	v0 =	vshrl.u32 v1, $0x10  }
0x4a: {  	p0 =	por $0x1, $0x1;
	[tilespmem:$0x2870] =	vst v0;
	v0 =	vand.u32 $0xFFFF, v1  }
0x4b: {  	s7 =	simm.s32 @!p0 $0x4;
	s11 =	simm.s32 $0x2800;
	[tilespmem:$0x2970] =	vst v0  }
0x4c: {  	[tilespmem:s22], [sflag:$0x1] =	stream.indirect.gather [hbm4b:s1+s24], $0x80, s11, s24, $0xb8;
	[tilespmem:$0x1EA00] =	vst v63  }
0x4d: {  	_ =	swait.ge @!p0 [sflag:s7], $0x4000  }
0x4e: {  	[sflag:s7] =	ssyncset.done @!p0 $0x0  }
0x4f: {  	s12 =	simm.s32 $0x0;
	[sflag:s7] =	ssyncadd.s32 @!p0 $0xFFFFC000  }
0x50: {  	v0 =	vld [tilespmem:s12+$0x80];
	_ =	sdelay $0x4  }
0x51: {  	v1 =	vshrl.u32 v0, $0x10  }
0x52: {  	v0 =	vand.u32 $0xFFFF, v0;
	[tilespmem:$0x2880] =	vst v1  }
0x53: {  	[tilespmem:$0x2980] =	vst v0  }
0x54: {  	v0 =	vld [tilespmem:s12+$0x90];
	_ =	sdelay $0x4  }
0x55: {  	v1 =	vshrl.u32 v0, $0x10  }
0x56: {  	v0 =	vand.u32 $0xFFFF, v0;
	[tilespmem:$0x2890] =	vst v1  }
0x57: {  	[tilespmem:$0x2990] =	vst v0  }
0x58: {  	v0 =	vld [tilespmem:s12+$0xA0];
	_ =	sdelay $0x4  }
0x59: {  	v1 =	vshrl.u32 v0, $0x10  }
0x5a: {  	v0 =	vand.u32 $0xFFFF, v0;
	[tilespmem:$0x28A0] =	vst v1  }
0x5b: {  	[tilespmem:$0x29A0] =	vst v0  }
0x5c: {  	v0 =	vld [tilespmem:s12+$0xB0];
	_ =	sdelay $0x4  }
0x5d: {  	v1 =	vshrl.u32 v0, $0x10  }
0x5e: {  	v0 =	vand.u32 $0xFFFF, v0;
	[tilespmem:$0x28B0] =	vst v1  }
0x5f: {  	[tilespmem:$0x29B0] =	vst v0  }
0x60: {  	v0 =	vld [tilespmem:s12+$0xC0];
	_ =	sdelay $0x4  }
0x61: {  	v1 =	vshrl.u32 v0, $0x10  }
0x62: {  	v0 =	vand.u32 $0xFFFF, v0;
	[tilespmem:$0x28C0] =	vst v1  }
0x63: {  	[tilespmem:$0x29C0] =	vst v0  }
0x64: {  	v0 =	vld [tilespmem:s12+$0xD0];
	_ =	sdelay $0x4  }
0x65: {  	v1 =	vshrl.u32 v0, $0x10  }
0x66: {  	v0 =	vand.u32 $0xFFFF, v0;
	[tilespmem:$0x28D0] =	vst v1  }
0x67: {  	[tilespmem:$0x29D0] =	vst v0  }
0x68: {  	v0 =	vld [tilespmem:s12+$0xE0];
	_ =	sdelay $0x4  }
0x69: {  	v1 =	vshrl.u32 v0, $0x10  }
0x6a: {  	v0 =	vand.u32 $0xFFFF, v0;
	[tilespmem:$0x28E0] =	vst v1  }
0x6b: {  	[tilespmem:$0x29E0] =	vst v0  }
0x6c: {  	v0 =	vld [tilespmem:s12+$0xF0];
	_ =	sdelay $0x4  }
0x6d: {  	v1 =	vshrl.u32 v0, $0x10  }
0x6e: {  	v0 =	vand.u32 $0xFFFF, v0;
	[tilespmem:$0x28F0] =	vst v1  }
0x6f: {  	[tilespmem:$0x29F0] =	vst v0  }
0x70: {  	[tilespmem:s28], [sflag:$0x2] =	stream.indirect.gather [hbm4b:s1+s24], $0x80, s26, s24, $0xb8;
	[tilespmem:$0x1EA00] =	vst v63  }
0x71: {  	_ =	swait.ge [sflag:s29], $0x4000  }
0x72: {  	p1 =	por $0x0, $0x0;
	[sflag:s29] =	ssyncset.done $0x0  }
0x73: {  	s7 =	simm.s32 @!p1 $0x3;
	[sflag:s29] =	ssyncadd.s32 $0xFFFFC000  }
0x74: {  	[spmem:s3] =	stream.indirect.scatter.add.f32 [tilespmem:s22], [sflag:$0x3], $0x80, s30, s24, $0xb8;
	[tilespmem:$0x1EA00] =	vst v63  }
0x75: {  	_ =	swait.ge @!p1 [sflag:s7], $0x4000  }
0x76: {  	[sflag:s7] =	ssyncset.done @!p1 $0x0  }
0x77: {  	s9 =	simm.s32 @!p1 $0x0;
	[sflag:s7] =	ssyncadd.s32 @!p1 $0xFFFFC000  }
0x78: {  	v0 =	vld @!p1 [tilespmem:s9+$0x100];
	_ =	sdelay $0x4  }
0x79: {  	v1 =	vshrl.u32 @!p1 v0, $0x10  }
0x7a: {  	v0 =	vand.u32 @!p1 $0xFFFF, v0;
	[tilespmem:$0x2800] =	vst @!p1 v1  }
0x7b: {  	[tilespmem:$0x2900] =	vst @!p1 v0  }
0x7c: {  	v0 =	vld @!p1 [tilespmem:s9+$0x110];
	_ =	sdelay $0x4  }
0x7d: {  	v1 =	vshrl.u32 @!p1 v0, $0x10  }
0x7e: {  	v0 =	vand.u32 @!p1 $0xFFFF, v0;
	[tilespmem:$0x2810] =	vst @!p1 v1  }
0x7f: {  	[tilespmem:$0x2910] =	vst @!p1 v0  }
0x80: {  	v0 =	vld @!p1 [tilespmem:s9+$0x120];
	_ =	sdelay $0x4  }
0x81: {  	v1 =	vshrl.u32 @!p1 v0, $0x10  }
0x82: {  	v0 =	vand.u32 @!p1 $0xFFFF, v0;
	[tilespmem:$0x2820] =	vst @!p1 v1  }
0x83: {  	[tilespmem:$0x2920] =	vst @!p1 v0  }
0x84: {  	v0 =	vld @!p1 [tilespmem:s9+$0x130];
	_ =	sdelay $0x4  }
0x85: {  	v1 =	vshrl.u32 @!p1 v0, $0x10  }
0x86: {  	v0 =	vand.u32 @!p1 $0xFFFF, v0;
	[tilespmem:$0x2830] =	vst @!p1 v1  }
0x87: {  	[tilespmem:$0x2930] =	vst @!p1 v0  }
0x88: {  	v0 =	vld @!p1 [tilespmem:s9+$0x140];
	_ =	sdelay $0x4  }
0x89: {  	v1 =	vshrl.u32 @!p1 v0, $0x10  }
0x8a: {  	v0 =	vand.u32 @!p1 $0xFFFF, v0;
	[tilespmem:$0x2840] =	vst @!p1 v1  }
0x8b: {  	[tilespmem:$0x2940] =	vst @!p1 v0  }
0x8c: {  	s7 =	simm.s32 $0x400;
	v0 =	vld @!p1 [tilespmem:s9+$0x150]  }
.LBB2_2:
0x8d: {  	_ =	sdelay $0x2  }
0x8e: {  	s8 =	smov.u32 s7;
	s7 =	sadd.s32 $0x400, s7  }
0x8f: {  	p0 =	sne.s32 s7, $0xA000;
	v1 =	vshrl.u32 @!p1 v0, $0x10;
	v0 =	vand.u32 @!p1 $0xFFFF, v0  }
0x90: {  	[tilespmem:$0x2850] =	vst @!p1 v1  }
0x91: {  	[tilespmem:$0x2950] =	vst @!p1 v0  }
0x92: {  	v0 =	vld @!p1 [tilespmem:s9+$0x160];
	_ =	sdelay $0x4  }
0x93: {  	v1 =	vshrl.u32 @!p1 v0, $0x10;
	v0 =	vand.u32 @!p1 $0xFFFF, v0  }
0x94: {  	[tilespmem:$0x2860] =	vst @!p1 v1  }
0x95: {  	[tilespmem:$0x2960] =	vst @!p1 v0  }
0x96: {  	v0 =	vld @!p1 [tilespmem:s9+$0x170];
	_ =	sdelay $0x2  }
0x97: {  	p2 =	seq.s32 s8, $0x0;
	s9 =	simm.s32 @!p1 $0x2A00  }
0x98: {  	s11 =	simm.s32 @!p1 $0x80;
	s12 =	simm.s32 @!p1 $0x2800;
	s10 =	simm.s32 @!p2 $0x4  }
0x99: {  	v1 =	vshrl.u32 @!p1 v0, $0x10;
	v0 =	vand.u32 @!p1 $0xFFFF, v0  }
0x9a: {  	[tilespmem:$0x2870] =	vst @!p1 v1  }
0x9b: {  	[tilespmem:$0x2970] =	vst @!p1 v0  }
0x9c: {  	[tilespmem:s9], [sflag:$0x1] =	stream.indirect.gather @!p1 [hbm4b:s1+s11], $0x80, s12, s11, $0xb8;
	[tilespmem:$0x1EA00] =	vst v63  }
0x9d: {  	_ =	swait.ge [sflag:s31], $0x4000  }
0x9e: {  	[sflag:s31] =	ssyncset.done $0x0  }
0x9f: {  	[sflag:s31] =	ssyncadd.s32 $0xFFFFC000  }
0xa0: {  	[spmem:s3] =	stream.indirect.scatter.add.f32 [tilespmem:s28], [sflag:$0x4], $0x80, s2, s24, $0xb8;
	[tilespmem:$0x1EA00] =	vst v63  }
0xa1: {  	_ =	swait.ge @!p2 [sflag:s10], $0x4000  }
0xa2: {  	[sflag:s10] =	ssyncset.done @!p2 $0x0  }
0xa3: {  	s9 =	sshra.s32 s8, $0x2;
	[sflag:s10] =	ssyncadd.s32 @!p2 $0xFFFFC000  }
0xa4: {  	v0 =	vld [tilespmem:s9+$0x80];
	_ =	sdelay $0x4  }
0xa5: {  	v1 =	vshrl.u32 v0, $0x10;
	v0 =	vand.u32 $0xFFFF, v0  }
0xa6: {  	[tilespmem:$0x2880] =	vst v1  }
0xa7: {  	[tilespmem:$0x2980] =	vst v0  }
0xa8: {  	v0 =	vld [tilespmem:s9+$0x90];
	_ =	sdelay $0x4  }
0xa9: {  	v1 =	vshrl.u32 v0, $0x10;
	v0 =	vand.u32 $0xFFFF, v0  }
0xaa: {  	[tilespmem:$0x2890] =	vst v1  }
0xab: {  	[tilespmem:$0x2990] =	vst v0  }
0xac: {  	v0 =	vld [tilespmem:s9+$0xA0];
	_ =	sdelay $0x4  }
0xad: {  	v1 =	vshrl.u32 v0, $0x10;
	v0 =	vand.u32 $0xFFFF, v0  }
0xae: {  	[tilespmem:$0x28A0] =	vst v1  }
0xaf: {  	[tilespmem:$0x29A0] =	vst v0  }
0xb0: {  	v0 =	vld [tilespmem:s9+$0xB0];
	_ =	sdelay $0x4  }
0xb1: {  	v1 =	vshrl.u32 v0, $0x10;
	v0 =	vand.u32 $0xFFFF, v0  }
0xb2: {  	[tilespmem:$0x28B0] =	vst v1  }
0xb3: {  	[tilespmem:$0x29B0] =	vst v0  }
0xb4: {  	v0 =	vld [tilespmem:s9+$0xC0];
	_ =	sdelay $0x4  }
0xb5: {  	v1 =	vshrl.u32 v0, $0x10;
	v0 =	vand.u32 $0xFFFF, v0  }
0xb6: {  	[tilespmem:$0x28C0] =	vst v1  }
0xb7: {  	[tilespmem:$0x29C0] =	vst v0  }
0xb8: {  	v0 =	vld [tilespmem:s9+$0xD0];
	_ =	sdelay $0x4  }
0xb9: {  	v1 =	vshrl.u32 v0, $0x10;
	v0 =	vand.u32 $0xFFFF, v0  }
0xba: {  	[tilespmem:$0x28D0] =	vst v1  }
0xbb: {  	[tilespmem:$0x29D0] =	vst v0  }
0xbc: {  	v0 =	vld [tilespmem:s9+$0xE0];
	_ =	sdelay $0x4  }
0xbd: {  	v1 =	vshrl.u32 v0, $0x10;
	v0 =	vand.u32 $0xFFFF, v0  }
0xbe: {  	[tilespmem:$0x28E0] =	vst v1  }
0xbf: {  	[tilespmem:$0x29E0] =	vst v0  }
0xc0: {  	v0 =	vld [tilespmem:s9+$0xF0];
	_ =	sdelay $0x3  }
0xc1: {  	p1 =	seq.s32 s8, $0x9C00  }
0xc2: {  	v1 =	vshrl.u32 v0, $0x10;
	v0 =	vand.u32 $0xFFFF, v0  }
0xc3: {  	s10 =	simm.s32 @!p1 $0x3;
	[tilespmem:$0x28F0] =	vst v1  }
0xc4: {  	[tilespmem:$0x29F0] =	vst v0  }
0xc5: {  	[tilespmem:s28], [sflag:$0x2] =	stream.indirect.gather [hbm4b:s1+s24], $0x80, s26, s24, $0xb8;
	[tilespmem:$0x1EA00] =	vst v63  }
0xc6: {  	s9 =	sshra.s32 @!p1 s8, $0x2;
	_ =	swait.ge [sflag:s29], $0x4000  }
0xc7: {  	[sflag:s29] =	ssyncset.done $0x0  }
0xc8: {  	[sflag:s29] =	ssyncadd.s32 $0xFFFFC000  }
0xc9: {  	[spmem:s3] =	stream.indirect.scatter.add.f32 [tilespmem:s22], [sflag:$0x3], $0x80, s30, s24, $0xb8;
	[tilespmem:$0x1EA00] =	vst v63  }
0xca: {  	_ =	swait.ge @!p1 [sflag:s10], $0x4000  }
0xcb: {  	[sflag:s10] =	ssyncset.done @!p1 $0x0  }
0xcc: {  	[sflag:s10] =	ssyncadd.s32 @!p1 $0xFFFFC000  }
0xcd: {  	v0 =	vld @!p1 [tilespmem:s9+$0x100];
	_ =	sdelay $0x4  }
0xce: {  	v1 =	vshrl.u32 @!p1 v0, $0x10;
	v0 =	vand.u32 @!p1 $0xFFFF, v0  }
0xcf: {  	[tilespmem:$0x2800] =	vst @!p1 v1  }
0xd0: {  	[tilespmem:$0x2900] =	vst @!p1 v0  }
0xd1: {  	v0 =	vld @!p1 [tilespmem:s9+$0x110];
	_ =	sdelay $0x4  }
0xd2: {  	v1 =	vshrl.u32 @!p1 v0, $0x10;
	v0 =	vand.u32 @!p1 $0xFFFF, v0  }
0xd3: {  	[tilespmem:$0x2810] =	vst @!p1 v1  }
0xd4: {  	[tilespmem:$0x2910] =	vst @!p1 v0  }
0xd5: {  	v0 =	vld @!p1 [tilespmem:s9+$0x120];
	_ =	sdelay $0x4  }
0xd6: {  	v1 =	vshrl.u32 @!p1 v0, $0x10;
	v0 =	vand.u32 @!p1 $0xFFFF, v0  }
0xd7: {  	[tilespmem:$0x2820] =	vst @!p1 v1  }
0xd8: {  	[tilespmem:$0x2920] =	vst @!p1 v0  }
0xd9: {  	v0 =	vld @!p1 [tilespmem:s9+$0x130];
	_ =	sdelay $0x4  }
0xda: {  	v1 =	vshrl.u32 @!p1 v0, $0x10;
	v0 =	vand.u32 @!p1 $0xFFFF, v0  }
0xdb: {  	[tilespmem:$0x2830] =	vst @!p1 v1  }
0xdc: {  	[tilespmem:$0x2930] =	vst @!p1 v0  }
0xdd: {  	v0 =	vld @!p1 [tilespmem:s9+$0x140];
	_ =	sdelay $0x3  }
.Ltmp0:
0xde: {  	(pc) =	sbr.rel @p0 .LBB2_2-.Ltmp0, $4  }
0xdf: {  	v1 =	vshrl.u32 @!p1 v0, $0x10;
	v0 =	vand.u32 @!p1 $0xFFFF, v0  }
0xe0: {  	[tilespmem:$0x2840] =	vst @!p1 v1  }
0xe1: {  	[tilespmem:$0x2940] =	vst @!p1 v0  }
0xe2: {  	v0 =	vld @!p1 [tilespmem:s9+$0x150]  }
0xe3: {  	_ =	sdelay $0x3  }
0xe4: {  	v1 =	vshrl.u32 @!p1 v0, $0x10  }
0xe5: {  	v0 =	vand.u32 @!p1 $0xFFFF, v0;
	[tilespmem:$0x2850] =	vst @!p1 v1  }
0xe6: {  	[tilespmem:$0x2950] =	vst @!p1 v0  }
0xe7: {  	v0 =	vld @!p1 [tilespmem:s9+$0x160];
	_ =	sdelay $0x4  }
0xe8: {  	v1 =	vshrl.u32 @!p1 v0, $0x10  }
0xe9: {  	v0 =	vand.u32 @!p1 $0xFFFF, v0;
	[tilespmem:$0x2860] =	vst @!p1 v1  }
0xea: {  	[tilespmem:$0x2960] =	vst @!p1 v0  }
0xeb: {  	v0 =	vld @!p1 [tilespmem:s9+$0x170];
	_ =	sdelay $0x4  }
0xec: {  	v1 =	vshrl.u32 @!p1 v0, $0x10  }
0xed: {  	v0 =	vand.u32 @!p1 $0xFFFF, v0;
	[tilespmem:$0x2870] =	vst @!p1 v1  }
0xee: {  	s7 =	simm.s32 @!p1 $0x2A00;
	s8 =	simm.s32 @!p1 $0x80;
	s9 =	simm.s32 @!p1 $0x2800;
	[tilespmem:$0x2970] =	vst @!p1 v0  }
0xef: {  	[tilespmem:s7], [sflag:$0x1] =	stream.indirect.gather @!p1 [hbm4b:s1+s8], $0x80, s9, s8, $0xb8;
	[tilespmem:$0x1EA00] =	vst v63  }
0xf0: {  	_ =	swait.ge [sflag:s31], $0x4000  }
0xf1: {  	[sflag:s31] =	ssyncset.done $0x0  }
0xf2: {  	[sflag:s31] =	ssyncadd.s32 $0xFFFFC000  }
0xf3: {  	[spmem:s3] =	stream.indirect.scatter.add.f32 [tilespmem:s28], [sflag:$0x4], $0x80, s2, s24, $0xb8;
	[tilespmem:$0x1EA00] =	vst v63  }
0xf4: {  	_ =	swait.ge [sflag:s0], $0x4000  }
0xf5: {  	[sflag:s0] =	ssyncset.done $0x0  }
0xf6: {  	[sflag:s0] =	ssyncadd.s32 $0xFFFFC000  }
0xf7: {  	_ =	swait.ge [sflag:s25], $0x4000  }
0xf8: {  	[sflag:s25] =	ssyncset.done $0x0  }
0xf9: {  	[sflag:s25] =	ssyncadd.s32 $0xFFFFC000  }
0xfa: {  	[bflag:$0x0] =	sbarrier.arrive $0xFFFF  }
0xfb: {  	[tilespmem:s22], [sflag:$0x5] =	stream.linear.gather [spmem:s6], $0x4000, $0x38;
	[tilespmem:$0x1EA00] =	vst v63  }
0xfc: {  	_ =	swait.ge [sflag:s23], $0x4000  }
0xfd: {  	[sflag:s23] =	ssyncset.done $0x0  }
0xfe: {  	[sflag:s23] =	ssyncadd.s32 $0xFFFFC000  }
0xff: {  	[hbm4b:s13+s4] =	stream.linear.scatter [tilespmem:s22], [sflag:$0x5], $0x4000, $0x38;
	[tilespmem:$0x1EA00] =	vst v63  }
0x100: {  	_ =	swait.ge [sflag:s23], $0x4000  }
0x101: {  	[sflag:s23] =	ssyncset.done $0x0  }
0x102: {  	[sflag:s23] =	ssyncadd.s32 $0xFFFFC000  }
0x103: {  	[tilespmem:s22], [sflag:$0x5] =	stream.linear.gather [spmem:s14], $0x4000, $0x38;
	[tilespmem:$0x1EA00] =	vst v63  }
0x104: {  	_ =	swait.ge [sflag:s23], $0x4000  }
0x105: {  	[sflag:s23] =	ssyncset.done $0x0  }
0x106: {  	[sflag:s23] =	ssyncadd.s32 $0xFFFFC000  }
0x107: {  	[hbm4b:s15+s4] =	stream.linear.scatter [tilespmem:s22], [sflag:$0x5], $0x4000, $0x38;
	[tilespmem:$0x1EA00] =	vst v63  }
0x108: {  	_ =	swait.ge [sflag:s23], $0x4000  }
0x109: {  	[sflag:s23] =	ssyncset.done $0x0  }
0x10a: {  	[sflag:s23] =	ssyncadd.s32 $0xFFFFC000  }
0x10b: {  	[tilespmem:s22], [sflag:$0x5] =	stream.linear.gather [spmem:s16], $0x4000, $0x38;
	[tilespmem:$0x1EA00] =	vst v63  }
0x10c: {  	_ =	swait.ge [sflag:s23], $0x4000  }
0x10d: {  	[sflag:s23] =	ssyncset.done $0x0  }
0x10e: {  	[sflag:s23] =	ssyncadd.s32 $0xFFFFC000  }
0x10f: {  	[hbm4b:s17+s4] =	stream.linear.scatter [tilespmem:s22], [sflag:$0x5], $0x4000, $0x38;
	[tilespmem:$0x1EA00] =	vst v63  }
0x110: {  	_ =	swait.ge [sflag:s23], $0x4000  }
0x111: {  	[sflag:s23] =	ssyncset.done $0x0  }
0x112: {  	[sflag:s23] =	ssyncadd.s32 $0xFFFFC000  }
0x113: {  	[tilespmem:s22], [sflag:$0x5] =	stream.linear.gather [spmem:s18], $0x4000, $0x38;
	[tilespmem:$0x1EA00] =	vst v63  }
0x114: {  	_ =	swait.ge [sflag:s23], $0x4000  }
0x115: {  	[sflag:s23] =	ssyncset.done $0x0  }
0x116: {  	[sflag:s23] =	ssyncadd.s32 $0xFFFFC000  }
0x117: {  	[hbm4b:s19+s4] =	stream.linear.scatter [tilespmem:s22], [sflag:$0x5], $0x4000, $0x38;
	[tilespmem:$0x1EA00] =	vst v63  }
0x118: {  	_ =	swait.ge [sflag:s23], $0x4000  }
0x119: {  	[sflag:s23] =	ssyncset.done $0x0  }
0x11a: {  	[sflag:s23] =	ssyncadd.s32 $0xFFFFC000  }
0x11b: {  	[tilespmem:s22], [sflag:$0x5] =	stream.linear.gather [spmem:s20], $0x4000, $0x38;
	[tilespmem:$0x1EA00] =	vst v63  }
0x11c: {  	_ =	swait.ge [sflag:s23], $0x4000  }
0x11d: {  	[sflag:s23] =	ssyncset.done $0x0  }
0x11e: {  	[sflag:s23] =	ssyncadd.s32 $0xFFFFC000  }
0x11f: {  	[hbm4b:s21+s4] =	stream.linear.scatter [tilespmem:s22], [sflag:$0x5], $0x4000, $0x38;
	[tilespmem:$0x1EA00] =	vst v63  }
0x120: {  	_ =	swait.ge [sflag:s23], $0x4000  }
0x121: {  	s5 =	sadd.s32 $0x1, s5;
	s12 =	rddreg [dreg:$0x6]  }
0x122: {  	p0 =	sne.s32 s5, s12  }
.Ltmp1:
0x123: {  	_ = 	snop;
	(pc) =	sbr.rel @p0 .LBB2_1-.Ltmp1, $3  }
0x124: {  	_ =	sdelay $0x1  }
0x125: {  	[sflag:s23] =	ssyncset.done $0x0  }
0x126: {  	[sflag:s23] =	ssyncadd.s32 $0xFFFFC000  }
0x127: {  	_ =	sfence.sel $0x180000  }
0x128: {  	[bflag:$0x0] =	sbarrier.arrive $0xFFFF  }
0x129: {  	_ =	strace $0x9000004D  }
0x12a: {  	s0 =	stileid.u32;
	[bflag:$0x2] =	sbarrier.arrive $0xFFFF  }
0x12b: {  	p0 =	sne.s32 s0, $0x0;
	s0 =	rddreg [dreg:$0x3]  }
0x12c: {  	s0 =	sadd.s32 @!p0 $0x100000, s0  }
0x12d: {  	[sflag:s0] =	ssyncadd.tile.s32 @!p0 $0x1;
	_ =	shalt  }
.Lfunc_end2:
_tile_overlayer_lowered:
.L_overlay_start_2:
0x12e: {  	(tag) =	ssettag $0x2  }
0x12f: {  	s0 =	rddreg [dreg:$0x0];
	s2 =	stileid.u32  }
0x130: {  	s1 =	rddreg [dreg:$0x1];
	p0 =	sne.s32 s2, $0x0  }
0x131: {  	s3 =	rddreg [dreg:$0x2];
	[bflag:$0x3] =	sbarrier.arrive $0xFFFF;
	s2 =	simm.s32 @!p0 $0x1C05  }
0x132: {  	[timem:s3], [sflag:s2] =	dma.local @!p0 [hbm:s0], s1  }
0x133: {  	s0 =	simm.s32 @!p0 $0x5  }
0x134: {  	_ =	swait.ge @!p0 [sflag:s0], s1  }
0x135: {  	s1 =	ssub.s32 @!p0 $0x0, s1;
	[sflag:s0] =	ssyncset.done @!p0 $0x0  }
0x136: {  	[sflag:s0] =	ssyncadd.s32 @!p0 s1  }
0x137: {  	[bflag:$0x3] =	sbarrier.arrive $0xFFFF  }
0x138: {  	_ =	shalt  }

// kernel: kernel.8.cloned.1.call-start
scs
__scs_entry_jumppad:
0x0: {  	(pc) =	sbr.rel $0x88, $3  }
0x1: {  	(tag) =	ssettag $0x0;
	lr =	simm.s32 $0x1  }
0x2: {  	[smem:$0x3F99] =	sst lr;
	_ =	strace $0xD0000000  }
0x3: {  	_ = 	snop  }
0x4: {  	_ = 	snop  }
0x5: {  	_ = 	snop  }
0x6: {  	_ = 	snop  }
0x7: {  	_ = 	snop  }
__scs_overlays_trampoline_lowered:
0x8: {  	[smem:$0x3FA8] =	sst s0  }
0x9: {  	[smem:$0x3FA9] =	sst s1  }
0xa: {  	[smem:$0x3FAA] =	sst s2  }
0xb: {  	[smem:$0x3FAB] =	sst s3  }
0xc: {  	[smem:$0x3FAC] =	sst s4  }
0xd: {  	[smem:$0x3FAD] =	sst s5  }
0xe: {  	[smem:$0x3FAE] =	sst s6  }
0xf: {  	[smem:$0x3FAF] =	sst s7  }
0x10: {  	[smem:$0x3FB0] =	sst s8  }
0x11: {  	[smem:$0x3FB1] =	sst s9;
	s0 =	simm.s32 @!p0 $0x0  }
0x12: {  	s1 =	sld [smem:$0x3F97];
	s0 =	simm.s32 @p0 $0x1  }
0x13: {  	[smem:$0x3FB2] =	sst s0;
	s0 =	simm.s32 @!p1 $0x0  }
0x14: {  	s2 =	sld [smem:$0x3F96];
	s0 =	simm.s32 @p1 $0x1  }
0x15: {  	[smem:$0x3FB3] =	sst s0;
	s0 =	simm.s32 @!p2 $0x0  }
0x16: {  	s3 =	sld [smem:$0x3FDB];
	s0 =	simm.s32 @p2 $0x1  }
0x17: {  	s4 =	simm.s32 $0x1BF5;
	[smem:$0x3FB5] =	sst s0  }
0x18: {  	s0 =	sld [smem:$0x3F98];
	_ =	swait.ge [sflag:s4], $0x0  }
0x19: {  	s7 =	sld [smem:$0x3F99]  }
0x1a: {  	s8 =	sadd.s32 $0xFFFFE003, lr  }
0x1b: {  	s9 =	sadd.s32 $0xFFFFFEF7, lr;
	s5 =	simm.s32 $0xFFFFFFFF;
	p2 =	slt.u32 s8, $0xFFFFF086  }
0x1c: {  	p1 =	slt.u32 s9, $0xF7A;
	s5 =	simm.s32 @!p2 $0x0  }
0x1d: {  	s5 =	simm.s32 @p1 $0x1;
	p0 =	seq.s32 s7, s2  }
0x1e: {  	s7 =	smul.u32 @!p0 $0xF7A, s2;
	p2 =	seq.s32 @!p0 s5, $0x0  }
0x1f: {  	s9 =	smul.u32 $0xF7A, s1;
	s8 =	simm.s32 @!p0 $0x1BF5;
	p2 =	por !p2, p0  }
0x20: {  	[sflag:s8] =	ssyncset.s32 @!p0 $0xFFFFF086;
	s6 =	sadd.s32 @!p0 s3, s7;
	s7 =	simm.s32 @!p0 $0x108  }
0x21: {  	s3 =	sadd.s32 s3, s9;
	s6 =	sadd.s32 @!p0 $0x88, s6;
	s7 =	simm.s32 @p2 $0x1082  }
0x22: {  	[simem:s7], [sflag:s8] =	dma.local @!p0 [hbm:s6], $0xF7A  }
0x23: {  	s9 =	sor.u32 $0xD0000000, s2;
	s6 =	simm.s32 $0x108;
	_ =	swait.ge @!p0 [sflag:s8], $0x0  }
0x24: {  	s3 =	sadd.s32 $0x88, s3;
	s6 =	simm.s32 @!p1 $0x1082;
	[sflag:s4] =	ssyncset.s32 $0xFFFFF086  }
0x25: {  	[simem:s6], [sflag:s4] =	dma.local [hbm:s3], $0xF7A  }
0x26: {  	[smem:$0x3F99] =	sst s1;
	(tag) =	ssettag s2;
	_ =	strace s9  }
0x27: {  	s1 =	sld [smem:$0x3FA9]  }
0x28: {  	s2 =	sld [smem:$0x3FAA]  }
0x29: {  	s4 =	sld [smem:$0x3FAC]  }
0x2a: {  	p0 =	seq.s32 s5, $0x0;
	s5 =	sld [smem:$0x3FAD]  }
0x2b: {  	s6 =	sld [smem:$0x3FAE]  }
0x2c: {  	s7 =	sld [smem:$0x3FAF]  }
0x2d: {  	s3 =	simm.s32 $0x108;
	s8 =	sld [smem:$0x3FB0]  }
0x2e: {  	s3 =	simm.s32 @!p0 $0x1082;
	s9 =	sld [smem:$0x3FB1]  }
0x2f: {  	lr =	sadd.s32 s0, s3;
	s0 =	sld [smem:$0x3FA8]  }
0x30: {  	s3 =	sld [smem:$0x3FAB]  }
0x31: {  	[smem:$0x3FB4] =	sst s10  }
0x32: {  	s10 =	sld [smem:$0x3FB2];
	_ =	sdelay $0x3  }
0x33: {  	p0 =	seq.s32 s10, $0x1;
	s10 =	sld [smem:$0x3FB4];
	_ =	sdelay $0x3  }
0x34: {  	[smem:$0x3FB4] =	sst s10  }
0x35: {  	s10 =	sld [smem:$0x3FB3];
	_ =	sdelay $0x3  }
0x36: {  	p1 =	seq.s32 s10, $0x1;
	s10 =	sld [smem:$0x3FB4];
	_ =	sdelay $0x3  }
0x37: {  	[smem:$0x3FB4] =	sst s10  }
0x38: {  	s10 =	sld [smem:$0x3FB5]  }
0x39: {  	_ = 	snop;
	(pc) =	sbr.ind lr, $3  }
0x3a: {  	_ = 	snop  }
0x3b: {  	_ = 	snop  }
0x3c: {  	p2 =	seq.s32 s10, $0x1;
	s10 =	sld [smem:$0x3FB4]  }
0x3d: {  	_ =	shalt  }
0x3e: {  	_ =	shalt  }
0x3f: {  	_ =	shalt  }
0x40: {  	_ =	shalt  }
0x41: {  	_ =	shalt  }
0x42: {  	_ =	shalt  }
0x43: {  	_ =	shalt  }
0x44: {  	_ =	shalt  }
0x45: {  	_ =	shalt  }
0x46: {  	_ =	shalt  }
0x47: {  	_ =	shalt  }
0x48: {  	_ =	shalt  }
0x49: {  	_ =	shalt  }
0x4a: {  	_ =	shalt  }
0x4b: {  	_ =	shalt  }
0x4c: {  	_ =	shalt  }
0x4d: {  	_ =	shalt  }
0x4e: {  	_ =	shalt  }
0x4f: {  	_ =	shalt  }
0x50: {  	_ =	shalt  }
0x51: {  	_ =	shalt  }
0x52: {  	_ =	shalt  }
0x53: {  	_ =	shalt  }
0x54: {  	_ =	shalt  }
0x55: {  	_ =	shalt  }
0x56: {  	_ =	shalt  }
0x57: {  	_ =	shalt  }
0x58: {  	_ =	shalt  }
0x59: {  	_ =	shalt  }
0x5a: {  	_ =	shalt  }
0x5b: {  	_ =	shalt  }
0x5c: {  	_ =	shalt  }
0x5d: {  	_ =	shalt  }
0x5e: {  	_ =	shalt  }
0x5f: {  	_ =	shalt  }
0x60: {  	_ =	shalt  }
0x61: {  	_ =	shalt  }
0x62: {  	_ =	shalt  }
0x63: {  	_ =	shalt  }
0x64: {  	_ =	shalt  }
0x65: {  	_ =	shalt  }
0x66: {  	_ =	shalt  }
0x67: {  	_ =	shalt  }
0x68: {  	_ =	shalt  }
0x69: {  	_ =	shalt  }
0x6a: {  	_ =	shalt  }
0x6b: {  	_ =	shalt  }
0x6c: {  	_ =	shalt  }
0x6d: {  	_ =	shalt  }
0x6e: {  	_ =	shalt  }
0x6f: {  	_ =	shalt  }
0x70: {  	_ =	shalt  }
0x71: {  	_ =	shalt  }
0x72: {  	_ =	shalt  }
0x73: {  	_ =	shalt  }
0x74: {  	_ =	shalt  }
0x75: {  	_ =	shalt  }
0x76: {  	_ =	shalt  }
0x77: {  	_ =	shalt  }
0x78: {  	_ =	shalt  }
0x79: {  	_ =	shalt  }
0x7a: {  	_ =	shalt  }
0x7b: {  	_ =	shalt  }
0x7c: {  	_ =	shalt  }
0x7d: {  	_ =	shalt  }
0x7e: {  	_ =	shalt  }
0x7f: {  	_ =	shalt  }
0x80: {  	_ =	shalt  }
0x81: {  	_ =	shalt  }
0x82: {  	_ =	shalt  }
0x83: {  	_ =	shalt  }
0x84: {  	_ =	shalt  }
0x85: {  	_ =	shalt  }
0x86: {  	_ =	shalt  }
0x87: {  	_ =	shalt  }
.Lfunc_end0:
.L_simem_size_0:
called_computation_lowered:
.L_overlay_start_0:
0x88: {  	s2 =	sld [smem:$0x3FD9]  }
0x89: {  	s3 =	sld [smem:$0x3FFE];
	_ =	sdelay $0x1  }
0x8a: {  	s1 =	srdreg.scid  }
0x8b: {  	s0 =	sand.u32 $0x1, s1  }
0x8c: {  	s17 =	sshll.u32 s0, $0xA;
	s2 =	sadd.s32 s3, s2  }
0x8d: {  	s2 =	sadd.s32 s2, s17  }
0x8e: {  	[smem:$0x3FC0] =	sst s2  }
0x8f: {  	_ = 	snop  }
0x90: {  	s2 =	sld [smem:$0x3FD0];
	(tm) =	ssettm $0x1  }
0x91: {  	s18 =	sld [smem:$0x3FFB];
	_ =	sdelay $0x3  }
0x92: {  	_ =	strace s18  }
0x93: {  	s3 =	sld [smem:$0x3FFC];
	_ =	sdelay $0x3  }
0x94: {  	_ =	strace s3  }
0x95: {  	s3 =	sld [smem:$0x3FFD];
	_ =	sdelay $0x3  }
0x96: {  	_ =	strace s3  }
0x97: {  	_ =	strace $0x8FFFFFFF  }
0x98: {  	s19 =	sld [smem:$0x3FDB];
	_ =	sdelay $0x1  }
0x99: {  	s4 =	simm.s32 $_scs_section_size  }
0x9a: {  	s5 =	simm.s32 $_size__tile_overlayer_lowered;
	s6 =	simm.s32 $_tile_overlayer_lowered  }
0x9b: {  	s22 =	simm.s32 $0x1BFF;
	s21 =	sshll.u32 s6, $0x1;
	s3 =	sadd.s32 s4, s19  }
0x9c: {  	s7 =	simm.s32 $0x0;
	s20 =	sshll.u32 s5, $0x1;
	s5 =	sadd.s32 s21, s3  }
0x9d: {  	[timem:s7], [sflag:s22] =	dma.local [hbm:s5], s20  }
0x9e: {  	_ =	swait.ge [sflag:s22], s20  }
0x9f: {  	s4 =	ssub.s32 $0x0, s20;
	[sflag:s22] =	ssyncset.done $0x0  }
0xa0: {  	[sflag:s22] =	ssyncadd.s32 s4;
	_ =	sdelay $0x1  }
0xa1: {  	s23 =	simm.s32 $0x1B8B  }
0xa2: {  	_ =	swait.ge [sflag:s23], $0x1  }
0xa3: {  	[sflag:s23] =	ssyncset.done $0x0  }
0xa4: {  	s25 =	simm.s32 $0x1B8E;
	s24 =	sld [smem:$0x3FFE];
	[sflag:s23] =	ssyncadd.s32 $0xFFFFFFFF  }
0xa5: {  	s26 =	simm.s32 $execute0_lowered;
	[smem:$0x3FD2] =	sst s25  }
0xa6: {  	s5 =	sshll.u32 s26, $0x1;
	_ =	strace $0x80000046;
	[dreg:$0x1] =	wrdreg $0xFFFFFFFF  }
0xa7: {  	s28 =	simm.s32 $_size_execute0_lowered;
	s3 =	sadd.s32 s3, s5;
	[dreg:$0x0] =	wrdreg $0x0  }
0xa8: {  	s5 =	sshll.u32 s28, $0x1;
	[dreg:$0x2] =	wrdreg s3  }
0xa9: {  	[dreg:$0x3] =	wrdreg s5  }
0xaa: {  	[dreg:$0x4] =	wrdreg $0xC0  }
0xab: {  	_ =	task [dreg:s7], $0x5FFFF  }
0xac: {  	[dreg:$0x1] =	wrdreg $0xFFFFFFFF  }
0xad: {  	[dreg:$0x0] =	wrdreg $0x60  }
0xae: {  	[dreg:$0x2] =	wrdreg s2  }
0xaf: {  	[dreg:$0x3] =	wrdreg s24  }
0xb0: {  	[dreg:$0x4] =	wrdreg $0xA8000  }
0xb1: {  	[dreg:$0x5] =	wrdreg $0x9  }
0xb2: {  	_ =	task.clear_ibuf [dreg:s7], $0x6FFFF;
	_ =	strace $0x90000046  }
0xb3: {  	s29 =	simm.s32 $0x9;
	_ =	strace $0x80000048  }
0xb4: {  	_ =	swait.ge [sflag:s29], $0x1  }
0xb5: {  	[sflag:s29] =	ssyncadd.s32 $0xFFFFFFFF  }
0xb6: {  	_ =	strace $0x90000048  }
0xb7: {  	_ =	sfence  }
0xb8: {  	s30 =	sld [smem:$0x0];
	_ =	sdelay $0x2  }
0xb9: {  	s31 =	sshll.u32 s1, $0xD;
	s1 =	sshrl.u32 s1, $0x2  }
0xba: {  	s3 =	sand.u32 $0x4000, s31;
	s1 =	sadd.s32 s1, s30  }
0xbb: {  	s0 =	sor.u32 s3, s0;
	s1 =	sshll.u32 s1, $0x11  }
0xbc: {  	s0 =	sor.u32 s1, s0  }
0xbd: {  	s0 =	sadd.s32 $0x8F2B, s0  }
0xbe: {  	[sflag:s0] =	ssyncadd.remote.s32 $0x1  }
0xbf: {  	_ =	sfence.sel $0xFFFF  }
0xc0: {  	[dreg:$0x0] =	wrdreg $0xFFFFFFFF;
	(pc) =	sbr.abs _section_cstart, $3  }
0xc1: {  	[dreg:$0x1] =	wrdreg $0xFFFFFFFF  }
0xc2: {  	_ =	task.clear_ibuf [dreg:s7], $0x2FFFF;
	_ =	strace $0x9FFFFFFF  }
0xc3: {  	(tm) =	ssettm $0x7FFFFFFF  }
tec
execute0_lowered:
.L_overlay_start_1:
0x0: {  	(tag) =	ssettag $0x1  }
0x1: {  	s7 =	rddreg [dreg:$0x0]  }
0x2: {  	s6 =	rddreg [dreg:$0x1]  }
0x3: {  	s1 =	rddreg [dreg:$0x2]  }
0x4: {  	s0 =	rddreg [dreg:$0x3]  }
0x5: {  	s2 =	simm.s32 $0x0;
	s3 =	srdreg.scid;
	s24 =	simm.s32 $0x2800  }
0x6: {  	s25 =	simm.s32 $0x80;
	s26 =	simm.s32 $0x0;
	[smem:$0x7FF] =	sst s2  }
0x7: {  	s4 =	sadd.s32 $0x2C00, s6;
	s8 =	sand.u32 $0x1, s3;
	s3 =	stileid.u32  }
0x8: {  	s5 =	sadd.s32 $0x2400, s6;
	s21 =	sadd.s32 $0x3400, s6;
	s11 =	smul.u32 $0x50000, s3  }
0x9: {  	s9 =	sshll.u32 s8, $0x4;
	s10 =	ssub.s32 $0x2, s8;
	s19 =	smul.u32 $0x140000, s8  }
0xa: {  	s18 =	smul.u32 $0x14000, s3;
	s9 =	sor.u32 s3, s9;
	s28 =	sshrl.u32 s10, $0x1  }
0xb: {  	_ =	strace $0x80000047;
	s9 =	smul.u32 $0x500, s9;
	s10 =	ssub.s32 s10, s28  }
0xc: {  	s29 =	sshrl.u32 s11, $0x2;
	s13 =	sadd.s32 s19, s18;
	s14 =	sadd.s32 $0x4000, s18  }
0xd: {  	s16 =	sadd.s32 $0x8000, s18;
	s20 =	sadd.s32 $0xC000, s18;
	s23 =	sadd.s32 $0x10000, s18  }
0xe: {  	s6 =	sadd.s32 s29, s1;
	s8 =	smax.u32 s10, $0x1;
	s13 =	sshrl.u32 s13, $0x3  }
0xf: {  	s15 =	sadd.s32 s19, s14;
	s14 =	sadd.s32 s14, s1;
	s17 =	sadd.s32 s19, s16  }
0x10: {  	s16 =	sadd.s32 s16, s1;
	s22 =	sadd.s32 s19, s20;
	s18 =	sadd.s32 s20, s1  }
0x11: {  	s31 =	sadd.s32 s19, s23;
	s20 =	sadd.s32 s23, s1;
	s23 =	simm.s32 $0x1  }
0x12: {  	s7 =	sadd.s32 s7, s9;
	s9 =	sadd.s32 $0x4000, s6;
	s10 =	sadd.s32 $0x8000, s6  }
0x13: {  	s11 =	sadd.s32 $0xC000, s6;
	s12 =	sadd.s32 $0x10000, s6;
	s13 =	sadd.s32 s21, s13  }
0x14: {  	s15 =	sshrl.u32 s15, $0x3;
	s17 =	sshrl.u32 s17, $0x3;
	s30 =	sshrl.u32 s22, $0x3  }
0x15: {  	s22 =	sshrl.u32 s31, $0x3;
	s15 =	sadd.s32 s21, s15;
	s17 =	sadd.s32 s21, s17  }
0x16: {  	s19 =	sadd.s32 s21, s30;
	s21 =	sadd.s32 s21, s22;
	s22 =	simm.s32 $0x6800  }
.LBB2_1:
0x17: {  	[tilespmem:s22], [sflag:$0x1] =	stream.linear.gather [hbm4b:s5+s2], $0x4000, $0x38;
	[tilespmem:$0xD000] =	vst v63  }
0x18: {  	_ =	swait.ge [sflag:s23], $0x4000  }
0x19: {  	[sflag:s23] =	ssyncset.done $0x0  }
0x1a: {  	[sflag:s23] =	ssyncadd.s32 $0xFFFFC000  }
0x1b: {  	[spmem:s6] =	stream.linear.scatter [tilespmem:s22], [sflag:$0x1], $0x4000, $0x38;
	[tilespmem:$0xD000] =	vst v63  }
0x1c: {  	_ =	swait.ge [sflag:s23], $0x4000  }
0x1d: {  	[sflag:s23] =	ssyncset.done $0x0  }
0x1e: {  	[sflag:s23] =	ssyncadd.s32 $0xFFFFC000  }
0x1f: {  	[spmem:s9] =	stream.linear.scatter [tilespmem:s22], [sflag:$0x1], $0x4000, $0x38;
	[tilespmem:$0xD000] =	vst v63  }
0x20: {  	_ =	swait.ge [sflag:s23], $0x4000  }
0x21: {  	[sflag:s23] =	ssyncset.done $0x0  }
0x22: {  	[sflag:s23] =	ssyncadd.s32 $0xFFFFC000  }
0x23: {  	[spmem:s10] =	stream.linear.scatter [tilespmem:s22], [sflag:$0x1], $0x4000, $0x38;
	[tilespmem:$0xD000] =	vst v63  }
0x24: {  	_ =	swait.ge [sflag:s23], $0x4000  }
0x25: {  	[sflag:s23] =	ssyncset.done $0x0  }
0x26: {  	[sflag:s23] =	ssyncadd.s32 $0xFFFFC000  }
0x27: {  	[spmem:s11] =	stream.linear.scatter [tilespmem:s22], [sflag:$0x1], $0x4000, $0x38;
	[tilespmem:$0xD000] =	vst v63  }
0x28: {  	_ =	swait.ge [sflag:s23], $0x4000  }
0x29: {  	[sflag:s23] =	ssyncset.done $0x0  }
0x2a: {  	[sflag:s23] =	ssyncadd.s32 $0xFFFFC000  }
0x2b: {  	[spmem:s12] =	stream.linear.scatter [tilespmem:s22], [sflag:$0x1], $0x4000, $0x38;
	[tilespmem:$0xD000] =	vst v63  }
0x2c: {  	_ =	swait.ge [sflag:s23], $0x4000  }
0x2d: {  	[sflag:s23] =	ssyncset.done $0x0  }
0x2e: {  	[sflag:s23] =	ssyncadd.s32 $0xFFFFC000  }
0x2f: {  	[tilespmem:s24], [sflag:$0x1] =	stream.linear.gather [hbm4b:s4+s2], $0x4000, $0x38;
	[tilespmem:$0xD000] =	vst v63  }
0x30: {  	_ =	swait.ge [sflag:s23], $0x4000  }
0x31: {  	[sflag:s23] =	ssyncset.done $0x0  }
0x32: {  	[sflag:s23] =	ssyncadd.s32 $0xFFFFC000  }
0x33: {  	[tilespmem:s2], [sflag:$0x1] =	stream.linear.gather [hbm4b:s7+s2], $0x2800, $0x38;
	[tilespmem:$0xD000] =	vst v63  }
0x34: {  	_ =	swait.ge [sflag:s23], $0x2800  }
0x35: {  	[sflag:s23] =	ssyncset.done $0x0  }
0x36: {  	[sflag:s23] =	ssyncadd.s32 $0xFFFFD800  }
0x37: {  	s28 =	simm.s32 $0x0;
	[bflag:$0x0] =	sbarrier.arrive $0xFFFF  }
0x38: {  	[spmem:s1] =	stream.indirect.scatter.add.f32 [tilespmem:s24], [sflag:$0x1], $0x10, s28, s25, $0xb8;
	[tilespmem:$0xD000] =	vst v63  }
0x39: {  	_ =	swait.ge [sflag:s23], $0x800  }
0x3a: {  	s28 =	simm.s32 $0x200;
	[sflag:s23] =	ssyncset.done $0x0  }
.LBB2_2:
0x3b: {  	s29 =	sshra.s32 s28, $0x2;
	[sflag:s23] =	ssyncadd.s32 $0xFFFFF800;
	p0 =	sne.s32 s28, $0x9E00  }
0x3c: {  	[spmem:s1] =	stream.indirect.scatter.add.f32 [tilespmem:s24], [sflag:$0x1], $0x10, s29, s25, $0xb8;
	[tilespmem:$0xD000] =	vst v63  }
.Ltmp0:
0x3d: {  	_ = 	snop;
	(pc) =	sbr.rel @p0 .LBB2_2-.Ltmp0, $4  }
0x3e: {  	_ = 	snop  }
0x3f: {  	s28 =	sadd.s32 $0x200, s28  }
0x40: {  	_ =	swait.ge [sflag:s23], $0x800  }
0x41: {  	[sflag:s23] =	ssyncset.done $0x0  }
0x42: {  	[sflag:s23] =	ssyncadd.s32 $0xFFFFF800  }
0x43: {  	[bflag:$0x0] =	sbarrier.arrive $0xFFFF  }
0x44: {  	[tilespmem:s22], [sflag:$0x1] =	stream.linear.gather [spmem:s6], $0x4000, $0x38;
	[tilespmem:$0xD000] =	vst v63  }
0x45: {  	_ =	swait.ge [sflag:s23], $0x4000  }
0x46: {  	[sflag:s23] =	ssyncset.done $0x0  }
0x47: {  	[sflag:s23] =	ssyncadd.s32 $0xFFFFC000  }
0x48: {  	[hbm4b:s13+s2] =	stream.linear.scatter [tilespmem:s22], [sflag:$0x1], $0x4000, $0x38;
	[tilespmem:$0xD000] =	vst v63  }
0x49: {  	_ =	swait.ge [sflag:s23], $0x4000  }
0x4a: {  	[sflag:s23] =	ssyncset.done $0x0  }
0x4b: {  	[sflag:s23] =	ssyncadd.s32 $0xFFFFC000  }
0x4c: {  	[tilespmem:s22], [sflag:$0x1] =	stream.linear.gather [spmem:s14], $0x4000, $0x38;
	[tilespmem:$0xD000] =	vst v63  }
0x4d: {  	_ =	swait.ge [sflag:s23], $0x4000  }
0x4e: {  	[sflag:s23] =	ssyncset.done $0x0  }
0x4f: {  	[sflag:s23] =	ssyncadd.s32 $0xFFFFC000  }
0x50: {  	[hbm4b:s15+s2] =	stream.linear.scatter [tilespmem:s22], [sflag:$0x1], $0x4000, $0x38;
	[tilespmem:$0xD000] =	vst v63  }
0x51: {  	_ =	swait.ge [sflag:s23], $0x4000  }
0x52: {  	[sflag:s23] =	ssyncset.done $0x0  }
0x53: {  	[sflag:s23] =	ssyncadd.s32 $0xFFFFC000  }
0x54: {  	[tilespmem:s22], [sflag:$0x1] =	stream.linear.gather [spmem:s16], $0x4000, $0x38;
	[tilespmem:$0xD000] =	vst v63  }
0x55: {  	_ =	swait.ge [sflag:s23], $0x4000  }
0x56: {  	[sflag:s23] =	ssyncset.done $0x0  }
0x57: {  	[sflag:s23] =	ssyncadd.s32 $0xFFFFC000  }
0x58: {  	[hbm4b:s17+s2] =	stream.linear.scatter [tilespmem:s22], [sflag:$0x1], $0x4000, $0x38;
	[tilespmem:$0xD000] =	vst v63  }
0x59: {  	_ =	swait.ge [sflag:s23], $0x4000  }
0x5a: {  	[sflag:s23] =	ssyncset.done $0x0  }
0x5b: {  	[sflag:s23] =	ssyncadd.s32 $0xFFFFC000  }
0x5c: {  	[tilespmem:s22], [sflag:$0x1] =	stream.linear.gather [spmem:s18], $0x4000, $0x38;
	[tilespmem:$0xD000] =	vst v63  }
0x5d: {  	_ =	swait.ge [sflag:s23], $0x4000  }
0x5e: {  	[sflag:s23] =	ssyncset.done $0x0  }
0x5f: {  	[sflag:s23] =	ssyncadd.s32 $0xFFFFC000  }
0x60: {  	[hbm4b:s19+s2] =	stream.linear.scatter [tilespmem:s22], [sflag:$0x1], $0x4000, $0x38;
	[tilespmem:$0xD000] =	vst v63  }
0x61: {  	_ =	swait.ge [sflag:s23], $0x4000  }
0x62: {  	[sflag:s23] =	ssyncset.done $0x0  }
0x63: {  	[sflag:s23] =	ssyncadd.s32 $0xFFFFC000  }
0x64: {  	[tilespmem:s22], [sflag:$0x1] =	stream.linear.gather [spmem:s20], $0x4000, $0x38;
	[tilespmem:$0xD000] =	vst v63  }
0x65: {  	s26 =	sadd.s32 $0x1, s26;
	_ =	swait.ge [sflag:s23], $0x4000  }
0x66: {  	p0 =	sne.s32 s26, s8;
	[sflag:s23] =	ssyncset.done $0x0  }
.Ltmp1:
0x67: {  	[sflag:s23] =	ssyncadd.s32 $0xFFFFC000;
	(pc) =	sbr.rel @p0 .LBB2_1-.Ltmp1, $4  }
0x68: {  	[hbm4b:s21+s2] =	stream.linear.scatter [tilespmem:s22], [sflag:$0x1], $0x4000, $0x38;
	[tilespmem:$0xD000] =	vst v63  }
0x69: {  	_ =	swait.ge [sflag:s23], $0x4000  }
0x6a: {  	[sflag:s23] =	ssyncset.done $0x0  }
0x6b: {  	[sflag:s23] =	ssyncadd.s32 $0xFFFFC000  }
0x6c: {  	_ =	sfence.sel $0x180000  }
0x6d: {  	[bflag:$0x0] =	sbarrier.arrive $0xFFFF  }
0x6e: {  	p0 =	sne.s32 s3, $0x0;
	_ =	strace $0x90000047  }
0x6f: {  	s0 =	sadd.s32 @!p0 $0x100000, s0;
	[bflag:$0x2] =	sbarrier.arrive $0xFFFF  }
0x70: {  	[sflag:s0] =	ssyncadd.tile.s32 @!p0 $0x1;
	_ =	shalt  }
.Lfunc_end2:
_tile_overlayer_lowered:
.L_overlay_start_2:
0x71: {  	(tag) =	ssettag $0x2  }
0x72: {  	s0 =	rddreg [dreg:$0x0];
	s2 =	stileid.u32  }
0x73: {  	s1 =	rddreg [dreg:$0x1];
	p0 =	sne.s32 s2, $0x0  }
0x74: {  	s3 =	rddreg [dreg:$0x2];
	[bflag:$0x3] =	sbarrier.arrive $0xFFFF;
	s2 =	simm.s32 @!p0 $0x1C01  }
0x75: {  	[timem:s3], [sflag:s2] =	dma.local @!p0 [hbm:s0], s1  }
0x76: {  	s0 =	simm.s32 @!p0 $0x1  }
0x77: {  	_ =	swait.ge @!p0 [sflag:s0], s1  }
0x78: {  	s1 =	ssub.s32 @!p0 $0x0, s1;
	[sflag:s0] =	ssyncset.done @!p0 $0x0  }
0x79: {  	[sflag:s0] =	ssyncadd.s32 @!p0 s1  }
0x7a: {  	[bflag:$0x3] =	sbarrier.arrive $0xFFFF  }
0x7b: {  	_ =	shalt  }

</sc_bundles>
